<compile_context>
chip_gen: v7x
topology: tpu7x:2x2x1
jax: 0.10.2.dev20260603
libtpu: 0.0.44.dev20260713+nightly
codegen_flags: <defaults>
</compile_context>

<pallas_src>
import jax
import jax.numpy as jnp
from jax import lax
from jax.experimental import pallas as pl
from jax.experimental.pallas import tpu as pltpu
from jax.experimental.pallas import tpu_sc as plsc

N = 10000
E = 160000
F = 256
HALF = 128
NC = 2
NS = 16
NW = NC * NS

NP = 10240
EP = 163840
SLOT = 80
EROWS = EP // SLOT
RPT = EROWS // NS
ZPT = NP // NS
DPT = NP // NW
NB = 4
CH = RPT // 8

BN = 1024
NBLK = NP // BN
BNO = 1000
NBLKO = N // BNO

_mesh = plsc.VectorSubcoreMesh(core_axis_name="c", subcore_axis_name="s")


def _deg_dinv_body(dst2d, zeros1d, ones_h, dinv_out, acc, idxb, onesb, degb,
                   dinvb, hsem):
    c = lax.axis_index("c")
    s = lax.axis_index("s")
    wid = c * NS + s

    pltpu.sync_copy(zeros1d, acc.at[pl.ds(s * ZPT, ZPT)])
    pltpu.sync_copy(ones_h, onesb)
    pltpu.sync_copy(dst2d.at[pl.ds(s * RPT, RPT)], idxb)
    plsc.subcore_barrier()

    @pl.loop(0, RPT, step=16)
    def _(g0):
        for u in range(16):
            pltpu.async_copy(onesb, acc.at[idxb.at[g0 + u]], hsem, add=True)
        for u in range(16):
            pltpu.make_async_copy(onesb, acc.at[pl.ds(0, SLOT)], hsem).wait()

    plsc.subcore_barrier()

    pltpu.sync_copy(acc.at[pl.ds(wid * DPT, DPT)], degb)

    @pl.loop(0, DPT // 16)
    def _(j):
        d = jnp.maximum(degb[pl.ds(j * 16, 16)], 1.0)
        i = lax.bitcast_convert_type(d, jnp.int32)
        y = lax.bitcast_convert_type(jnp.int32(0x5F3759DF) - (i >> 1), jnp.float32)
        y = y * (1.5 - 0.5 * d * y * y)
        y = y * (1.5 - 0.5 * d * y * y)
        y = y * (1.5 - 0.5 * d * y * y)
        dinvb[pl.ds(j * 16, 16)] = y

    pltpu.sync_copy(dinvb, dinv_out.at[pl.ds(wid * DPT, DPT)])


_deg_dinv = pl.kernel(
    _deg_dinv_body,
    out_type=jax.ShapeDtypeStruct((NP,), jnp.float32),
    mesh=_mesh,
    scratch_types=[
        pltpu.VMEM_SHARED((NP,), jnp.float32),
        pltpu.VMEM((RPT, SLOT), jnp.int32),
        pltpu.VMEM((SLOT,), jnp.float32),
        pltpu.VMEM((DPT,), jnp.float32),
        pltpu.VMEM((DPT,), jnp.float32),
        pltpu.SemaphoreType.DMA,
    ],
)


def _agg_body(S, src2d, dst2d, zeros2d, out_lo, out_hi, acc, srcb, dstb,
              rb0, rb1, rb2, rb3, gsem, ssem):
    c = lax.axis_index("c")
    s = lax.axis_index("s")
    bufs = [rb0, rb1, rb2, rb3]

    def wait_scatter(b):
        pltpu.make_async_copy(bufs[b], acc.at[pl.ds(0, SLOT)], ssem).wait()

    pltpu.sync_copy(zeros2d, acc.at[pl.ds(s * ZPT, ZPT)])

    off = c * NP

    plsc.subcore_barrier()

    @pl.loop(0, RPT // CH)
    def _(ch):
        base = s * RPT + ch * CH
        pltpu.sync_copy(src2d.at[pl.ds(base, CH)], srcb)
        pltpu.sync_copy(dst2d.at[pl.ds(base, CH)], dstb)

        @pl.loop(0, CH)
        def _(i):
            for j in range(SLOT // 16):
                srcb[i, pl.ds(j * 16, 16)] = srcb[i, pl.ds(j * 16, 16)] + off

        pltpu.async_copy(S.at[srcb.at[0]], bufs[0], gsem)
        pltpu.async_copy(S.at[srcb.at[1]], bufs[1], gsem)

        @pl.loop(0, CH // NB)
        def _(t):
            for b in range(NB):
                r = t * NB + b
                pltpu.make_async_copy(S.at[srcb.at[r]], bufs[b], gsem).wait()
                pltpu.async_copy(bufs[b], acc.at[dstb.at[r]], ssem, add=True)

                @pl.when(r >= 2)
                def _():
                    wait_scatter((b + 2) % NB)

                @pl.when(r + 2 < CH)
                def _():
                    pltpu.async_copy(
                        S.at[srcb.at[r + 2]], bufs[(b + 2) % NB], gsem
                    )

        wait_scatter(NB - 2)
        wait_scatter(NB - 1)

    plsc.subcore_barrier()

    @pl.when(c == 0)
    def _():
        pltpu.sync_copy(acc.at[pl.ds(s * ZPT, ZPT)], out_lo.at[pl.ds(s * ZPT, ZPT)])

    @pl.when(c == 1)
    def _():
        pltpu.sync_copy(acc.at[pl.ds(s * ZPT, ZPT)], out_hi.at[pl.ds(s * ZPT, ZPT)])


_agg = pl.kernel(
    _agg_body,
    out_type=(
        jax.ShapeDtypeStruct((NP, HALF), jnp.float32),
        jax.ShapeDtypeStruct((NP, HALF), jnp.float32),
    ),
    mesh=_mesh,
    scratch_types=[
        pltpu.VMEM_SHARED((NP, HALF), jnp.float32),
        pltpu.VMEM((CH, SLOT), jnp.int32),
        pltpu.VMEM((CH, SLOT), jnp.int32),
        pltpu.VMEM((SLOT, HALF), jnp.float32),
        pltpu.VMEM((SLOT, HALF), jnp.float32),
        pltpu.VMEM((SLOT, HALF), jnp.float32),
        pltpu.VMEM((SLOT, HALF), jnp.float32),
        pltpu.SemaphoreType.DMA,
        pltpu.SemaphoreType.DMA,
    ],
)


def _tc1_body(x_ref, w_ref, dinv_ref, o_ref):
    o_ref[...] = (
        jnp.dot(
            x_ref[...].astype(jnp.bfloat16),
            w_ref[...],
            preferred_element_type=jnp.float32,
        )
        * dinv_ref[...]
    )


_tc1 = pl.pallas_call(
    _tc1_body,
    grid=(NBLK, 2),
    in_specs=[
        pl.BlockSpec((BN, F), lambda n, h: (n, 0)),
        pl.BlockSpec((F, HALF), lambda n, h: (0, h)),
        pl.BlockSpec((BN, 1), lambda n, h: (n, 0)),
    ],
    out_specs=pl.BlockSpec((BN, HALF), lambda n, h: (h * NBLK + n, 0)),
    out_shape=jax.ShapeDtypeStruct((2 * NP, HALF), jnp.float32),
)


def _tc2_body(alo_ref, ahi_ref, dinv_ref, b1_ref, w2_ref, o_ref):
    a = jnp.concatenate([alo_ref[...], ahi_ref[...]], axis=1)
    hid = jnp.maximum(a * dinv_ref[...] + b1_ref[...], 0.0)
    o_ref[...] = (
        jnp.dot(
            hid.astype(jnp.bfloat16),
            w2_ref[...],
            preferred_element_type=jnp.float32,
        )
        * dinv_ref[...]
    )


_tc2 = pl.pallas_call(
    _tc2_body,
    grid=(NBLK, 2),
    in_specs=[
        pl.BlockSpec((BN, HALF), lambda n, h: (n, 0)),
        pl.BlockSpec((BN, HALF), lambda n, h: (n, 0)),
        pl.BlockSpec((BN, 1), lambda n, h: (n, 0)),
        pl.BlockSpec((1, F), lambda n, h: (0, 0)),
        pl.BlockSpec((F, HALF), lambda n, h: (0, h)),
    ],
    out_specs=pl.BlockSpec((BN, HALF), lambda n, h: (h * NBLK + n, 0)),
    out_shape=jax.ShapeDtypeStruct((2 * NP, HALF), jnp.float32),
)


def _tc3_body(alo_ref, ahi_ref, dinv_ref, b2_ref, o_ref):
    a = jnp.concatenate([alo_ref[...], ahi_ref[...]], axis=1)
    o_ref[...] = a * dinv_ref[...] + b2_ref[...]


_tc3 = pl.pallas_call(
    _tc3_body,
    grid=(NBLKO,),
    in_specs=[
        pl.BlockSpec((BNO, HALF), lambda n: (n, 0)),
        pl.BlockSpec((BNO, HALF), lambda n: (n, 0)),
        pl.BlockSpec((BNO, 1), lambda n: (n, 0)),
        pl.BlockSpec((1, F), lambda n: (0, 0)),
    ],
    out_specs=pl.BlockSpec((BNO, F), lambda n: (n, 0)),
    out_shape=jax.ShapeDtypeStruct((N, F), jnp.float32),
)


def kernel(x, edge_index, W1, b1, W2, b2):
    src = edge_index[0]
    dst = edge_index[1]

    npad = EP - E
    padi = jnp.arange(npad, dtype=jnp.int32)
    src_p = jnp.concatenate([src, padi % N]).reshape(EROWS, SLOT)
    dst_p = jnp.concatenate([dst, N + padi % (NP - N)]).reshape(EROWS, SLOT)

    zeros1d = jnp.zeros((ZPT,), jnp.float32)
    zeros2d = jnp.zeros((ZPT, HALF), jnp.float32)
    ones_h = jnp.ones((SLOT,), jnp.float32)

    dinv_pad = _deg_dinv(dst_p, zeros1d, ones_h)
    dinv2d = dinv_pad.reshape(NP, 1)

    s1 = _tc1(x, W1.astype(jnp.bfloat16), dinv2d)
    a1_lo, a1_hi = _agg(s1, src_p, dst_p, zeros2d)
    s2 = _tc2(a1_lo, a1_hi, dinv2d, b1.reshape(1, F), W2.astype(jnp.bfloat16))
    a2_lo, a2_hi = _agg(s2, src_p, dst_p, zeros2d)
    return _tc3(a2_lo, a2_hi, dinv2d, b2.reshape(1, F))

# --- scband reference (transcript-rebuilt; emitter-appended) ---
"""Pipeline reference for scband-gcn-64965675320011 (READ-ONLY COPY).

The authoritative reference and input builder live on the scoring server;
editing this copy changes nothing except your own understanding.
"""

import jax, jax.numpy as jnp
import numpy as np

N = 10000
E = 160000
F_IN = 256
H = 256


def setup_inputs(seed: int = 0) -> dict:
    key = jax.random.key(seed)
    ks = jax.random.split(key, 6)
    x = jax.random.normal(ks[0], (N, F_IN), dtype=jnp.float32)
    edge_index = jax.random.randint(ks[1], (2, E), 0, N, dtype=jnp.int32)
    s1 = 1.0 / np.sqrt(F_IN)
    s2 = 1.0 / np.sqrt(H)
    W1 = jax.random.uniform(ks[2], (F_IN, H), dtype=jnp.float32, minval=-s1, maxval=s1)
    b1 = jax.random.uniform(ks[3], (H,), dtype=jnp.float32, minval=-s1, maxval=s1)
    W2 = jax.random.uniform(ks[4], (H, H), dtype=jnp.float32, minval=-s2, maxval=s2)
    b2 = jax.random.uniform(ks[5], (H,), dtype=jnp.float32, minval=-s2, maxval=s2)
    return {"x": x, "edge_index": edge_index, "W1": W1, "b1": b1, "W2": W2, "b2": b2}


def _gcn_layer(h, edge_index, W, b):
    # GraphConvolution: support = h @ W; out = D^{-1/2} A D^{-1/2} support + b
    src = edge_index[0]
    dst = edge_index[1]
    support = h @ W
    deg = jnp.zeros((N,), dtype=jnp.float32).at[dst].add(1.0)
    deg = jnp.maximum(deg, 1.0)
    dinv = jax.lax.rsqrt(deg)
    norm = dinv[src] * dinv[dst]
    msgs = jnp.take(support, src, axis=0) * norm[:, None]
    out = jnp.zeros((N, W.shape[1]), dtype=jnp.float32).at[dst].add(msgs)
    return out + b


def reference(x, edge_index, W1, b1, W2, b2):
    # forward(x, edge_index): relu(gc1) -> dropout (identity in eval) -> gc2 -> dropout (identity in eval)
    h = jax.nn.relu(_gcn_layer(x, edge_index, W1, b1))
    out = _gcn_layer(h, edge_index, W2, b2)
    return out

if __name__ == "__main__":
    import jax
    _d = setup_inputs()
    print(jax.jit(kernel)(*tuple(_d.values())))

</pallas_src>

<mosaic_0001>
#map = affine_map<(d0, d1) -> (0, 0)>
#map1 = affine_map<(d0, d1) -> (0)>
module attributes {stable_mosaic.version = 14 : i64} {
  func.func @_deg_dinv_body(%arg0: i32, %arg1: i32, %arg2: memref<2048x80xi32, #tpu.memory_space<hbm>>, %arg3: memref<640xf32, #tpu.memory_space<hbm>>, %arg4: memref<80xf32, #tpu.memory_space<hbm>>, %arg5: memref<10240xf32, #tpu.memory_space<hbm>>, %arg6: memref<10240xf32, #tpu.memory_space<vmem_shared>>, %arg7: memref<128x80xi32, #tpu.memory_space<vmem>>, %arg8: memref<80xf32, #tpu.memory_space<vmem>>, %arg9: memref<320xf32, #tpu.memory_space<vmem>>, %arg10: memref<320xf32, #tpu.memory_space<vmem>>, %arg11: memref<!tpu.dma_semaphore, #tpu.memory_space<semaphore_mem>>) attributes {dimension_semantics = [#tpu.dimension_semantics<core_parallel>, #tpu.dimension_semantics<subcore_parallel>], iteration_bounds = array<i64: 2, 16>, scalar_prefetch = 0 : i64, scratch_operands = 6 : i64, tpu.core_type = #tpu.core_type<sc_vector_subcore>, window_params = [{transform_indices = #map}, {transform_indices = #map1}, {transform_indices = #map1}, {transform_indices = #map1}]} {
    %mul3A = arith.constant 16 : i32
    %mul3A_0 = arith.muli %arg0, %mul3A : i32
    %add3A = arith.addi %mul3A_0, %arg1 : i32
    %mul3A_1 = arith.constant 640 : i32
    %mul3A_2 = arith.muli %arg1, %mul3A_1 : i32
    "tpu.region"() ({
      %run_scoped3A = tpu.sem_alloc : memref<!tpu.dma_semaphore, #tpu.memory_space<semaphore_mem>>
      %dma_start3A = tpu.memref_slice %arg6[%mul3A_2] : memref<10240xf32, #tpu.memory_space<vmem_shared>> -> memref<640xf32, #tpu.memory_space<vmem_shared>>
      tpu.enqueue_dma source(%arg3 : memref<640xf32, #tpu.memory_space<hbm>>) target(%dma_start3A : memref<640xf32, #tpu.memory_space<vmem_shared>>) target_semaphore(%run_scoped3A : memref<!tpu.dma_semaphore, #tpu.memory_space<semaphore_mem>>)
      %dma_wait3A = tpu.memref_slice %arg6[%mul3A_2] : memref<10240xf32, #tpu.memory_space<vmem_shared>> -> memref<640xf32, #tpu.memory_space<vmem_shared>>
      tpu.wait_dma2 semaphore(%run_scoped3A : memref<!tpu.dma_semaphore, #tpu.memory_space<semaphore_mem>>) src(%arg3 : memref<640xf32, #tpu.memory_space<hbm>>) dst(%dma_wait3A : memref<640xf32, #tpu.memory_space<vmem_shared>>)
      tpu.yield
    }) : () -> ()
    "tpu.region"() ({
      %run_scoped3A = tpu.sem_alloc : memref<!tpu.dma_semaphore, #tpu.memory_space<semaphore_mem>>
      tpu.enqueue_dma source(%arg4 : memref<80xf32, #tpu.memory_space<hbm>>) target(%arg8 : memref<80xf32, #tpu.memory_space<vmem>>) target_semaphore(%run_scoped3A : memref<!tpu.dma_semaphore, #tpu.memory_space<semaphore_mem>>)
      tpu.wait_dma2 semaphore(%run_scoped3A : memref<!tpu.dma_semaphore, #tpu.memory_space<semaphore_mem>>) src(%arg4 : memref<80xf32, #tpu.memory_space<hbm>>) dst(%arg8 : memref<80xf32, #tpu.memory_space<vmem>>)
      tpu.yield
    }) : () -> ()
    %mul3A_3 = arith.constant 128 : i32
    %mul3A_4 = arith.muli %arg1, %mul3A_3 : i32
    "tpu.region"() ({
      %run_scoped3A = tpu.sem_alloc : memref<!tpu.dma_semaphore, #tpu.memory_space<semaphore_mem>>
      %dma_start3A = arith.constant 0 : i32
      %dma_start3A_19 = tpu.memref_slice %arg2[%mul3A_4, %dma_start3A] : memref<2048x80xi32, #tpu.memory_space<hbm>> -> memref<128x80xi32, #tpu.memory_space<hbm>>
      %dma_start3A_20 = arith.constant 0 : i32
      %dma_start3A_21 = tpu.memref_slice %arg2[%mul3A_4, %dma_start3A_20] : memref<2048x80xi32, #tpu.memory_space<hbm>> -> memref<128x80xi32, #tpu.memory_space<hbm>>
      tpu.enqueue_dma source(%dma_start3A_21 : memref<128x80xi32, #tpu.memory_space<hbm>>) target(%arg7 : memref<128x80xi32, #tpu.memory_space<vmem>>) target_semaphore(%run_scoped3A : memref<!tpu.dma_semaphore, #tpu.memory_space<semaphore_mem>>)
      %dma_wait3A = arith.constant 0 : i32
      %dma_wait3A_22 = tpu.memref_slice %arg2[%mul3A_4, %dma_wait3A] : memref<2048x80xi32, #tpu.memory_space<hbm>> -> memref<128x80xi32, #tpu.memory_space<hbm>>
      %dma_wait3A_23 = arith.constant 0 : i32
      %dma_wait3A_24 = tpu.memref_slice %arg2[%mul3A_4, %dma_wait3A_23] : memref<2048x80xi32, #tpu.memory_space<hbm>> -> memref<128x80xi32, #tpu.memory_space<hbm>>
      tpu.wait_dma2 semaphore(%run_scoped3A : memref<!tpu.dma_semaphore, #tpu.memory_space<semaphore_mem>>) src(%dma_wait3A_24 : memref<128x80xi32, #tpu.memory_space<hbm>>) dst(%arg7 : memref<128x80xi32, #tpu.memory_space<vmem>>)
      tpu.yield
    }) : () -> ()
    %barrier3A = arith.constant 0 : index
    tpu.barrier barrier_id(%barrier3A)
    %scan3A = arith.constant 0 : i32
    %scan3A_5 = arith.constant 8 : i32
    %scan3A_6 = arith.addi %scan3A, %scan3A_5 : i32
    %scan3A_7 = arith.constant 1 : i32
    scf.for %scan3A_19 = %scan3A to %scan3A_6 step %scan3A_7  : i32 {
      %mul3A_20 = arith.constant 16 : i32
      %mul3A_21 = arith.muli %scan3A_19, %mul3A_20 : i32
      %add3A_22 = arith.constant 0 : i32
      %add3A_23 = arith.addi %add3A_22, %mul3A_21 : i32
      %add3A_24 = arith.constant 0 : i32
      %add3A_25 = arith.addi %add3A_23, %add3A_24 : i32
      %dma_start3A = arith.constant 0 : i32
      %dma_start3A_26 = tpu.memref_slice %arg7[%add3A_25, %dma_start3A] : memref<128x80xi32, #tpu.memory_space<vmem>> -> memref<1x80xi32, #tpu.memory_space<vmem>>
      %dma_start3A_27 = tpu.memref_squeeze %dma_start3A_26 : memref<1x80xi32, #tpu.memory_space<vmem>> -> memref<80xi32, #tpu.memory_space<vmem>>
      %dma_start3A_28 = arith.constant 0 : i32
      %dma_start3A_29 = tpu.memref_slice %arg6[%dma_start3A_28] : memref<10240xf32, #tpu.memory_space<vmem_shared>> -> memref<10240xf32, #tpu.memory_space<vmem_shared>>
      tpu.enqueue_indirect_dma source(%arg8 : memref<80xf32, #tpu.memory_space<vmem>>) target(%dma_start3A_29 : memref<10240xf32, #tpu.memory_space<vmem_shared>>) offsets(%dma_start3A_27 : memref<80xi32, #tpu.memory_space<vmem>>) semaphore(%arg11 : memref<!tpu.dma_semaphore, #tpu.memory_space<semaphore_mem>>) {add = true}
      %add3A_30 = arith.constant 1 : i32
      %add3A_31 = arith.addi %add3A_23, %add3A_30 : i32
      %dma_start3A_32 = arith.constant 0 : i32
      %dma_start3A_33 = tpu.memref_slice %arg7[%add3A_31, %dma_start3A_32] : memref<128x80xi32, #tpu.memory_space<vmem>> -> memref<1x80xi32, #tpu.memory_space<vmem>>
      %dma_start3A_34 = tpu.memref_squeeze %dma_start3A_33 : memref<1x80xi32, #tpu.memory_space<vmem>> -> memref<80xi32, #tpu.memory_space<vmem>>
      %dma_start3A_35 = arith.constant 0 : i32
      %dma_start3A_36 = tpu.memref_slice %arg6[%dma_start3A_35] : memref<10240xf32, #tpu.memory_space<vmem_shared>> -> memref<10240xf32, #tpu.memory_space<vmem_shared>>
      tpu.enqueue_indirect_dma source(%arg8 : memref<80xf32, #tpu.memory_space<vmem>>) target(%dma_start3A_36 : memref<10240xf32, #tpu.memory_space<vmem_shared>>) offsets(%dma_start3A_34 : memref<80xi32, #tpu.memory_space<vmem>>) semaphore(%arg11 : memref<!tpu.dma_semaphore, #tpu.memory_space<semaphore_mem>>) {add = true}
      %add3A_37 = arith.constant 2 : i32
      %add3A_38 = arith.addi %add3A_23, %add3A_37 : i32
      %dma_start3A_39 = arith.constant 0 : i32
      %dma_start3A_40 = tpu.memref_slice %arg7[%add3A_38, %dma_start3A_39] : memref<128x80xi32, #tpu.memory_space<vmem>> -> memref<1x80xi32, #tpu.memory_space<vmem>>
      %dma_start3A_41 = tpu.memref_squeeze %dma_start3A_40 : memref<1x80xi32, #tpu.memory_space<vmem>> -> memref<80xi32, #tpu.memory_space<vmem>>
      %dma_start3A_42 = arith.constant 0 : i32
      %dma_start3A_43 = tpu.memref_slice %arg6[%dma_start3A_42] : memref<10240xf32, #tpu.memory_space<vmem_shared>> -> memref<10240xf32, #tpu.memory_space<vmem_shared>>
      tpu.enqueue_indirect_dma source(%arg8 : memref<80xf32, #tpu.memory_space<vmem>>) target(%dma_start3A_43 : memref<10240xf32, #tpu.memory_space<vmem_shared>>) offsets(%dma_start3A_41 : memref<80xi32, #tpu.memory_space<vmem>>) semaphore(%arg11 : memref<!tpu.dma_semaphore, #tpu.memory_space<semaphore_mem>>) {add = true}
      %add3A_44 = arith.constant 3 : i32
      %add3A_45 = arith.addi %add3A_23, %add3A_44 : i32
      %dma_start3A_46 = arith.constant 0 : i32
      %dma_start3A_47 = tpu.memref_slice %arg7[%add3A_45, %dma_start3A_46] : memref<128x80xi32, #tpu.memory_space<vmem>> -> memref<1x80xi32, #tpu.memory_space<vmem>>
      %dma_start3A_48 = tpu.memref_squeeze %dma_start3A_47 : memref<1x80xi32, #tpu.memory_space<vmem>> -> memref<80xi32, #tpu.memory_space<vmem>>
      %dma_start3A_49 = arith.constant 0 : i32
      %dma_start3A_50 = tpu.memref_slice %arg6[%dma_start3A_49] : memref<10240xf32, #tpu.memory_space<vmem_shared>> -> memref<10240xf32, #tpu.memory_space<vmem_shared>>
      tpu.enqueue_indirect_dma source(%arg8 : memref<80xf32, #tpu.memory_space<vmem>>) target(%dma_start3A_50 : memref<10240xf32, #tpu.memory_space<vmem_shared>>) offsets(%dma_start3A_48 : memref<80xi32, #tpu.memory_space<vmem>>) semaphore(%arg11 : memref<!tpu.dma_semaphore, #tpu.memory_space<semaphore_mem>>) {add = true}
      %add3A_51 = arith.constant 4 : i32
      %add3A_52 = arith.addi %add3A_23, %add3A_51 : i32
      %dma_start3A_53 = arith.constant 0 : i32
      %dma_start3A_54 = tpu.memref_slice %arg7[%add3A_52, %dma_start3A_53] : memref<128x80xi32, #tpu.memory_space<vmem>> -> memref<1x80xi32, #tpu.memory_space<vmem>>
      %dma_start3A_55 = tpu.memref_squeeze %dma_start3A_54 : memref<1x80xi32, #tpu.memory_space<vmem>> -> memref<80xi32, #tpu.memory_space<vmem>>
      %dma_start3A_56 = arith.constant 0 : i32
      %dma_start3A_57 = tpu.memref_slice %arg6[%dma_start3A_56] : memref<10240xf32, #tpu.memory_space<vmem_shared>> -> memref<10240xf32, #tpu.memory_space<vmem_shared>>
      tpu.enqueue_indirect_dma source(%arg8 : memref<80xf32, #tpu.memory_space<vmem>>) target(%dma_start3A_57 : memref<10240xf32, #tpu.memory_space<vmem_shared>>) offsets(%dma_start3A_55 : memref<80xi32, #tpu.memory_space<vmem>>) semaphore(%arg11 : memref<!tpu.dma_semaphore, #tpu.memory_space<semaphore_mem>>) {add = true}
      %add3A_58 = arith.constant 5 : i32
      %add3A_59 = arith.addi %add3A_23, %add3A_58 : i32
      %dma_start3A_60 = arith.constant 0 : i32
      %dma_start3A_61 = tpu.memref_slice %arg7[%add3A_59, %dma_start3A_60] : memref<128x80xi32, #tpu.memory_space<vmem>> -> memref<1x80xi32, #tpu.memory_space<vmem>>
      %dma_start3A_62 = tpu.memref_squeeze %dma_start3A_61 : memref<1x80xi32, #tpu.memory_space<vmem>> -> memref<80xi32, #tpu.memory_space<vmem>>
      %dma_start3A_63 = arith.constant 0 : i32
      %dma_start3A_64 = tpu.memref_slice %arg6[%dma_start3A_63] : memref<10240xf32, #tpu.memory_space<vmem_shared>> -> memref<10240xf32, #tpu.memory_space<vmem_shared>>
      tpu.enqueue_indirect_dma source(%arg8 : memref<80xf32, #tpu.memory_space<vmem>>) target(%dma_start3A_64 : memref<10240xf32, #tpu.memory_space<vmem_shared>>) offsets(%dma_start3A_62 : memref<80xi32, #tpu.memory_space<vmem>>) semaphore(%arg11 : memref<!tpu.dma_semaphore, #tpu.memory_space<semaphore_mem>>) {add = true}
      %add3A_65 = arith.constant 6 : i32
      %add3A_66 = arith.addi %add3A_23, %add3A_65 : i32
      %dma_start3A_67 = arith.constant 0 : i32
      %dma_start3A_68 = tpu.memref_slice %arg7[%add3A_66, %dma_start3A_67] : memref<128x80xi32, #tpu.memory_space<vmem>> -> memref<1x80xi32, #tpu.memory_space<vmem>>
      %dma_start3A_69 = tpu.memref_squeeze %dma_start3A_68 : memref<1x80xi32, #tpu.memory_space<vmem>> -> memref<80xi32, #tpu.memory_space<vmem>>
      %dma_start3A_70 = arith.constant 0 : i32
      %dma_start3A_71 = tpu.memref_slice %arg6[%dma_start3A_70] : memref<10240xf32, #tpu.memory_space<vmem_shared>> -> memref<10240xf32, #tpu.memory_space<vmem_shared>>
      tpu.enqueue_indirect_dma source(%arg8 : memref<80xf32, #tpu.memory_space<vmem>>) target(%dma_start3A_71 : memref<10240xf32, #tpu.memory_space<vmem_shared>>) offsets(%dma_start3A_69 : memref<80xi32, #tpu.memory_space<vmem>>) semaphore(%arg11 : memref<!tpu.dma_semaphore, #tpu.memory_space<semaphore_mem>>) {add = true}
      %add3A_72 = arith.constant 7 : i32
      %add3A_73 = arith.addi %add3A_23, %add3A_72 : i32
      %dma_start3A_74 = arith.constant 0 : i32
      %dma_start3A_75 = tpu.memref_slice %arg7[%add3A_73, %dma_start3A_74] : memref<128x80xi32, #tpu.memory_space<vmem>> -> memref<1x80xi32, #tpu.memory_space<vmem>>
      %dma_start3A_76 = tpu.memref_squeeze %dma_start3A_75 : memref<1x80xi32, #tpu.memory_space<vmem>> -> memref<80xi32, #tpu.memory_space<vmem>>
      %dma_start3A_77 = arith.constant 0 : i32
      %dma_start3A_78 = tpu.memref_slice %arg6[%dma_start3A_77] : memref<10240xf32, #tpu.memory_space<vmem_shared>> -> memref<10240xf32, #tpu.memory_space<vmem_shared>>
      tpu.enqueue_indirect_dma source(%arg8 : memref<80xf32, #tpu.memory_space<vmem>>) target(%dma_start3A_78 : memref<10240xf32, #tpu.memory_space<vmem_shared>>) offsets(%dma_start3A_76 : memref<80xi32, #tpu.memory_space<vmem>>) semaphore(%arg11 : memref<!tpu.dma_semaphore, #tpu.memory_space<semaphore_mem>>) {add = true}
      %add3A_79 = arith.constant 8 : i32
      %add3A_80 = arith.addi %add3A_23, %add3A_79 : i32
      %dma_start3A_81 = arith.constant 0 : i32
      %dma_start3A_82 = tpu.memref_slice %arg7[%add3A_80, %dma_start3A_81] : memref<128x80xi32, #tpu.memory_space<vmem>> -> memref<1x80xi32, #tpu.memory_space<vmem>>
      %dma_start3A_83 = tpu.memref_squeeze %dma_start3A_82 : memref<1x80xi32, #tpu.memory_space<vmem>> -> memref<80xi32, #tpu.memory_space<vmem>>
      %dma_start3A_84 = arith.constant 0 : i32
      %dma_start3A_85 = tpu.memref_slice %arg6[%dma_start3A_84] : memref<10240xf32, #tpu.memory_space<vmem_shared>> -> memref<10240xf32, #tpu.memory_space<vmem_shared>>
      tpu.enqueue_indirect_dma source(%arg8 : memref<80xf32, #tpu.memory_space<vmem>>) target(%dma_start3A_85 : memref<10240xf32, #tpu.memory_space<vmem_shared>>) offsets(%dma_start3A_83 : memref<80xi32, #tpu.memory_space<vmem>>) semaphore(%arg11 : memref<!tpu.dma_semaphore, #tpu.memory_space<semaphore_mem>>) {add = true}
      %add3A_86 = arith.constant 9 : i32
      %add3A_87 = arith.addi %add3A_23, %add3A_86 : i32
      %dma_start3A_88 = arith.constant 0 : i32
      %dma_start3A_89 = tpu.memref_slice %arg7[%add3A_87, %dma_start3A_88] : memref<128x80xi32, #tpu.memory_space<vmem>> -> memref<1x80xi32, #tpu.memory_space<vmem>>
      %dma_start3A_90 = tpu.memref_squeeze %dma_start3A_89 : memref<1x80xi32, #tpu.memory_space<vmem>> -> memref<80xi32, #tpu.memory_space<vmem>>
      %dma_start3A_91 = arith.constant 0 : i32
      %dma_start3A_92 = tpu.memref_slice %arg6[%dma_start3A_91] : memref<10240xf32, #tpu.memory_space<vmem_shared>> -> memref<10240xf32, #tpu.memory_space<vmem_shared>>
      tpu.enqueue_indirect_dma source(%arg8 : memref<80xf32, #tpu.memory_space<vmem>>) target(%dma_start3A_92 : memref<10240xf32, #tpu.memory_space<vmem_shared>>) offsets(%dma_start3A_90 : memref<80xi32, #tpu.memory_space<vmem>>) semaphore(%arg11 : memref<!tpu.dma_semaphore, #tpu.memory_space<semaphore_mem>>) {add = true}
      %add3A_93 = arith.constant 10 : i32
      %add3A_94 = arith.addi %add3A_23, %add3A_93 : i32
      %dma_start3A_95 = arith.constant 0 : i32
      %dma_start3A_96 = tpu.memref_slice %arg7[%add3A_94, %dma_start3A_95] : memref<128x80xi32, #tpu.memory_space<vmem>> -> memref<1x80xi32, #tpu.memory_space<vmem>>
      %dma_start3A_97 = tpu.memref_squeeze %dma_start3A_96 : memref<1x80xi32, #tpu.memory_space<vmem>> -> memref<80xi32, #tpu.memory_space<vmem>>
      %dma_start3A_98 = arith.constant 0 : i32
      %dma_start3A_99 = tpu.memref_slice %arg6[%dma_start3A_98] : memref<10240xf32, #tpu.memory_space<vmem_shared>> -> memref<10240xf32, #tpu.memory_space<vmem_shared>>
      tpu.enqueue_indirect_dma source(%arg8 : memref<80xf32, #tpu.memory_space<vmem>>) target(%dma_start3A_99 : memref<10240xf32, #tpu.memory_space<vmem_shared>>) offsets(%dma_start3A_97 : memref<80xi32, #tpu.memory_space<vmem>>) semaphore(%arg11 : memref<!tpu.dma_semaphore, #tpu.memory_space<semaphore_mem>>) {add = true}
      %add3A_100 = arith.constant 11 : i32
      %add3A_101 = arith.addi %add3A_23, %add3A_100 : i32
      %dma_start3A_102 = arith.constant 0 : i32
      %dma_start3A_103 = tpu.memref_slice %arg7[%add3A_101, %dma_start3A_102] : memref<128x80xi32, #tpu.memory_space<vmem>> -> memref<1x80xi32, #tpu.memory_space<vmem>>
      %dma_start3A_104 = tpu.memref_squeeze %dma_start3A_103 : memref<1x80xi32, #tpu.memory_space<vmem>> -> memref<80xi32, #tpu.memory_space<vmem>>
      %dma_start3A_105 = arith.constant 0 : i32
      %dma_start3A_106 = tpu.memref_slice %arg6[%dma_start3A_105] : memref<10240xf32, #tpu.memory_space<vmem_shared>> -> memref<10240xf32, #tpu.memory_space<vmem_shared>>
      tpu.enqueue_indirect_dma source(%arg8 : memref<80xf32, #tpu.memory_space<vmem>>) target(%dma_start3A_106 : memref<10240xf32, #tpu.memory_space<vmem_shared>>) offsets(%dma_start3A_104 : memref<80xi32, #tpu.memory_space<vmem>>) semaphore(%arg11 : memref<!tpu.dma_semaphore, #tpu.memory_space<semaphore_mem>>) {add = true}
      %add3A_107 = arith.constant 12 : i32
      %add3A_108 = arith.addi %add3A_23, %add3A_107 : i32
      %dma_start3A_109 = arith.constant 0 : i32
      %dma_start3A_110 = tpu.memref_slice %arg7[%add3A_108, %dma_start3A_109] : memref<128x80xi32, #tpu.memory_space<vmem>> -> memref<1x80xi32, #tpu.memory_space<vmem>>
      %dma_start3A_111 = tpu.memref_squeeze %dma_start3A_110 : memref<1x80xi32, #tpu.memory_space<vmem>> -> memref<80xi32, #tpu.memory_space<vmem>>
      %dma_start3A_112 = arith.constant 0 : i32
      %dma_start3A_113 = tpu.memref_slice %arg6[%dma_start3A_112] : memref<10240xf32, #tpu.memory_space<vmem_shared>> -> memref<10240xf32, #tpu.memory_space<vmem_shared>>
      tpu.enqueue_indirect_dma source(%arg8 : memref<80xf32, #tpu.memory_space<vmem>>) target(%dma_start3A_113 : memref<10240xf32, #tpu.memory_space<vmem_shared>>) offsets(%dma_start3A_111 : memref<80xi32, #tpu.memory_space<vmem>>) semaphore(%arg11 : memref<!tpu.dma_semaphore, #tpu.memory_space<semaphore_mem>>) {add = true}
      %add3A_114 = arith.constant 13 : i32
      %add3A_115 = arith.addi %add3A_23, %add3A_114 : i32
      %dma_start3A_116 = arith.constant 0 : i32
      %dma_start3A_117 = tpu.memref_slice %arg7[%add3A_115, %dma_start3A_116] : memref<128x80xi32, #tpu.memory_space<vmem>> -> memref<1x80xi32, #tpu.memory_space<vmem>>
      %dma_start3A_118 = tpu.memref_squeeze %dma_start3A_117 : memref<1x80xi32, #tpu.memory_space<vmem>> -> memref<80xi32, #tpu.memory_space<vmem>>
      %dma_start3A_119 = arith.constant 0 : i32
      %dma_start3A_120 = tpu.memref_slice %arg6[%dma_start3A_119] : memref<10240xf32, #tpu.memory_space<vmem_shared>> -> memref<10240xf32, #tpu.memory_space<vmem_shared>>
      tpu.enqueue_indirect_dma source(%arg8 : memref<80xf32, #tpu.memory_space<vmem>>) target(%dma_start3A_120 : memref<10240xf32, #tpu.memory_space<vmem_shared>>) offsets(%dma_start3A_118 : memref<80xi32, #tpu.memory_space<vmem>>) semaphore(%arg11 : memref<!tpu.dma_semaphore, #tpu.memory_space<semaphore_mem>>) {add = true}
      %add3A_121 = arith.constant 14 : i32
      %add3A_122 = arith.addi %add3A_23, %add3A_121 : i32
      %dma_start3A_123 = arith.constant 0 : i32
      %dma_start3A_124 = tpu.memref_slice %arg7[%add3A_122, %dma_start3A_123] : memref<128x80xi32, #tpu.memory_space<vmem>> -> memref<1x80xi32, #tpu.memory_space<vmem>>
      %dma_start3A_125 = tpu.memref_squeeze %dma_start3A_124 : memref<1x80xi32, #tpu.memory_space<vmem>> -> memref<80xi32, #tpu.memory_space<vmem>>
      %dma_start3A_126 = arith.constant 0 : i32
      %dma_start3A_127 = tpu.memref_slice %arg6[%dma_start3A_126] : memref<10240xf32, #tpu.memory_space<vmem_shared>> -> memref<10240xf32, #tpu.memory_space<vmem_shared>>
      tpu.enqueue_indirect_dma source(%arg8 : memref<80xf32, #tpu.memory_space<vmem>>) target(%dma_start3A_127 : memref<10240xf32, #tpu.memory_space<vmem_shared>>) offsets(%dma_start3A_125 : memref<80xi32, #tpu.memory_space<vmem>>) semaphore(%arg11 : memref<!tpu.dma_semaphore, #tpu.memory_space<semaphore_mem>>) {add = true}
      %add3A_128 = arith.constant 15 : i32
      %add3A_129 = arith.addi %add3A_23, %add3A_128 : i32
      %dma_start3A_130 = arith.constant 0 : i32
      %dma_start3A_131 = tpu.memref_slice %arg7[%add3A_129, %dma_start3A_130] : memref<128x80xi32, #tpu.memory_space<vmem>> -> memref<1x80xi32, #tpu.memory_space<vmem>>
      %dma_start3A_132 = tpu.memref_squeeze %dma_start3A_131 : memref<1x80xi32, #tpu.memory_space<vmem>> -> memref<80xi32, #tpu.memory_space<vmem>>
      %dma_start3A_133 = arith.constant 0 : i32
      %dma_start3A_134 = tpu.memref_slice %arg6[%dma_start3A_133] : memref<10240xf32, #tpu.memory_space<vmem_shared>> -> memref<10240xf32, #tpu.memory_space<vmem_shared>>
      tpu.enqueue_indirect_dma source(%arg8 : memref<80xf32, #tpu.memory_space<vmem>>) target(%dma_start3A_134 : memref<10240xf32, #tpu.memory_space<vmem_shared>>) offsets(%dma_start3A_132 : memref<80xi32, #tpu.memory_space<vmem>>) semaphore(%arg11 : memref<!tpu.dma_semaphore, #tpu.memory_space<semaphore_mem>>) {add = true}
      %dma_wait3A = arith.constant 0 : i32
      %dma_wait3A_135 = tpu.memref_slice %arg6[%dma_wait3A] : memref<10240xf32, #tpu.memory_space<vmem_shared>> -> memref<80xf32, #tpu.memory_space<vmem_shared>>
      %dma_wait3A_136 = arith.constant 0 : i32
      %dma_wait3A_137 = tpu.memref_slice %arg6[%dma_wait3A_136] : memref<10240xf32, #tpu.memory_space<vmem_shared>> -> memref<80xf32, #tpu.memory_space<vmem_shared>>
      tpu.wait_dma2 semaphore(%arg11 : memref<!tpu.dma_semaphore, #tpu.memory_space<semaphore_mem>>) src(%arg8 : memref<80xf32, #tpu.memory_space<vmem>>) dst(%dma_wait3A_137 : memref<80xf32, #tpu.memory_space<vmem_shared>>)
      %dma_wait3A_138 = arith.constant 0 : i32
      %dma_wait3A_139 = tpu.memref_slice %arg6[%dma_wait3A_138] : memref<10240xf32, #tpu.memory_space<vmem_shared>> -> memref<80xf32, #tpu.memory_space<vmem_shared>>
      %dma_wait3A_140 = arith.constant 0 : i32
      %dma_wait3A_141 = tpu.memref_slice %arg6[%dma_wait3A_140] : memref<10240xf32, #tpu.memory_space<vmem_shared>> -> memref<80xf32, #tpu.memory_space<vmem_shared>>
      tpu.wait_dma2 semaphore(%arg11 : memref<!tpu.dma_semaphore, #tpu.memory_space<semaphore_mem>>) src(%arg8 : memref<80xf32, #tpu.memory_space<vmem>>) dst(%dma_wait3A_141 : memref<80xf32, #tpu.memory_space<vmem_shared>>)
      %dma_wait3A_142 = arith.constant 0 : i32
      %dma_wait3A_143 = tpu.memref_slice %arg6[%dma_wait3A_142] : memref<10240xf32, #tpu.memory_space<vmem_shared>> -> memref<80xf32, #tpu.memory_space<vmem_shared>>
      %dma_wait3A_144 = arith.constant 0 : i32
      %dma_wait3A_145 = tpu.memref_slice %arg6[%dma_wait3A_144] : memref<10240xf32, #tpu.memory_space<vmem_shared>> -> memref<80xf32, #tpu.memory_space<vmem_shared>>
      tpu.wait_dma2 semaphore(%arg11 : memref<!tpu.dma_semaphore, #tpu.memory_space<semaphore_mem>>) src(%arg8 : memref<80xf32, #tpu.memory_space<vmem>>) dst(%dma_wait3A_145 : memref<80xf32, #tpu.memory_space<vmem_shared>>)
      %dma_wait3A_146 = arith.constant 0 : i32
      %dma_wait3A_147 = tpu.memref_slice %arg6[%dma_wait3A_146] : memref<10240xf32, #tpu.memory_space<vmem_shared>> -> memref<80xf32, #tpu.memory_space<vmem_shared>>
      %dma_wait3A_148 = arith.constant 0 : i32
      %dma_wait3A_149 = tpu.memref_slice %arg6[%dma_wait3A_148] : memref<10240xf32, #tpu.memory_space<vmem_shared>> -> memref<80xf32, #tpu.memory_space<vmem_shared>>
      tpu.wait_dma2 semaphore(%arg11 : memref<!tpu.dma_semaphore, #tpu.memory_space<semaphore_mem>>) src(%arg8 : memref<80xf32, #tpu.memory_space<vmem>>) dst(%dma_wait3A_149 : memref<80xf32, #tpu.memory_space<vmem_shared>>)
      %dma_wait3A_150 = arith.constant 0 : i32
      %dma_wait3A_151 = tpu.memref_slice %arg6[%dma_wait3A_150] : memref<10240xf32, #tpu.memory_space<vmem_shared>> -> memref<80xf32, #tpu.memory_space<vmem_shared>>
      %dma_wait3A_152 = arith.constant 0 : i32
      %dma_wait3A_153 = tpu.memref_slice %arg6[%dma_wait3A_152] : memref<10240xf32, #tpu.memory_space<vmem_shared>> -> memref<80xf32, #tpu.memory_space<vmem_shared>>
      tpu.wait_dma2 semaphore(%arg11 : memref<!tpu.dma_semaphore, #tpu.memory_space<semaphore_mem>>) src(%arg8 : memref<80xf32, #tpu.memory_space<vmem>>) dst(%dma_wait3A_153 : memref<80xf32, #tpu.memory_space<vmem_shared>>)
      %dma_wait3A_154 = arith.constant 0 : i32
      %dma_wait3A_155 = tpu.memref_slice %arg6[%dma_wait3A_154] : memref<10240xf32, #tpu.memory_space<vmem_shared>> -> memref<80xf32, #tpu.memory_space<vmem_shared>>
      %dma_wait3A_156 = arith.constant 0 : i32
      %dma_wait3A_157 = tpu.memref_slice %arg6[%dma_wait3A_156] : memref<10240xf32, #tpu.memory_space<vmem_shared>> -> memref<80xf32, #tpu.memory_space<vmem_shared>>
      tpu.wait_dma2 semaphore(%arg11 : memref<!tpu.dma_semaphore, #tpu.memory_space<semaphore_mem>>) src(%arg8 : memref<80xf32, #tpu.memory_space<vmem>>) dst(%dma_wait3A_157 : memref<80xf32, #tpu.memory_space<vmem_shared>>)
      %dma_wait3A_158 = arith.constant 0 : i32
      %dma_wait3A_159 = tpu.memref_slice %arg6[%dma_wait3A_158] : memref<10240xf32, #tpu.memory_space<vmem_shared>> -> memref<80xf32, #tpu.memory_space<vmem_shared>>
      %dma_wait3A_160 = arith.constant 0 : i32
      %dma_wait3A_161 = tpu.memref_slice %arg6[%dma_wait3A_160] : memref<10240xf32, #tpu.memory_space<vmem_shared>> -> memref<80xf32, #tpu.memory_space<vmem_shared>>
      tpu.wait_dma2 semaphore(%arg11 : memref<!tpu.dma_semaphore, #tpu.memory_space<semaphore_mem>>) src(%arg8 : memref<80xf32, #tpu.memory_space<vmem>>) dst(%dma_wait3A_161 : memref<80xf32, #tpu.memory_space<vmem_shared>>)
      %dma_wait3A_162 = arith.constant 0 : i32
      %dma_wait3A_163 = tpu.memref_slice %arg6[%dma_wait3A_162] : memref<10240xf32, #tpu.memory_space<vmem_shared>> -> memref<80xf32, #tpu.memory_space<vmem_shared>>
      %dma_wait3A_164 = arith.constant 0 : i32
      %dma_wait3A_165 = tpu.memref_slice %arg6[%dma_wait3A_164] : memref<10240xf32, #tpu.memory_space<vmem_shared>> -> memref<80xf32, #tpu.memory_space<vmem_shared>>
      tpu.wait_dma2 semaphore(%arg11 : memref<!tpu.dma_semaphore, #tpu.memory_space<semaphore_mem>>) src(%arg8 : memref<80xf32, #tpu.memory_space<vmem>>) dst(%dma_wait3A_165 : memref<80xf32, #tpu.memory_space<vmem_shared>>)
      %dma_wait3A_166 = arith.constant 0 : i32
      %dma_wait3A_167 = tpu.memref_slice %arg6[%dma_wait3A_166] : memref<10240xf32, #tpu.memory_space<vmem_shared>> -> memref<80xf32, #tpu.memory_space<vmem_shared>>
      %dma_wait3A_168 = arith.constant 0 : i32
      %dma_wait3A_169 = tpu.memref_slice %arg6[%dma_wait3A_168] : memref<10240xf32, #tpu.memory_space<vmem_shared>> -> memref<80xf32, #tpu.memory_space<vmem_shared>>
      tpu.wait_dma2 semaphore(%arg11 : memref<!tpu.dma_semaphore, #tpu.memory_space<semaphore_mem>>) src(%arg8 : memref<80xf32, #tpu.memory_space<vmem>>) dst(%dma_wait3A_169 : memref<80xf32, #tpu.memory_space<vmem_shared>>)
      %dma_wait3A_170 = arith.constant 0 : i32
      %dma_wait3A_171 = tpu.memref_slice %arg6[%dma_wait3A_170] : memref<10240xf32, #tpu.memory_space<vmem_shared>> -> memref<80xf32, #tpu.memory_space<vmem_shared>>
      %dma_wait3A_172 = arith.constant 0 : i32
      %dma_wait3A_173 = tpu.memref_slice %arg6[%dma_wait3A_172] : memref<10240xf32, #tpu.memory_space<vmem_shared>> -> memref<80xf32, #tpu.memory_space<vmem_shared>>
      tpu.wait_dma2 semaphore(%arg11 : memref<!tpu.dma_semaphore, #tpu.memory_space<semaphore_mem>>) src(%arg8 : memref<80xf32, #tpu.memory_space<vmem>>) dst(%dma_wait3A_173 : memref<80xf32, #tpu.memory_space<vmem_shared>>)
      %dma_wait3A_174 = arith.constant 0 : i32
      %dma_wait3A_175 = tpu.memref_slice %arg6[%dma_wait3A_174] : memref<10240xf32, #tpu.memory_space<vmem_shared>> -> memref<80xf32, #tpu.memory_space<vmem_shared>>
      %dma_wait3A_176 = arith.constant 0 : i32
      %dma_wait3A_177 = tpu.memref_slice %arg6[%dma_wait3A_176] : memref<10240xf32, #tpu.memory_space<vmem_shared>> -> memref<80xf32, #tpu.memory_space<vmem_shared>>
      tpu.wait_dma2 semaphore(%arg11 : memref<!tpu.dma_semaphore, #tpu.memory_space<semaphore_mem>>) src(%arg8 : memref<80xf32, #tpu.memory_space<vmem>>) dst(%dma_wait3A_177 : memref<80xf32, #tpu.memory_space<vmem_shared>>)
      %dma_wait3A_178 = arith.constant 0 : i32
      %dma_wait3A_179 = tpu.memref_slice %arg6[%dma_wait3A_178] : memref<10240xf32, #tpu.memory_space<vmem_shared>> -> memref<80xf32, #tpu.memory_space<vmem_shared>>
      %dma_wait3A_180 = arith.constant 0 : i32
      %dma_wait3A_181 = tpu.memref_slice %arg6[%dma_wait3A_180] : memref<10240xf32, #tpu.memory_space<vmem_shared>> -> memref<80xf32, #tpu.memory_space<vmem_shared>>
      tpu.wait_dma2 semaphore(%arg11 : memref<!tpu.dma_semaphore, #tpu.memory_space<semaphore_mem>>) src(%arg8 : memref<80xf32, #tpu.memory_space<vmem>>) dst(%dma_wait3A_181 : memref<80xf32, #tpu.memory_space<vmem_shared>>)
      %dma_wait3A_182 = arith.constant 0 : i32
      %dma_wait3A_183 = tpu.memref_slice %arg6[%dma_wait3A_182] : memref<10240xf32, #tpu.memory_space<vmem_shared>> -> memref<80xf32, #tpu.memory_space<vmem_shared>>
      %dma_wait3A_184 = arith.constant 0 : i32
      %dma_wait3A_185 = tpu.memref_slice %arg6[%dma_wait3A_184] : memref<10240xf32, #tpu.memory_space<vmem_shared>> -> memref<80xf32, #tpu.memory_space<vmem_shared>>
      tpu.wait_dma2 semaphore(%arg11 : memref<!tpu.dma_semaphore, #tpu.memory_space<semaphore_mem>>) src(%arg8 : memref<80xf32, #tpu.memory_space<vmem>>) dst(%dma_wait3A_185 : memref<80xf32, #tpu.memory_space<vmem_shared>>)
      %dma_wait3A_186 = arith.constant 0 : i32
      %dma_wait3A_187 = tpu.memref_slice %arg6[%dma_wait3A_186] : memref<10240xf32, #tpu.memory_space<vmem_shared>> -> memref<80xf32, #tpu.memory_space<vmem_shared>>
      %dma_wait3A_188 = arith.constant 0 : i32
      %dma_wait3A_189 = tpu.memref_slice %arg6[%dma_wait3A_188] : memref<10240xf32, #tpu.memory_space<vmem_shared>> -> memref<80xf32, #tpu.memory_space<vmem_shared>>
      tpu.wait_dma2 semaphore(%arg11 : memref<!tpu.dma_semaphore, #tpu.memory_space<semaphore_mem>>) src(%arg8 : memref<80xf32, #tpu.memory_space<vmem>>) dst(%dma_wait3A_189 : memref<80xf32, #tpu.memory_space<vmem_shared>>)
      %dma_wait3A_190 = arith.constant 0 : i32
      %dma_wait3A_191 = tpu.memref_slice %arg6[%dma_wait3A_190] : memref<10240xf32, #tpu.memory_space<vmem_shared>> -> memref<80xf32, #tpu.memory_space<vmem_shared>>
      %dma_wait3A_192 = arith.constant 0 : i32
      %dma_wait3A_193 = tpu.memref_slice %arg6[%dma_wait3A_192] : memref<10240xf32, #tpu.memory_space<vmem_shared>> -> memref<80xf32, #tpu.memory_space<vmem_shared>>
      tpu.wait_dma2 semaphore(%arg11 : memref<!tpu.dma_semaphore, #tpu.memory_space<semaphore_mem>>) src(%arg8 : memref<80xf32, #tpu.memory_space<vmem>>) dst(%dma_wait3A_193 : memref<80xf32, #tpu.memory_space<vmem_shared>>)
      %dma_wait3A_194 = arith.constant 0 : i32
      %dma_wait3A_195 = tpu.memref_slice %arg6[%dma_wait3A_194] : memref<10240xf32, #tpu.memory_space<vmem_shared>> -> memref<80xf32, #tpu.memory_space<vmem_shared>>
      %dma_wait3A_196 = arith.constant 0 : i32
      %dma_wait3A_197 = tpu.memref_slice %arg6[%dma_wait3A_196] : memref<10240xf32, #tpu.memory_space<vmem_shared>> -> memref<80xf32, #tpu.memory_space<vmem_shared>>
      tpu.wait_dma2 semaphore(%arg11 : memref<!tpu.dma_semaphore, #tpu.memory_space<semaphore_mem>>) src(%arg8 : memref<80xf32, #tpu.memory_space<vmem>>) dst(%dma_wait3A_197 : memref<80xf32, #tpu.memory_space<vmem_shared>>)
    }
    %scan3A_8 = arith.constant 8 : i32
    %barrier3A_9 = arith.constant 0 : index
    tpu.barrier barrier_id(%barrier3A_9)
    %mul3A_10 = arith.constant 320 : i32
    %mul3A_11 = arith.muli %add3A, %mul3A_10 : i32
    "tpu.region"() ({
      %run_scoped3A = tpu.sem_alloc : memref<!tpu.dma_semaphore, #tpu.memory_space<semaphore_mem>>
      %dma_start3A = tpu.memref_slice %arg6[%mul3A_11] : memref<10240xf32, #tpu.memory_space<vmem_shared>> -> memref<320xf32, #tpu.memory_space<vmem_shared>>
      %dma_start3A_19 = tpu.memref_slice %arg6[%mul3A_11] : memref<10240xf32, #tpu.memory_space<vmem_shared>> -> memref<320xf32, #tpu.memory_space<vmem_shared>>
      tpu.enqueue_dma source(%dma_start3A_19 : memref<320xf32, #tpu.memory_space<vmem_shared>>) target(%arg9 : memref<320xf32, #tpu.memory_space<vmem>>) target_semaphore(%run_scoped3A : memref<!tpu.dma_semaphore, #tpu.memory_space<semaphore_mem>>)
      %dma_wait3A = tpu.memref_slice %arg6[%mul3A_11] : memref<10240xf32, #tpu.memory_space<vmem_shared>> -> memref<320xf32, #tpu.memory_space<vmem_shared>>
      %dma_wait3A_20 = tpu.memref_slice %arg6[%mul3A_11] : memref<10240xf32, #tpu.memory_space<vmem_shared>> -> memref<320xf32, #tpu.memory_space<vmem_shared>>
      tpu.wait_dma2 semaphore(%run_scoped3A : memref<!tpu.dma_semaphore, #tpu.memory_space<semaphore_mem>>) src(%dma_wait3A_20 : memref<320xf32, #tpu.memory_space<vmem_shared>>) dst(%arg9 : memref<320xf32, #tpu.memory_space<vmem>>)
      tpu.yield
    }) : () -> ()
    %scan3A_12 = arith.constant 0 : i32
    %scan3A_13 = arith.constant 20 : i32
    %scan3A_14 = arith.addi %scan3A_12, %scan3A_13 : i32
    %scan3A_15 = arith.constant 1 : i32
    scf.for %scan3A_19 = %scan3A_12 to %scan3A_14 step %scan3A_15  : i32 {
      %mul3A_20 = arith.constant 1 : i32
      %mul3A_21 = arith.muli %scan3A_19, %mul3A_20 : i32
      %add3A_22 = arith.constant 0 : i32
      %add3A_23 = arith.addi %add3A_22, %mul3A_21 : i32
      %mul3A_24 = arith.constant 16 : i32
      %mul3A_25 = arith.muli %add3A_23, %mul3A_24 : i32
      %get3A = arith.index_cast %mul3A_25 : i32 to index
      %get3A_26 = tpu.vector_load %arg9[%get3A] {strides = array<i32>} : memref<320xf32, #tpu.memory_space<vmem>>, vector<16xf32>,
      %get3A_27 = vector.shape_cast %get3A_26 : vector<16xf32> to vector<16xf32>
      %max3A = arith.constant 1.000000e+00 : f32
      %max3A_28 = vector.broadcast %max3A : f32 to vector<16xf32>
      %max3A_29 = arith.maximumf %get3A_27, %max3A_28 : vector<16xf32>
      %bitcast_convert_type3A = tpu.bitcast %max3A_29 : vector<16xf32> -> vector<16xi32>
      %shift_right_arithmetic3A = arith.constant 1 : i32
      %shift_right_arithmetic3A_30 = vector.broadcast %shift_right_arithmetic3A : i32 to vector<16xi32>
      %shift_right_arithmetic3A_31 = arith.shrsi %bitcast_convert_type3A, %shift_right_arithmetic3A_30 : vector<16xi32>
      %sub3A = arith.constant 1597463007 : i32
      %sub3A_32 = vector.broadcast %sub3A : i32 to vector<16xi32>
      %sub3A_33 = arith.subi %sub3A_32, %shift_right_arithmetic3A_31 : vector<16xi32>
      %bitcast_convert_type3A_34 = tpu.bitcast %sub3A_33 : vector<16xi32> -> vector<16xf32>
      %mul3A_35 = arith.constant 5.000000e-01 : f32
      %mul3A_36 = vector.broadcast %mul3A_35 : f32 to vector<16xf32>
      %mul3A_37 = arith.mulf %mul3A_36, %max3A_29 : vector<16xf32>
      %mul3A_38 = arith.mulf %mul3A_37, %bitcast_convert_type3A_34 : vector<16xf32>
      %mul3A_39 = arith.mulf %mul3A_38, %bitcast_convert_type3A_34 : vector<16xf32>
      %sub3A_40 = arith.constant 1.500000e+00 : f32
      %sub3A_41 = vector.broadcast %sub3A_40 : f32 to vector<16xf32>
      %sub3A_42 = arith.subf %sub3A_41, %mul3A_39 : vector<16xf32>
      %mul3A_43 = arith.mulf %bitcast_convert_type3A_34, %sub3A_42 : vector<16xf32>
      %mul3A_44 = arith.constant 5.000000e-01 : f32
      %mul3A_45 = vector.broadcast %mul3A_44 : f32 to vector<16xf32>
      %mul3A_46 = arith.mulf %mul3A_45, %max3A_29 : vector<16xf32>
      %mul3A_47 = arith.mulf %mul3A_46, %mul3A_43 : vector<16xf32>
      %mul3A_48 = arith.mulf %mul3A_47, %mul3A_43 : vector<16xf32>
      %sub3A_49 = arith.constant 1.500000e+00 : f32
      %sub3A_50 = vector.broadcast %sub3A_49 : f32 to vector<16xf32>
      %sub3A_51 = arith.subf %sub3A_50, %mul3A_48 : vector<16xf32>
      %mul3A_52 = arith.mulf %mul3A_43, %sub3A_51 : vector<16xf32>
      %mul3A_53 = arith.constant 5.000000e-01 : f32
      %mul3A_54 = vector.broadcast %mul3A_53 : f32 to vector<16xf32>
      %mul3A_55 = arith.mulf %mul3A_54, %max3A_29 : vector<16xf32>
      %mul3A_56 = arith.mulf %mul3A_55, %mul3A_52 : vector<16xf32>
      %mul3A_57 = arith.mulf %mul3A_56, %mul3A_52 : vector<16xf32>
      %sub3A_58 = arith.constant 1.500000e+00 : f32
      %sub3A_59 = vector.broadcast %sub3A_58 : f32 to vector<16xf32>
      %sub3A_60 = arith.subf %sub3A_59, %mul3A_57 : vector<16xf32>
      %mul3A_61 = arith.mulf %mul3A_52, %sub3A_60 : vector<16xf32>
      %mul3A_62 = arith.constant 16 : i32
      %mul3A_63 = arith.muli %add3A_23, %mul3A_62 : i32
      %swap3A = arith.index_cast %mul3A_63 : i32 to index
      %swap3A_64 = tpu.vector_load %arg10[%swap3A] {strides = array<i32>} : memref<320xf32, #tpu.memory_space<vmem>>, vector<16xf32>,
      %swap3A_65 = vector.shape_cast %swap3A_64 : vector<16xf32> to vector<16xf32>
      %swap3A_66 = vector.shape_cast %mul3A_61 : vector<16xf32> to vector<16xf32>
      tpu.vector_store %arg10[%swap3A], %swap3A_66 {strides = array<i32>} : memref<320xf32, #tpu.memory_space<vmem>>, vector<16xf32>,
    }
    %scan3A_16 = arith.constant 20 : i32
    %mul3A_17 = arith.constant 320 : i32
    %mul3A_18 = arith.muli %add3A, %mul3A_17 : i32
    "tpu.region"() ({
      %run_scoped3A = tpu.sem_alloc : memref<!tpu.dma_semaphore, #tpu.memory_space<semaphore_mem>>
      %dma_start3A = tpu.memref_slice %arg5[%mul3A_18] : memref<10240xf32, #tpu.memory_space<hbm>> -> memref<320xf32, #tpu.memory_space<hbm>>
      %dma_start3A_19 = tpu.memref_slice %arg5[%mul3A_18] : memref<10240xf32, #tpu.memory_space<hbm>> -> memref<320xf32, #tpu.memory_space<hbm>>
      tpu.enqueue_dma source(%arg10 : memref<320xf32, #tpu.memory_space<vmem>>) target(%dma_start3A_19 : memref<320xf32, #tpu.memory_space<hbm>>) target_semaphore(%run_scoped3A : memref<!tpu.dma_semaphore, #tpu.memory_space<semaphore_mem>>)
      %dma_wait3A = tpu.memref_slice %arg5[%mul3A_18] : memref<10240xf32, #tpu.memory_space<hbm>> -> memref<320xf32, #tpu.memory_space<hbm>>
      %dma_wait3A_20 = tpu.memref_slice %arg5[%mul3A_18] : memref<10240xf32, #tpu.memory_space<hbm>> -> memref<320xf32, #tpu.memory_space<hbm>>
      tpu.wait_dma2 semaphore(%run_scoped3A : memref<!tpu.dma_semaphore, #tpu.memory_space<semaphore_mem>>) src(%arg10 : memref<320xf32, #tpu.memory_space<vmem>>) dst(%dma_wait3A_20 : memref<320xf32, #tpu.memory_space<hbm>>)
      tpu.yield
    }) : () -> ()
    return
  }
}

#map = affine_map<(d0, d1) -> (0, 0)>
module attributes {stable_mosaic.version = 14 : i64} {
  func.func @_agg_body(%arg0: i32, %arg1: i32, %arg2: memref<20480x128xf32, #tpu.memory_space<hbm>>, %arg3: memref<2048x80xi32, #tpu.memory_space<hbm>>, %arg4: memref<2048x80xi32, #tpu.memory_space<hbm>>, %arg5: memref<640x128xf32, #tpu.memory_space<hbm>>, %arg6: memref<10240x128xf32, #tpu.memory_space<hbm>>, %arg7: memref<10240x128xf32, #tpu.memory_space<hbm>>, %arg8: memref<10240x128xf32, #tpu.memory_space<vmem_shared>>, %arg9: memref<16x80xi32, #tpu.memory_space<vmem>>, %arg10: memref<16x80xi32, #tpu.memory_space<vmem>>, %arg11: memref<80x128xf32, #tpu.memory_space<vmem>>, %arg12: memref<80x128xf32, #tpu.memory_space<vmem>>, %arg13: memref<80x128xf32, #tpu.memory_space<vmem>>, %arg14: memref<80x128xf32, #tpu.memory_space<vmem>>, %arg15: memref<!tpu.dma_semaphore, #tpu.memory_space<semaphore_mem>>, %arg16: memref<!tpu.dma_semaphore, #tpu.memory_space<semaphore_mem>>) attributes {dimension_semantics = [#tpu.dimension_semantics<core_parallel>, #tpu.dimension_semantics<subcore_parallel>], iteration_bounds = array<i64: 2, 16>, scalar_prefetch = 0 : i64, scratch_operands = 9 : i64, tpu.core_type = #tpu.core_type<sc_vector_subcore>, window_params = [{transform_indices = #map}, {transform_indices = #map}, {transform_indices = #map}, {transform_indices = #map}, {transform_indices = #map}, {transform_indices = #map}]} {
    %mul3A = arith.constant 640 : i32
    %mul3A_0 = arith.muli %arg1, %mul3A : i32
    "tpu.region"() ({
      %run_scoped3A = tpu.sem_alloc : memref<!tpu.dma_semaphore, #tpu.memory_space<semaphore_mem>>
      %dma_start3A = arith.constant 0 : i32
      %dma_start3A_15 = tpu.memref_slice %arg8[%mul3A_0, %dma_start3A] : memref<10240x128xf32, #tpu.memory_space<vmem_shared>> -> memref<640x128xf32, #tpu.memory_space<vmem_shared>>
      tpu.enqueue_dma source(%arg5 : memref<640x128xf32, #tpu.memory_space<hbm>>) target(%dma_start3A_15 : memref<640x128xf32, #tpu.memory_space<vmem_shared>>) target_semaphore(%run_scoped3A : memref<!tpu.dma_semaphore, #tpu.memory_space<semaphore_mem>>)
      %dma_wait3A = arith.constant 0 : i32
      %dma_wait3A_16 = tpu.memref_slice %arg8[%mul3A_0, %dma_wait3A] : memref<10240x128xf32, #tpu.memory_space<vmem_shared>> -> memref<640x128xf32, #tpu.memory_space<vmem_shared>>
      tpu.wait_dma2 semaphore(%run_scoped3A : memref<!tpu.dma_semaphore, #tpu.memory_space<semaphore_mem>>) src(%arg5 : memref<640x128xf32, #tpu.memory_space<hbm>>) dst(%dma_wait3A_16 : memref<640x128xf32, #tpu.memory_space<vmem_shared>>)
      tpu.yield
    }) : () -> ()
    %mul3A_1 = arith.constant 10240 : i32
    %mul3A_2 = arith.muli %arg0, %mul3A_1 : i32
    %barrier3A = arith.constant 0 : index
    tpu.barrier barrier_id(%barrier3A)
    %scan3A = arith.constant 0 : i32
    %scan3A_3 = arith.constant 8 : i32
    %scan3A_4 = arith.addi %scan3A, %scan3A_3 : i32
    %scan3A_5 = arith.constant 1 : i32
    scf.for %scan3A_15 = %scan3A to %scan3A_4 step %scan3A_5  : i32 {
      %mul3A_16 = arith.constant 1 : i32
      %mul3A_17 = arith.muli %scan3A_15, %mul3A_16 : i32
      %add3A = arith.constant 0 : i32
      %add3A_18 = arith.addi %add3A, %mul3A_17 : i32
      %mul3A_19 = arith.constant 128 : i32
      %mul3A_20 = arith.muli %arg1, %mul3A_19 : i32
      %mul3A_21 = arith.constant 16 : i32
      %mul3A_22 = arith.muli %add3A_18, %mul3A_21 : i32
      %add3A_23 = arith.addi %mul3A_20, %mul3A_22 : i32
      "tpu.region"() ({
        %run_scoped3A = tpu.sem_alloc : memref<!tpu.dma_semaphore, #tpu.memory_space<semaphore_mem>>
        %dma_start3A_58 = arith.constant 0 : i32
        %dma_start3A_59 = tpu.memref_slice %arg3[%add3A_23, %dma_start3A_58] : memref<2048x80xi32, #tpu.memory_space<hbm>> -> memref<16x80xi32, #tpu.memory_space<hbm>>
        %dma_start3A_60 = arith.constant 0 : i32
        %dma_start3A_61 = tpu.memref_slice %arg3[%add3A_23, %dma_start3A_60] : memref<2048x80xi32, #tpu.memory_space<hbm>> -> memref<16x80xi32, #tpu.memory_space<hbm>>
        tpu.enqueue_dma source(%dma_start3A_61 : memref<16x80xi32, #tpu.memory_space<hbm>>) target(%arg9 : memref<16x80xi32, #tpu.memory_space<vmem>>) target_semaphore(%run_scoped3A : memref<!tpu.dma_semaphore, #tpu.memory_space<semaphore_mem>>)
        %dma_wait3A_62 = arith.constant 0 : i32
        %dma_wait3A_63 = tpu.memref_slice %arg3[%add3A_23, %dma_wait3A_62] : memref<2048x80xi32, #tpu.memory_space<hbm>> -> memref<16x80xi32, #tpu.memory_space<hbm>>
        %dma_wait3A_64 = arith.constant 0 : i32
        %dma_wait3A_65 = tpu.memref_slice %arg3[%add3A_23, %dma_wait3A_64] : memref<2048x80xi32, #tpu.memory_space<hbm>> -> memref<16x80xi32, #tpu.memory_space<hbm>>
        tpu.wait_dma2 semaphore(%run_scoped3A : memref<!tpu.dma_semaphore, #tpu.memory_space<semaphore_mem>>) src(%dma_wait3A_65 : memref<16x80xi32, #tpu.memory_space<hbm>>) dst(%arg9 : memref<16x80xi32, #tpu.memory_space<vmem>>)
        tpu.yield
      }) : () -> ()
      "tpu.region"() ({
        %run_scoped3A = tpu.sem_alloc : memref<!tpu.dma_semaphore, #tpu.memory_space<semaphore_mem>>
        %dma_start3A_58 = arith.constant 0 : i32
        %dma_start3A_59 = tpu.memref_slice %arg4[%add3A_23, %dma_start3A_58] : memref<2048x80xi32, #tpu.memory_space<hbm>> -> memref<16x80xi32, #tpu.memory_space<hbm>>
        %dma_start3A_60 = arith.constant 0 : i32
        %dma_start3A_61 = tpu.memref_slice %arg4[%add3A_23, %dma_start3A_60] : memref<2048x80xi32, #tpu.memory_space<hbm>> -> memref<16x80xi32, #tpu.memory_space<hbm>>
        tpu.enqueue_dma source(%dma_start3A_61 : memref<16x80xi32, #tpu.memory_space<hbm>>) target(%arg10 : memref<16x80xi32, #tpu.memory_space<vmem>>) target_semaphore(%run_scoped3A : memref<!tpu.dma_semaphore, #tpu.memory_space<semaphore_mem>>)
        %dma_wait3A_62 = arith.constant 0 : i32
        %dma_wait3A_63 = tpu.memref_slice %arg4[%add3A_23, %dma_wait3A_62] : memref<2048x80xi32, #tpu.memory_space<hbm>> -> memref<16x80xi32, #tpu.memory_space<hbm>>
        %dma_wait3A_64 = arith.constant 0 : i32
        %dma_wait3A_65 = tpu.memref_slice %arg4[%add3A_23, %dma_wait3A_64] : memref<2048x80xi32, #tpu.memory_space<hbm>> -> memref<16x80xi32, #tpu.memory_space<hbm>>
        tpu.wait_dma2 semaphore(%run_scoped3A : memref<!tpu.dma_semaphore, #tpu.memory_space<semaphore_mem>>) src(%dma_wait3A_65 : memref<16x80xi32, #tpu.memory_space<hbm>>) dst(%arg10 : memref<16x80xi32, #tpu.memory_space<vmem>>)
        tpu.yield
      }) : () -> ()
      %scan3A_24 = arith.constant 0 : i32
      %scan3A_25 = arith.constant 16 : i32
      %scan3A_26 = arith.addi %scan3A_24, %scan3A_25 : i32
      %scan3A_27 = arith.constant 1 : i32
      scf.for %scan3A_58 = %scan3A_24 to %scan3A_26 step %scan3A_27  : i32 {
        %mul3A_59 = arith.constant 1 : i32
        %mul3A_60 = arith.muli %scan3A_58, %mul3A_59 : i32
        %add3A_61 = arith.constant 0 : i32
        %add3A_62 = arith.addi %add3A_61, %mul3A_60 : i32
        %get3A = arith.index_cast %add3A_62 : i32 to index
        %get3A_63 = arith.constant 0 : index
        %get3A_64 = tpu.vector_load %arg9[%get3A, %get3A_63] {strides = array<i32>} : memref<16x80xi32, #tpu.memory_space<vmem>>, vector<1x16xi32>,
        %get3A_65 = vector.shape_cast %get3A_64 : vector<1x16xi32> to vector<16xi32>
        %add3A_66 = vector.broadcast %mul3A_2 : i32 to vector<16xi32>
        %add3A_67 = arith.addi %get3A_65, %add3A_66 : vector<16xi32>
        %swap3A = arith.index_cast %add3A_62 : i32 to index
        %swap3A_68 = arith.constant 0 : index
        %swap3A_69 = tpu.vector_load %arg9[%swap3A, %swap3A_68] {strides = array<i32>} : memref<16x80xi32, #tpu.memory_space<vmem>>, vector<1x16xi32>,
        %swap3A_70 = vector.shape_cast %swap3A_69 : vector<1x16xi32> to vector<16xi32>
        %swap3A_71 = vector.shape_cast %add3A_67 : vector<16xi32> to vector<1x16xi32>
        tpu.vector_store %arg9[%swap3A, %swap3A_68], %swap3A_71 {strides = array<i32>} : memref<16x80xi32, #tpu.memory_space<vmem>>, vector<1x16xi32>,
        %get3A_72 = arith.index_cast %add3A_62 : i32 to index
        %get3A_73 = arith.constant 16 : index
        %get3A_74 = tpu.vector_load %arg9[%get3A_72, %get3A_73] {strides = array<i32>} : memref<16x80xi32, #tpu.memory_space<vmem>>, vector<1x16xi32>,
        %get3A_75 = vector.shape_cast %get3A_74 : vector<1x16xi32> to vector<16xi32>
        %add3A_76 = vector.broadcast %mul3A_2 : i32 to vector<16xi32>
        %add3A_77 = arith.addi %get3A_75, %add3A_76 : vector<16xi32>
        %swap3A_78 = arith.index_cast %add3A_62 : i32 to index
        %swap3A_79 = arith.constant 16 : index
        %swap3A_80 = tpu.vector_load %arg9[%swap3A_78, %swap3A_79] {strides = array<i32>} : memref<16x80xi32, #tpu.memory_space<vmem>>, vector<1x16xi32>,
        %swap3A_81 = vector.shape_cast %swap3A_80 : vector<1x16xi32> to vector<16xi32>
        %swap3A_82 = vector.shape_cast %add3A_77 : vector<16xi32> to vector<1x16xi32>
        tpu.vector_store %arg9[%swap3A_78, %swap3A_79], %swap3A_82 {strides = array<i32>} : memref<16x80xi32, #tpu.memory_space<vmem>>, vector<1x16xi32>,
        %get3A_83 = arith.index_cast %add3A_62 : i32 to index
        %get3A_84 = arith.constant 32 : index
        %get3A_85 = tpu.vector_load %arg9[%get3A_83, %get3A_84] {strides = array<i32>} : memref<16x80xi32, #tpu.memory_space<vmem>>, vector<1x16xi32>,
        %get3A_86 = vector.shape_cast %get3A_85 : vector<1x16xi32> to vector<16xi32>
        %add3A_87 = vector.broadcast %mul3A_2 : i32 to vector<16xi32>
        %add3A_88 = arith.addi %get3A_86, %add3A_87 : vector<16xi32>
        %swap3A_89 = arith.index_cast %add3A_62 : i32 to index
        %swap3A_90 = arith.constant 32 : index
        %swap3A_91 = tpu.vector_load %arg9[%swap3A_89, %swap3A_90] {strides = array<i32>} : memref<16x80xi32, #tpu.memory_space<vmem>>, vector<1x16xi32>,
        %swap3A_92 = vector.shape_cast %swap3A_91 : vector<1x16xi32> to vector<16xi32>
        %swap3A_93 = vector.shape_cast %add3A_88 : vector<16xi32> to vector<1x16xi32>
        tpu.vector_store %arg9[%swap3A_89, %swap3A_90], %swap3A_93 {strides = array<i32>} : memref<16x80xi32, #tpu.memory_space<vmem>>, vector<1x16xi32>,
        %get3A_94 = arith.index_cast %add3A_62 : i32 to index
        %get3A_95 = arith.constant 48 : index
        %get3A_96 = tpu.vector_load %arg9[%get3A_94, %get3A_95] {strides = array<i32>} : memref<16x80xi32, #tpu.memory_space<vmem>>, vector<1x16xi32>,
        %get3A_97 = vector.shape_cast %get3A_96 : vector<1x16xi32> to vector<16xi32>
        %add3A_98 = vector.broadcast %mul3A_2 : i32 to vector<16xi32>
        %add3A_99 = arith.addi %get3A_97, %add3A_98 : vector<16xi32>
        %swap3A_100 = arith.index_cast %add3A_62 : i32 to index
        %swap3A_101 = arith.constant 48 : index
        %swap3A_102 = tpu.vector_load %arg9[%swap3A_100, %swap3A_101] {strides = array<i32>} : memref<16x80xi32, #tpu.memory_space<vmem>>, vector<1x16xi32>,
        %swap3A_103 = vector.shape_cast %swap3A_102 : vector<1x16xi32> to vector<16xi32>
        %swap3A_104 = vector.shape_cast %add3A_99 : vector<16xi32> to vector<1x16xi32>
        tpu.vector_store %arg9[%swap3A_100, %swap3A_101], %swap3A_104 {strides = array<i32>} : memref<16x80xi32, #tpu.memory_space<vmem>>, vector<1x16xi32>,
        %get3A_105 = arith.index_cast %add3A_62 : i32 to index
        %get3A_106 = arith.constant 64 : index
        %get3A_107 = tpu.vector_load %arg9[%get3A_105, %get3A_106] {strides = array<i32>} : memref<16x80xi32, #tpu.memory_space<vmem>>, vector<1x16xi32>,
        %get3A_108 = vector.shape_cast %get3A_107 : vector<1x16xi32> to vector<16xi32>
        %add3A_109 = vector.broadcast %mul3A_2 : i32 to vector<16xi32>
        %add3A_110 = arith.addi %get3A_108, %add3A_109 : vector<16xi32>
        %swap3A_111 = arith.index_cast %add3A_62 : i32 to index
        %swap3A_112 = arith.constant 64 : index
        %swap3A_113 = tpu.vector_load %arg9[%swap3A_111, %swap3A_112] {strides = array<i32>} : memref<16x80xi32, #tpu.memory_space<vmem>>, vector<1x16xi32>,
        %swap3A_114 = vector.shape_cast %swap3A_113 : vector<1x16xi32> to vector<16xi32>
        %swap3A_115 = vector.shape_cast %add3A_110 : vector<16xi32> to vector<1x16xi32>
        tpu.vector_store %arg9[%swap3A_111, %swap3A_112], %swap3A_115 {strides = array<i32>} : memref<16x80xi32, #tpu.memory_space<vmem>>, vector<1x16xi32>,
      }
      %scan3A_28 = arith.constant 16 : i32
      %dma_start3A = arith.constant 0 : i32
      %dma_start3A_29 = arith.constant 0 : i32
      %dma_start3A_30 = tpu.memref_slice %arg9[%dma_start3A, %dma_start3A_29] : memref<16x80xi32, #tpu.memory_space<vmem>> -> memref<1x80xi32, #tpu.memory_space<vmem>>
      %dma_start3A_31 = tpu.memref_squeeze %dma_start3A_30 : memref<1x80xi32, #tpu.memory_space<vmem>> -> memref<80xi32, #tpu.memory_space<vmem>>
      %dma_start3A_32 = arith.constant 0 : i32
      %dma_start3A_33 = arith.constant 0 : i32
      %dma_start3A_34 = tpu.memref_slice %arg2[%dma_start3A_32, %dma_start3A_33] : memref<20480x128xf32, #tpu.memory_space<hbm>> -> memref<20480x128xf32, #tpu.memory_space<hbm>>
      tpu.enqueue_indirect_dma source(%dma_start3A_34 : memref<20480x128xf32, #tpu.memory_space<hbm>>) target(%arg11 : memref<80x128xf32, #tpu.memory_space<vmem>>) offsets(%dma_start3A_31 : memref<80xi32, #tpu.memory_space<vmem>>) semaphore(%arg15 : memref<!tpu.dma_semaphore, #tpu.memory_space<semaphore_mem>>)
      %dma_start3A_35 = arith.constant 1 : i32
      %dma_start3A_36 = arith.constant 0 : i32
      %dma_start3A_37 = tpu.memref_slice %arg9[%dma_start3A_35, %dma_start3A_36] : memref<16x80xi32, #tpu.memory_space<vmem>> -> memref<1x80xi32, #tpu.memory_space<vmem>>
      %dma_start3A_38 = tpu.memref_squeeze %dma_start3A_37 : memref<1x80xi32, #tpu.memory_space<vmem>> -> memref<80xi32, #tpu.memory_space<vmem>>
      %dma_start3A_39 = arith.constant 0 : i32
      %dma_start3A_40 = arith.constant 0 : i32
      %dma_start3A_41 = tpu.memref_slice %arg2[%dma_start3A_39, %dma_start3A_40] : memref<20480x128xf32, #tpu.memory_space<hbm>> -> memref<20480x128xf32, #tpu.memory_space<hbm>>
      tpu.enqueue_indirect_dma source(%dma_start3A_41 : memref<20480x128xf32, #tpu.memory_space<hbm>>) target(%arg12 : memref<80x128xf32, #tpu.memory_space<vmem>>) offsets(%dma_start3A_38 : memref<80xi32, #tpu.memory_space<vmem>>) semaphore(%arg15 : memref<!tpu.dma_semaphore, #tpu.memory_space<semaphore_mem>>)
      %scan3A_42 = arith.constant 0 : i32
      %scan3A_43 = arith.constant 4 : i32
      %scan3A_44 = arith.addi %scan3A_42, %scan3A_43 : i32
      %scan3A_45 = arith.constant 1 : i32
      scf.for %scan3A_58 = %scan3A_42 to %scan3A_44 step %scan3A_45  : i32 {
        %mul3A_59 = arith.constant 1 : i32
        %mul3A_60 = arith.muli %scan3A_58, %mul3A_59 : i32
        %add3A_61 = arith.constant 0 : i32
        %add3A_62 = arith.addi %add3A_61, %mul3A_60 : i32
        %mul3A_63 = arith.constant 4 : i32
        %mul3A_64 = arith.muli %add3A_62, %mul3A_63 : i32
        %add3A_65 = arith.constant 0 : i32
        %add3A_66 = arith.addi %mul3A_64, %add3A_65 : i32
        %dma_wait3A_67 = arith.constant 0 : i32
        %dma_wait3A_68 = tpu.memref_slice %arg9[%add3A_66, %dma_wait3A_67] : memref<16x80xi32, #tpu.memory_space<vmem>> -> memref<1x80xi32, #tpu.memory_space<vmem>>
        %dma_wait3A_69 = tpu.memref_squeeze %dma_wait3A_68 : memref<1x80xi32, #tpu.memory_space<vmem>> -> memref<80xi32, #tpu.memory_space<vmem>>
        %dma_wait3A_70 = arith.constant 0 : i32
        %dma_wait3A_71 = arith.constant 0 : i32
        %dma_wait3A_72 = tpu.memref_slice %arg2[%dma_wait3A_70, %dma_wait3A_71] : memref<20480x128xf32, #tpu.memory_space<hbm>> -> memref<20480x128xf32, #tpu.memory_space<hbm>>
        tpu.wait_indirect_dma semaphore(%arg15 : memref<!tpu.dma_semaphore, #tpu.memory_space<semaphore_mem>>) src(%dma_wait3A_72 : memref<20480x128xf32, #tpu.memory_space<hbm>>) dst(%arg11 : memref<80x128xf32, #tpu.memory_space<vmem>>)
        %dma_start3A_73 = arith.constant 0 : i32
        %dma_start3A_74 = tpu.memref_slice %arg10[%add3A_66, %dma_start3A_73] : memref<16x80xi32, #tpu.memory_space<vmem>> -> memref<1x80xi32, #tpu.memory_space<vmem>>
        %dma_start3A_75 = tpu.memref_squeeze %dma_start3A_74 : memref<1x80xi32, #tpu.memory_space<vmem>> -> memref<80xi32, #tpu.memory_space<vmem>>
        %dma_start3A_76 = arith.constant 0 : i32
        %dma_start3A_77 = arith.constant 0 : i32
        %dma_start3A_78 = tpu.memref_slice %arg8[%dma_start3A_76, %dma_start3A_77] : memref<10240x128xf32, #tpu.memory_space<vmem_shared>> -> memref<10240x128xf32, #tpu.memory_space<vmem_shared>>
        tpu.enqueue_indirect_dma source(%arg11 : memref<80x128xf32, #tpu.memory_space<vmem>>) target(%dma_start3A_78 : memref<10240x128xf32, #tpu.memory_space<vmem_shared>>) offsets(%dma_start3A_75 : memref<80xi32, #tpu.memory_space<vmem>>) semaphore(%arg16 : memref<!tpu.dma_semaphore, #tpu.memory_space<semaphore_mem>>) {add = true}
        %ge3A = arith.constant 2 : i32
        %ge3A_79 = arith.cmpi sge, %add3A_66, %ge3A : i32
        %convert_element_type3A_80 = arith.extui %ge3A_79 : i1 to i32
        %cond3A_81 = arith.constant 0 : i32
        %cond3A_82 = arith.cmpi ne, %convert_element_type3A_80, %cond3A_81 : i32
        scf.if %cond3A_82 {
          %dma_wait3A_173 = arith.constant 0 : i32
          %dma_wait3A_174 = arith.constant 0 : i32
          %dma_wait3A_175 = tpu.memref_slice %arg8[%dma_wait3A_173, %dma_wait3A_174] : memref<10240x128xf32, #tpu.memory_space<vmem_shared>> -> memref<80x128xf32, #tpu.memory_space<vmem_shared>>
          %dma_wait3A_176 = arith.constant 0 : i32
          %dma_wait3A_177 = arith.constant 0 : i32
          %dma_wait3A_178 = tpu.memref_slice %arg8[%dma_wait3A_176, %dma_wait3A_177] : memref<10240x128xf32, #tpu.memory_space<vmem_shared>> -> memref<80x128xf32, #tpu.memory_space<vmem_shared>>
          tpu.wait_dma2 semaphore(%arg16 : memref<!tpu.dma_semaphore, #tpu.memory_space<semaphore_mem>>) src(%arg13 : memref<80x128xf32, #tpu.memory_space<vmem>>) dst(%dma_wait3A_178 : memref<80x128xf32, #tpu.memory_space<vmem_shared>>)
        } else {
        }
        %add3A_83 = arith.constant 2 : i32
        %add3A_84 = arith.addi %add3A_66, %add3A_83 : i32
        %lt3A = arith.constant 16 : i32
        %lt3A_85 = arith.cmpi slt, %add3A_84, %lt3A : i32
        %convert_element_type3A_86 = arith.extui %lt3A_85 : i1 to i32
        %cond3A_87 = arith.constant 0 : i32
        %cond3A_88 = arith.cmpi ne, %convert_element_type3A_86, %cond3A_87 : i32
        scf.if %cond3A_88 {
          %add3A_173 = arith.constant 2 : i32
          %add3A_174 = arith.addi %add3A_66, %add3A_173 : i32
          %dma_start3A_175 = arith.constant 0 : i32
          %dma_start3A_176 = tpu.memref_slice %arg9[%add3A_174, %dma_start3A_175] : memref<16x80xi32, #tpu.memory_space<vmem>> -> memref<1x80xi32, #tpu.memory_space<vmem>>
          %dma_start3A_177 = tpu.memref_squeeze %dma_start3A_176 : memref<1x80xi32, #tpu.memory_space<vmem>> -> memref<80xi32, #tpu.memory_space<vmem>>
          %dma_start3A_178 = arith.constant 0 : i32
          %dma_start3A_179 = arith.constant 0 : i32
          %dma_start3A_180 = tpu.memref_slice %arg2[%dma_start3A_178, %dma_start3A_179] : memref<20480x128xf32, #tpu.memory_space<hbm>> -> memref<20480x128xf32, #tpu.memory_space<hbm>>
          tpu.enqueue_indirect_dma source(%dma_start3A_180 : memref<20480x128xf32, #tpu.memory_space<hbm>>) target(%arg13 : memref<80x128xf32, #tpu.memory_space<vmem>>) offsets(%dma_start3A_177 : memref<80xi32, #tpu.memory_space<vmem>>) semaphore(%arg15 : memref<!tpu.dma_semaphore, #tpu.memory_space<semaphore_mem>>)
        } else {
        }
        %mul3A_89 = arith.constant 4 : i32
        %mul3A_90 = arith.muli %add3A_62, %mul3A_89 : i32
        %add3A_91 = arith.constant 1 : i32
        %add3A_92 = arith.addi %mul3A_90, %add3A_91 : i32
        %dma_wait3A_93 = arith.constant 0 : i32
        %dma_wait3A_94 = tpu.memref_slice %arg9[%add3A_92, %dma_wait3A_93] : memref<16x80xi32, #tpu.memory_space<vmem>> -> memref<1x80xi32, #tpu.memory_space<vmem>>
        %dma_wait3A_95 = tpu.memref_squeeze %dma_wait3A_94 : memref<1x80xi32, #tpu.memory_space<vmem>> -> memref<80xi32, #tpu.memory_space<vmem>>
        %dma_wait3A_96 = arith.constant 0 : i32
        %dma_wait3A_97 = arith.constant 0 : i32
        %dma_wait3A_98 = tpu.memref_slice %arg2[%dma_wait3A_96, %dma_wait3A_97] : memref<20480x128xf32, #tpu.memory_space<hbm>> -> memref<20480x128xf32, #tpu.memory_space<hbm>>
        tpu.wait_indirect_dma semaphore(%arg15 : memref<!tpu.dma_semaphore, #tpu.memory_space<semaphore_mem>>) src(%dma_wait3A_98 : memref<20480x128xf32, #tpu.memory_space<hbm>>) dst(%arg12 : memref<80x128xf32, #tpu.memory_space<vmem>>)
        %dma_start3A_99 = arith.constant 0 : i32
        %dma_start3A_100 = tpu.memref_slice %arg10[%add3A_92, %dma_start3A_99] : memref<16x80xi32, #tpu.memory_space<vmem>> -> memref<1x80xi32, #tpu.memory_space<vmem>>
        %dma_start3A_101 = tpu.memref_squeeze %dma_start3A_100 : memref<1x80xi32, #tpu.memory_space<vmem>> -> memref<80xi32, #tpu.memory_space<vmem>>
        %dma_start3A_102 = arith.constant 0 : i32
        %dma_start3A_103 = arith.constant 0 : i32
        %dma_start3A_104 = tpu.memref_slice %arg8[%dma_start3A_102, %dma_start3A_103] : memref<10240x128xf32, #tpu.memory_space<vmem_shared>> -> memref<10240x128xf32, #tpu.memory_space<vmem_shared>>
        tpu.enqueue_indirect_dma source(%arg12 : memref<80x128xf32, #tpu.memory_space<vmem>>) target(%dma_start3A_104 : memref<10240x128xf32, #tpu.memory_space<vmem_shared>>) offsets(%dma_start3A_101 : memref<80xi32, #tpu.memory_space<vmem>>) semaphore(%arg16 : memref<!tpu.dma_semaphore, #tpu.memory_space<semaphore_mem>>) {add = true}
        %ge3A_105 = arith.constant 2 : i32
        %ge3A_106 = arith.cmpi sge, %add3A_92, %ge3A_105 : i32
        %convert_element_type3A_107 = arith.extui %ge3A_106 : i1 to i32
        %cond3A_108 = arith.constant 0 : i32
        %cond3A_109 = arith.cmpi ne, %convert_element_type3A_107, %cond3A_108 : i32
        scf.if %cond3A_109 {
          %dma_wait3A_173 = arith.constant 0 : i32
          %dma_wait3A_174 = arith.constant 0 : i32
          %dma_wait3A_175 = tpu.memref_slice %arg8[%dma_wait3A_173, %dma_wait3A_174] : memref<10240x128xf32, #tpu.memory_space<vmem_shared>> -> memref<80x128xf32, #tpu.memory_space<vmem_shared>>
          %dma_wait3A_176 = arith.constant 0 : i32
          %dma_wait3A_177 = arith.constant 0 : i32
          %dma_wait3A_178 = tpu.memref_slice %arg8[%dma_wait3A_176, %dma_wait3A_177] : memref<10240x128xf32, #tpu.memory_space<vmem_shared>> -> memref<80x128xf32, #tpu.memory_space<vmem_shared>>
          tpu.wait_dma2 semaphore(%arg16 : memref<!tpu.dma_semaphore, #tpu.memory_space<semaphore_mem>>) src(%arg14 : memref<80x128xf32, #tpu.memory_space<vmem>>) dst(%dma_wait3A_178 : memref<80x128xf32, #tpu.memory_space<vmem_shared>>)
        } else {
        }
        %add3A_110 = arith.constant 2 : i32
        %add3A_111 = arith.addi %add3A_92, %add3A_110 : i32
        %lt3A_112 = arith.constant 16 : i32
        %lt3A_113 = arith.cmpi slt, %add3A_111, %lt3A_112 : i32
        %convert_element_type3A_114 = arith.extui %lt3A_113 : i1 to i32
        %cond3A_115 = arith.constant 0 : i32
        %cond3A_116 = arith.cmpi ne, %convert_element_type3A_114, %cond3A_115 : i32
        scf.if %cond3A_116 {
          %add3A_173 = arith.constant 2 : i32
          %add3A_174 = arith.addi %add3A_92, %add3A_173 : i32
          %dma_start3A_175 = arith.constant 0 : i32
          %dma_start3A_176 = tpu.memref_slice %arg9[%add3A_174, %dma_start3A_175] : memref<16x80xi32, #tpu.memory_space<vmem>> -> memref<1x80xi32, #tpu.memory_space<vmem>>
          %dma_start3A_177 = tpu.memref_squeeze %dma_start3A_176 : memref<1x80xi32, #tpu.memory_space<vmem>> -> memref<80xi32, #tpu.memory_space<vmem>>
          %dma_start3A_178 = arith.constant 0 : i32
          %dma_start3A_179 = arith.constant 0 : i32
          %dma_start3A_180 = tpu.memref_slice %arg2[%dma_start3A_178, %dma_start3A_179] : memref<20480x128xf32, #tpu.memory_space<hbm>> -> memref<20480x128xf32, #tpu.memory_space<hbm>>
          tpu.enqueue_indirect_dma source(%dma_start3A_180 : memref<20480x128xf32, #tpu.memory_space<hbm>>) target(%arg14 : memref<80x128xf32, #tpu.memory_space<vmem>>) offsets(%dma_start3A_177 : memref<80xi32, #tpu.memory_space<vmem>>) semaphore(%arg15 : memref<!tpu.dma_semaphore, #tpu.memory_space<semaphore_mem>>)
        } else {
        }
        %mul3A_117 = arith.constant 4 : i32
        %mul3A_118 = arith.muli %add3A_62, %mul3A_117 : i32
        %add3A_119 = arith.constant 2 : i32
        %add3A_120 = arith.addi %mul3A_118, %add3A_119 : i32
        %dma_wait3A_121 = arith.constant 0 : i32
        %dma_wait3A_122 = tpu.memref_slice %arg9[%add3A_120, %dma_wait3A_121] : memref<16x80xi32, #tpu.memory_space<vmem>> -> memref<1x80xi32, #tpu.memory_space<vmem>>
        %dma_wait3A_123 = tpu.memref_squeeze %dma_wait3A_122 : memref<1x80xi32, #tpu.memory_space<vmem>> -> memref<80xi32, #tpu.memory_space<vmem>>
        %dma_wait3A_124 = arith.constant 0 : i32
        %dma_wait3A_125 = arith.constant 0 : i32
        %dma_wait3A_126 = tpu.memref_slice %arg2[%dma_wait3A_124, %dma_wait3A_125] : memref<20480x128xf32, #tpu.memory_space<hbm>> -> memref<20480x128xf32, #tpu.memory_space<hbm>>
        tpu.wait_indirect_dma semaphore(%arg15 : memref<!tpu.dma_semaphore, #tpu.memory_space<semaphore_mem>>) src(%dma_wait3A_126 : memref<20480x128xf32, #tpu.memory_space<hbm>>) dst(%arg13 : memref<80x128xf32, #tpu.memory_space<vmem>>)
        %dma_start3A_127 = arith.constant 0 : i32
        %dma_start3A_128 = tpu.memref_slice %arg10[%add3A_120, %dma_start3A_127] : memref<16x80xi32, #tpu.memory_space<vmem>> -> memref<1x80xi32, #tpu.memory_space<vmem>>
        %dma_start3A_129 = tpu.memref_squeeze %dma_start3A_128 : memref<1x80xi32, #tpu.memory_space<vmem>> -> memref<80xi32, #tpu.memory_space<vmem>>
        %dma_start3A_130 = arith.constant 0 : i32
        %dma_start3A_131 = arith.constant 0 : i32
        %dma_start3A_132 = tpu.memref_slice %arg8[%dma_start3A_130, %dma_start3A_131] : memref<10240x128xf32, #tpu.memory_space<vmem_shared>> -> memref<10240x128xf32, #tpu.memory_space<vmem_shared>>
        tpu.enqueue_indirect_dma source(%arg13 : memref<80x128xf32, #tpu.memory_space<vmem>>) target(%dma_start3A_132 : memref<10240x128xf32, #tpu.memory_space<vmem_shared>>) offsets(%dma_start3A_129 : memref<80xi32, #tpu.memory_space<vmem>>) semaphore(%arg16 : memref<!tpu.dma_semaphore, #tpu.memory_space<semaphore_mem>>) {add = true}
        %ge3A_133 = arith.constant 2 : i32
        %ge3A_134 = arith.cmpi sge, %add3A_120, %ge3A_133 : i32
        %convert_element_type3A_135 = arith.extui %ge3A_134 : i1 to i32
        %cond3A_136 = arith.constant 0 : i32
        %cond3A_137 = arith.cmpi ne, %convert_element_type3A_135, %cond3A_136 : i32
        scf.if %cond3A_137 {
          %dma_wait3A_173 = arith.constant 0 : i32
          %dma_wait3A_174 = arith.constant 0 : i32
          %dma_wait3A_175 = tpu.memref_slice %arg8[%dma_wait3A_173, %dma_wait3A_174] : memref<10240x128xf32, #tpu.memory_space<vmem_shared>> -> memref<80x128xf32, #tpu.memory_space<vmem_shared>>
          %dma_wait3A_176 = arith.constant 0 : i32
          %dma_wait3A_177 = arith.constant 0 : i32
          %dma_wait3A_178 = tpu.memref_slice %arg8[%dma_wait3A_176, %dma_wait3A_177] : memref<10240x128xf32, #tpu.memory_space<vmem_shared>> -> memref<80x128xf32, #tpu.memory_space<vmem_shared>>
          tpu.wait_dma2 semaphore(%arg16 : memref<!tpu.dma_semaphore, #tpu.memory_space<semaphore_mem>>) src(%arg11 : memref<80x128xf32, #tpu.memory_space<vmem>>) dst(%dma_wait3A_178 : memref<80x128xf32, #tpu.memory_space<vmem_shared>>)
        } else {
        }
        %add3A_138 = arith.constant 2 : i32
        %add3A_139 = arith.addi %add3A_120, %add3A_138 : i32
        %lt3A_140 = arith.constant 16 : i32
        %lt3A_141 = arith.cmpi slt, %add3A_139, %lt3A_140 : i32
        %convert_element_type3A_142 = arith.extui %lt3A_141 : i1 to i32
        %cond3A_143 = arith.constant 0 : i32
        %cond3A_144 = arith.cmpi ne, %convert_element_type3A_142, %cond3A_143 : i32
        scf.if %cond3A_144 {
          %add3A_173 = arith.constant 2 : i32
          %add3A_174 = arith.addi %add3A_120, %add3A_173 : i32
          %dma_start3A_175 = arith.constant 0 : i32
          %dma_start3A_176 = tpu.memref_slice %arg9[%add3A_174, %dma_start3A_175] : memref<16x80xi32, #tpu.memory_space<vmem>> -> memref<1x80xi32, #tpu.memory_space<vmem>>
          %dma_start3A_177 = tpu.memref_squeeze %dma_start3A_176 : memref<1x80xi32, #tpu.memory_space<vmem>> -> memref<80xi32, #tpu.memory_space<vmem>>
          %dma_start3A_178 = arith.constant 0 : i32
          %dma_start3A_179 = arith.constant 0 : i32
          %dma_start3A_180 = tpu.memref_slice %arg2[%dma_start3A_178, %dma_start3A_179] : memref<20480x128xf32, #tpu.memory_space<hbm>> -> memref<20480x128xf32, #tpu.memory_space<hbm>>
          tpu.enqueue_indirect_dma source(%dma_start3A_180 : memref<20480x128xf32, #tpu.memory_space<hbm>>) target(%arg11 : memref<80x128xf32, #tpu.memory_space<vmem>>) offsets(%dma_start3A_177 : memref<80xi32, #tpu.memory_space<vmem>>) semaphore(%arg15 : memref<!tpu.dma_semaphore, #tpu.memory_space<semaphore_mem>>)
        } else {
        }
        %mul3A_145 = arith.constant 4 : i32
        %mul3A_146 = arith.muli %add3A_62, %mul3A_145 : i32
        %add3A_147 = arith.constant 3 : i32
        %add3A_148 = arith.addi %mul3A_146, %add3A_147 : i32
        %dma_wait3A_149 = arith.constant 0 : i32
        %dma_wait3A_150 = tpu.memref_slice %arg9[%add3A_148, %dma_wait3A_149] : memref<16x80xi32, #tpu.memory_space<vmem>> -> memref<1x80xi32, #tpu.memory_space<vmem>>
        %dma_wait3A_151 = tpu.memref_squeeze %dma_wait3A_150 : memref<1x80xi32, #tpu.memory_space<vmem>> -> memref<80xi32, #tpu.memory_space<vmem>>
        %dma_wait3A_152 = arith.constant 0 : i32
        %dma_wait3A_153 = arith.constant 0 : i32
        %dma_wait3A_154 = tpu.memref_slice %arg2[%dma_wait3A_152, %dma_wait3A_153] : memref<20480x128xf32, #tpu.memory_space<hbm>> -> memref<20480x128xf32, #tpu.memory_space<hbm>>
        tpu.wait_indirect_dma semaphore(%arg15 : memref<!tpu.dma_semaphore, #tpu.memory_space<semaphore_mem>>) src(%dma_wait3A_154 : memref<20480x128xf32, #tpu.memory_space<hbm>>) dst(%arg14 : memref<80x128xf32, #tpu.memory_space<vmem>>)
        %dma_start3A_155 = arith.constant 0 : i32
        %dma_start3A_156 = tpu.memref_slice %arg10[%add3A_148, %dma_start3A_155] : memref<16x80xi32, #tpu.memory_space<vmem>> -> memref<1x80xi32, #tpu.memory_space<vmem>>
        %dma_start3A_157 = tpu.memref_squeeze %dma_start3A_156 : memref<1x80xi32, #tpu.memory_space<vmem>> -> memref<80xi32, #tpu.memory_space<vmem>>
        %dma_start3A_158 = arith.constant 0 : i32
        %dma_start3A_159 = arith.constant 0 : i32
        %dma_start3A_160 = tpu.memref_slice %arg8[%dma_start3A_158, %dma_start3A_159] : memref<10240x128xf32, #tpu.memory_space<vmem_shared>> -> memref<10240x128xf32, #tpu.memory_space<vmem_shared>>
        tpu.enqueue_indirect_dma source(%arg14 : memref<80x128xf32, #tpu.memory_space<vmem>>) target(%dma_start3A_160 : memref<10240x128xf32, #tpu.memory_space<vmem_shared>>) offsets(%dma_start3A_157 : memref<80xi32, #tpu.memory_space<vmem>>) semaphore(%arg16 : memref<!tpu.dma_semaphore, #tpu.memory_space<semaphore_mem>>) {add = true}
        %ge3A_161 = arith.constant 2 : i32
        %ge3A_162 = arith.cmpi sge, %add3A_148, %ge3A_161 : i32
        %convert_element_type3A_163 = arith.extui %ge3A_162 : i1 to i32
        %cond3A_164 = arith.constant 0 : i32
        %cond3A_165 = arith.cmpi ne, %convert_element_type3A_163, %cond3A_164 : i32
        scf.if %cond3A_165 {
          %dma_wait3A_173 = arith.constant 0 : i32
          %dma_wait3A_174 = arith.constant 0 : i32
          %dma_wait3A_175 = tpu.memref_slice %arg8[%dma_wait3A_173, %dma_wait3A_174] : memref<10240x128xf32, #tpu.memory_space<vmem_shared>> -> memref<80x128xf32, #tpu.memory_space<vmem_shared>>
          %dma_wait3A_176 = arith.constant 0 : i32
          %dma_wait3A_177 = arith.constant 0 : i32
          %dma_wait3A_178 = tpu.memref_slice %arg8[%dma_wait3A_176, %dma_wait3A_177] : memref<10240x128xf32, #tpu.memory_space<vmem_shared>> -> memref<80x128xf32, #tpu.memory_space<vmem_shared>>
          tpu.wait_dma2 semaphore(%arg16 : memref<!tpu.dma_semaphore, #tpu.memory_space<semaphore_mem>>) src(%arg12 : memref<80x128xf32, #tpu.memory_space<vmem>>) dst(%dma_wait3A_178 : memref<80x128xf32, #tpu.memory_space<vmem_shared>>)
        } else {
        }
        %add3A_166 = arith.constant 2 : i32
        %add3A_167 = arith.addi %add3A_148, %add3A_166 : i32
        %lt3A_168 = arith.constant 16 : i32
        %lt3A_169 = arith.cmpi slt, %add3A_167, %lt3A_168 : i32
        %convert_element_type3A_170 = arith.extui %lt3A_169 : i1 to i32
        %cond3A_171 = arith.constant 0 : i32
        %cond3A_172 = arith.cmpi ne, %convert_element_type3A_170, %cond3A_171 : i32
        scf.if %cond3A_172 {
          %add3A_173 = arith.constant 2 : i32
          %add3A_174 = arith.addi %add3A_148, %add3A_173 : i32
          %dma_start3A_175 = arith.constant 0 : i32
          %dma_start3A_176 = tpu.memref_slice %arg9[%add3A_174, %dma_start3A_175] : memref<16x80xi32, #tpu.memory_space<vmem>> -> memref<1x80xi32, #tpu.memory_space<vmem>>
          %dma_start3A_177 = tpu.memref_squeeze %dma_start3A_176 : memref<1x80xi32, #tpu.memory_space<vmem>> -> memref<80xi32, #tpu.memory_space<vmem>>
          %dma_start3A_178 = arith.constant 0 : i32
          %dma_start3A_179 = arith.constant 0 : i32
          %dma_start3A_180 = tpu.memref_slice %arg2[%dma_start3A_178, %dma_start3A_179] : memref<20480x128xf32, #tpu.memory_space<hbm>> -> memref<20480x128xf32, #tpu.memory_space<hbm>>
          tpu.enqueue_indirect_dma source(%dma_start3A_180 : memref<20480x128xf32, #tpu.memory_space<hbm>>) target(%arg12 : memref<80x128xf32, #tpu.memory_space<vmem>>) offsets(%dma_start3A_177 : memref<80xi32, #tpu.memory_space<vmem>>) semaphore(%arg15 : memref<!tpu.dma_semaphore, #tpu.memory_space<semaphore_mem>>)
        } else {
        }
      }
      %scan3A_46 = arith.constant 4 : i32
      %dma_wait3A = arith.constant 0 : i32
      %dma_wait3A_47 = arith.constant 0 : i32
      %dma_wait3A_48 = tpu.memref_slice %arg8[%dma_wait3A, %dma_wait3A_47] : memref<10240x128xf32, #tpu.memory_space<vmem_shared>> -> memref<80x128xf32, #tpu.memory_space<vmem_shared>>
      %dma_wait3A_49 = arith.constant 0 : i32
      %dma_wait3A_50 = arith.constant 0 : i32
      %dma_wait3A_51 = tpu.memref_slice %arg8[%dma_wait3A_49, %dma_wait3A_50] : memref<10240x128xf32, #tpu.memory_space<vmem_shared>> -> memref<80x128xf32, #tpu.memory_space<vmem_shared>>
      tpu.wait_dma2 semaphore(%arg16 : memref<!tpu.dma_semaphore, #tpu.memory_space<semaphore_mem>>) src(%arg13 : memref<80x128xf32, #tpu.memory_space<vmem>>) dst(%dma_wait3A_51 : memref<80x128xf32, #tpu.memory_space<vmem_shared>>)
      %dma_wait3A_52 = arith.constant 0 : i32
      %dma_wait3A_53 = arith.constant 0 : i32
      %dma_wait3A_54 = tpu.memref_slice %arg8[%dma_wait3A_52, %dma_wait3A_53] : memref<10240x128xf32, #tpu.memory_space<vmem_shared>> -> memref<80x128xf32, #tpu.memory_space<vmem_shared>>
      %dma_wait3A_55 = arith.constant 0 : i32
      %dma_wait3A_56 = arith.constant 0 : i32
      %dma_wait3A_57 = tpu.memref_slice %arg8[%dma_wait3A_55, %dma_wait3A_56] : memref<10240x128xf32, #tpu.memory_space<vmem_shared>> -> memref<80x128xf32, #tpu.memory_space<vmem_shared>>
      tpu.wait_dma2 semaphore(%arg16 : memref<!tpu.dma_semaphore, #tpu.memory_space<semaphore_mem>>) src(%arg14 : memref<80x128xf32, #tpu.memory_space<vmem>>) dst(%dma_wait3A_57 : memref<80x128xf32, #tpu.memory_space<vmem_shared>>)
    }
    %scan3A_6 = arith.constant 8 : i32
    %barrier3A_7 = arith.constant 0 : index
    tpu.barrier barrier_id(%barrier3A_7)
    %eq3A = arith.constant 0 : i32
    %eq3A_8 = arith.cmpi eq, %arg0, %eq3A : i32
    %convert_element_type3A = arith.extui %eq3A_8 : i1 to i32
    %cond3A = arith.constant 0 : i32
    %cond3A_9 = arith.cmpi ne, %convert_element_type3A, %cond3A : i32
    scf.if %cond3A_9 {
      %mul3A_15 = arith.constant 640 : i32
      %mul3A_16 = arith.muli %arg1, %mul3A_15 : i32
      %mul3A_17 = arith.constant 640 : i32
      %mul3A_18 = arith.muli %arg1, %mul3A_17 : i32
      "tpu.region"() ({
        %run_scoped3A = tpu.sem_alloc : memref<!tpu.dma_semaphore, #tpu.memory_space<semaphore_mem>>
        %dma_start3A = arith.constant 0 : i32
        %dma_start3A_19 = tpu.memref_slice %arg6[%mul3A_18, %dma_start3A] : memref<10240x128xf32, #tpu.memory_space<hbm>> -> memref<640x128xf32, #tpu.memory_space<hbm>>
        %dma_start3A_20 = arith.constant 0 : i32
        %dma_start3A_21 = tpu.memref_slice %arg8[%mul3A_16, %dma_start3A_20] : memref<10240x128xf32, #tpu.memory_space<vmem_shared>> -> memref<640x128xf32, #tpu.memory_space<vmem_shared>>
        tpu.enqueue_dma source(%dma_start3A_21 : memref<640x128xf32, #tpu.memory_space<vmem_shared>>) target(%dma_start3A_19 : memref<640x128xf32, #tpu.memory_space<hbm>>) target_semaphore(%run_scoped3A : memref<!tpu.dma_semaphore, #tpu.memory_space<semaphore_mem>>)
        %dma_wait3A = arith.constant 0 : i32
        %dma_wait3A_22 = tpu.memref_slice %arg6[%mul3A_18, %dma_wait3A] : memref<10240x128xf32, #tpu.memory_space<hbm>> -> memref<640x128xf32, #tpu.memory_space<hbm>>
        %dma_wait3A_23 = arith.constant 0 : i32
        %dma_wait3A_24 = tpu.memref_slice %arg8[%mul3A_16, %dma_wait3A_23] : memref<10240x128xf32, #tpu.memory_space<vmem_shared>> -> memref<640x128xf32, #tpu.memory_space<vmem_shared>>
        tpu.wait_dma2 semaphore(%run_scoped3A : memref<!tpu.dma_semaphore, #tpu.memory_space<semaphore_mem>>) src(%dma_wait3A_24 : memref<640x128xf32, #tpu.memory_space<vmem_shared>>) dst(%dma_wait3A_22 : memref<640x128xf32, #tpu.memory_space<hbm>>)
        tpu.yield
      }) : () -> ()
    } else {
    }
    %eq3A_10 = arith.constant 1 : i32
    %eq3A_11 = arith.cmpi eq, %arg0, %eq3A_10 : i32
    %convert_element_type3A_12 = arith.extui %eq3A_11 : i1 to i32
    %cond3A_13 = arith.constant 0 : i32
    %cond3A_14 = arith.cmpi ne, %convert_element_type3A_12, %cond3A_13 : i32
    scf.if %cond3A_14 {
      %mul3A_15 = arith.constant 640 : i32
      %mul3A_16 = arith.muli %arg1, %mul3A_15 : i32
      %mul3A_17 = arith.constant 640 : i32
      %mul3A_18 = arith.muli %arg1, %mul3A_17 : i32
      "tpu.region"() ({
        %run_scoped3A = tpu.sem_alloc : memref<!tpu.dma_semaphore, #tpu.memory_space<semaphore_mem>>
        %dma_start3A = arith.constant 0 : i32
        %dma_start3A_19 = tpu.memref_slice %arg7[%mul3A_18, %dma_start3A] : memref<10240x128xf32, #tpu.memory_space<hbm>> -> memref<640x128xf32, #tpu.memory_space<hbm>>
        %dma_start3A_20 = arith.constant 0 : i32
        %dma_start3A_21 = tpu.memref_slice %arg8[%mul3A_16, %dma_start3A_20] : memref<10240x128xf32, #tpu.memory_space<vmem_shared>> -> memref<640x128xf32, #tpu.memory_space<vmem_shared>>
        tpu.enqueue_dma source(%dma_start3A_21 : memref<640x128xf32, #tpu.memory_space<vmem_shared>>) target(%dma_start3A_19 : memref<640x128xf32, #tpu.memory_space<hbm>>) target_semaphore(%run_scoped3A : memref<!tpu.dma_semaphore, #tpu.memory_space<semaphore_mem>>)
        %dma_wait3A = arith.constant 0 : i32
        %dma_wait3A_22 = tpu.memref_slice %arg7[%mul3A_18, %dma_wait3A] : memref<10240x128xf32, #tpu.memory_space<hbm>> -> memref<640x128xf32, #tpu.memory_space<hbm>>
        %dma_wait3A_23 = arith.constant 0 : i32
        %dma_wait3A_24 = tpu.memref_slice %arg8[%mul3A_16, %dma_wait3A_23] : memref<10240x128xf32, #tpu.memory_space<vmem_shared>> -> memref<640x128xf32, #tpu.memory_space<vmem_shared>>
        tpu.wait_dma2 semaphore(%run_scoped3A : memref<!tpu.dma_semaphore, #tpu.memory_space<semaphore_mem>>) src(%dma_wait3A_24 : memref<640x128xf32, #tpu.memory_space<vmem_shared>>) dst(%dma_wait3A_22 : memref<640x128xf32, #tpu.memory_space<hbm>>)
        tpu.yield
      }) : () -> ()
    } else {
    }
    return
  }
}

#map = affine_map<(d0, d1) -> (0, 0)>
module attributes {stable_mosaic.version = 14 : i64} {
  func.func @_agg_body(%arg0: i32, %arg1: i32, %arg2: memref<20480x128xf32, #tpu.memory_space<hbm>>, %arg3: memref<2048x80xi32, #tpu.memory_space<hbm>>, %arg4: memref<2048x80xi32, #tpu.memory_space<hbm>>, %arg5: memref<640x128xf32, #tpu.memory_space<hbm>>, %arg6: memref<10240x128xf32, #tpu.memory_space<hbm>>, %arg7: memref<10240x128xf32, #tpu.memory_space<hbm>>, %arg8: memref<10240x128xf32, #tpu.memory_space<vmem_shared>>, %arg9: memref<16x80xi32, #tpu.memory_space<vmem>>, %arg10: memref<16x80xi32, #tpu.memory_space<vmem>>, %arg11: memref<80x128xf32, #tpu.memory_space<vmem>>, %arg12: memref<80x128xf32, #tpu.memory_space<vmem>>, %arg13: memref<80x128xf32, #tpu.memory_space<vmem>>, %arg14: memref<80x128xf32, #tpu.memory_space<vmem>>, %arg15: memref<!tpu.dma_semaphore, #tpu.memory_space<semaphore_mem>>, %arg16: memref<!tpu.dma_semaphore, #tpu.memory_space<semaphore_mem>>) attributes {dimension_semantics = [#tpu.dimension_semantics<core_parallel>, #tpu.dimension_semantics<subcore_parallel>], iteration_bounds = array<i64: 2, 16>, scalar_prefetch = 0 : i64, scratch_operands = 9 : i64, tpu.core_type = #tpu.core_type<sc_vector_subcore>, window_params = [{transform_indices = #map}, {transform_indices = #map}, {transform_indices = #map}, {transform_indices = #map}, {transform_indices = #map}, {transform_indices = #map}]} {
    %mul3A = arith.constant 640 : i32
    %mul3A_0 = arith.muli %arg1, %mul3A : i32
    "tpu.region"() ({
      %run_scoped3A = tpu.sem_alloc : memref<!tpu.dma_semaphore, #tpu.memory_space<semaphore_mem>>
      %dma_start3A = arith.constant 0 : i32
      %dma_start3A_15 = tpu.memref_slice %arg8[%mul3A_0, %dma_start3A] : memref<10240x128xf32, #tpu.memory_space<vmem_shared>> -> memref<640x128xf32, #tpu.memory_space<vmem_shared>>
      tpu.enqueue_dma source(%arg5 : memref<640x128xf32, #tpu.memory_space<hbm>>) target(%dma_start3A_15 : memref<640x128xf32, #tpu.memory_space<vmem_shared>>) target_semaphore(%run_scoped3A : memref<!tpu.dma_semaphore, #tpu.memory_space<semaphore_mem>>)
      %dma_wait3A = arith.constant 0 : i32
      %dma_wait3A_16 = tpu.memref_slice %arg8[%mul3A_0, %dma_wait3A] : memref<10240x128xf32, #tpu.memory_space<vmem_shared>> -> memref<640x128xf32, #tpu.memory_space<vmem_shared>>
      tpu.wait_dma2 semaphore(%run_scoped3A : memref<!tpu.dma_semaphore, #tpu.memory_space<semaphore_mem>>) src(%arg5 : memref<640x128xf32, #tpu.memory_space<hbm>>) dst(%dma_wait3A_16 : memref<640x128xf32, #tpu.memory_space<vmem_shared>>)
      tpu.yield
    }) : () -> ()
    %mul3A_1 = arith.constant 10240 : i32
    %mul3A_2 = arith.muli %arg0, %mul3A_1 : i32
    %barrier3A = arith.constant 0 : index
    tpu.barrier barrier_id(%barrier3A)
    %scan3A = arith.constant 0 : i32
    %scan3A_3 = arith.constant 8 : i32
    %scan3A_4 = arith.addi %scan3A, %scan3A_3 : i32
    %scan3A_5 = arith.constant 1 : i32
    scf.for %scan3A_15 = %scan3A to %scan3A_4 step %scan3A_5  : i32 {
      %mul3A_16 = arith.constant 1 : i32
      %mul3A_17 = arith.muli %scan3A_15, %mul3A_16 : i32
      %add3A = arith.constant 0 : i32
      %add3A_18 = arith.addi %add3A, %mul3A_17 : i32
      %mul3A_19 = arith.constant 128 : i32
      %mul3A_20 = arith.muli %arg1, %mul3A_19 : i32
      %mul3A_21 = arith.constant 16 : i32
      %mul3A_22 = arith.muli %add3A_18, %mul3A_21 : i32
      %add3A_23 = arith.addi %mul3A_20, %mul3A_22 : i32
      "tpu.region"() ({
        %run_scoped3A = tpu.sem_alloc : memref<!tpu.dma_semaphore, #tpu.memory_space<semaphore_mem>>
        %dma_start3A_58 = arith.constant 0 : i32
        %dma_start3A_59 = tpu.memref_slice %arg3[%add3A_23, %dma_start3A_58] : memref<2048x80xi32, #tpu.memory_space<hbm>> -> memref<16x80xi32, #tpu.memory_space<hbm>>
        %dma_start3A_60 = arith.constant 0 : i32
        %dma_start3A_61 = tpu.memref_slice %arg3[%add3A_23, %dma_start3A_60] : memref<2048x80xi32, #tpu.memory_space<hbm>> -> memref<16x80xi32, #tpu.memory_space<hbm>>
        tpu.enqueue_dma source(%dma_start3A_61 : memref<16x80xi32, #tpu.memory_space<hbm>>) target(%arg9 : memref<16x80xi32, #tpu.memory_space<vmem>>) target_semaphore(%run_scoped3A : memref<!tpu.dma_semaphore, #tpu.memory_space<semaphore_mem>>)
        %dma_wait3A_62 = arith.constant 0 : i32
        %dma_wait3A_63 = tpu.memref_slice %arg3[%add3A_23, %dma_wait3A_62] : memref<2048x80xi32, #tpu.memory_space<hbm>> -> memref<16x80xi32, #tpu.memory_space<hbm>>
        %dma_wait3A_64 = arith.constant 0 : i32
        %dma_wait3A_65 = tpu.memref_slice %arg3[%add3A_23, %dma_wait3A_64] : memref<2048x80xi32, #tpu.memory_space<hbm>> -> memref<16x80xi32, #tpu.memory_space<hbm>>
        tpu.wait_dma2 semaphore(%run_scoped3A : memref<!tpu.dma_semaphore, #tpu.memory_space<semaphore_mem>>) src(%dma_wait3A_65 : memref<16x80xi32, #tpu.memory_space<hbm>>) dst(%arg9 : memref<16x80xi32, #tpu.memory_space<vmem>>)
        tpu.yield
      }) : () -> ()
      "tpu.region"() ({
        %run_scoped3A = tpu.sem_alloc : memref<!tpu.dma_semaphore, #tpu.memory_space<semaphore_mem>>
        %dma_start3A_58 = arith.constant 0 : i32
        %dma_start3A_59 = tpu.memref_slice %arg4[%add3A_23, %dma_start3A_58] : memref<2048x80xi32, #tpu.memory_space<hbm>> -> memref<16x80xi32, #tpu.memory_space<hbm>>
        %dma_start3A_60 = arith.constant 0 : i32
        %dma_start3A_61 = tpu.memref_slice %arg4[%add3A_23, %dma_start3A_60] : memref<2048x80xi32, #tpu.memory_space<hbm>> -> memref<16x80xi32, #tpu.memory_space<hbm>>
        tpu.enqueue_dma source(%dma_start3A_61 : memref<16x80xi32, #tpu.memory_space<hbm>>) target(%arg10 : memref<16x80xi32, #tpu.memory_space<vmem>>) target_semaphore(%run_scoped3A : memref<!tpu.dma_semaphore, #tpu.memory_space<semaphore_mem>>)
        %dma_wait3A_62 = arith.constant 0 : i32
        %dma_wait3A_63 = tpu.memref_slice %arg4[%add3A_23, %dma_wait3A_62] : memref<2048x80xi32, #tpu.memory_space<hbm>> -> memref<16x80xi32, #tpu.memory_space<hbm>>
        %dma_wait3A_64 = arith.constant 0 : i32
        %dma_wait3A_65 = tpu.memref_slice %arg4[%add3A_23, %dma_wait3A_64] : memref<2048x80xi32, #tpu.memory_space<hbm>> -> memref<16x80xi32, #tpu.memory_space<hbm>>
        tpu.wait_dma2 semaphore(%run_scoped3A : memref<!tpu.dma_semaphore, #tpu.memory_space<semaphore_mem>>) src(%dma_wait3A_65 : memref<16x80xi32, #tpu.memory_space<hbm>>) dst(%arg10 : memref<16x80xi32, #tpu.memory_space<vmem>>)
        tpu.yield
      }) : () -> ()
      %scan3A_24 = arith.constant 0 : i32
      %scan3A_25 = arith.constant 16 : i32
      %scan3A_26 = arith.addi %scan3A_24, %scan3A_25 : i32
      %scan3A_27 = arith.constant 1 : i32
      scf.for %scan3A_58 = %scan3A_24 to %scan3A_26 step %scan3A_27  : i32 {
        %mul3A_59 = arith.constant 1 : i32
        %mul3A_60 = arith.muli %scan3A_58, %mul3A_59 : i32
        %add3A_61 = arith.constant 0 : i32
        %add3A_62 = arith.addi %add3A_61, %mul3A_60 : i32
        %get3A = arith.index_cast %add3A_62 : i32 to index
        %get3A_63 = arith.constant 0 : index
        %get3A_64 = tpu.vector_load %arg9[%get3A, %get3A_63] {strides = array<i32>} : memref<16x80xi32, #tpu.memory_space<vmem>>, vector<1x16xi32>,
        %get3A_65 = vector.shape_cast %get3A_64 : vector<1x16xi32> to vector<16xi32>
        %add3A_66 = vector.broadcast %mul3A_2 : i32 to vector<16xi32>
        %add3A_67 = arith.addi %get3A_65, %add3A_66 : vector<16xi32>
        %swap3A = arith.index_cast %add3A_62 : i32 to index
        %swap3A_68 = arith.constant 0 : index
        %swap3A_69 = tpu.vector_load %arg9[%swap3A, %swap3A_68] {strides = array<i32>} : memref<16x80xi32, #tpu.memory_space<vmem>>, vector<1x16xi32>,
        %swap3A_70 = vector.shape_cast %swap3A_69 : vector<1x16xi32> to vector<16xi32>
        %swap3A_71 = vector.shape_cast %add3A_67 : vector<16xi32> to vector<1x16xi32>
        tpu.vector_store %arg9[%swap3A, %swap3A_68], %swap3A_71 {strides = array<i32>} : memref<16x80xi32, #tpu.memory_space<vmem>>, vector<1x16xi32>,
        %get3A_72 = arith.index_cast %add3A_62 : i32 to index
        %get3A_73 = arith.constant 16 : index
        %get3A_74 = tpu.vector_load %arg9[%get3A_72, %get3A_73] {strides = array<i32>} : memref<16x80xi32, #tpu.memory_space<vmem>>, vector<1x16xi32>,
        %get3A_75 = vector.shape_cast %get3A_74 : vector<1x16xi32> to vector<16xi32>
        %add3A_76 = vector.broadcast %mul3A_2 : i32 to vector<16xi32>
        %add3A_77 = arith.addi %get3A_75, %add3A_76 : vector<16xi32>
        %swap3A_78 = arith.index_cast %add3A_62 : i32 to index
        %swap3A_79 = arith.constant 16 : index
        %swap3A_80 = tpu.vector_load %arg9[%swap3A_78, %swap3A_79] {strides = array<i32>} : memref<16x80xi32, #tpu.memory_space<vmem>>, vector<1x16xi32>,
        %swap3A_81 = vector.shape_cast %swap3A_80 : vector<1x16xi32> to vector<16xi32>
        %swap3A_82 = vector.shape_cast %add3A_77 : vector<16xi32> to vector<1x16xi32>
        tpu.vector_store %arg9[%swap3A_78, %swap3A_79], %swap3A_82 {strides = array<i32>} : memref<16x80xi32, #tpu.memory_space<vmem>>, vector<1x16xi32>,
        %get3A_83 = arith.index_cast %add3A_62 : i32 to index
        %get3A_84 = arith.constant 32 : index
        %get3A_85 = tpu.vector_load %arg9[%get3A_83, %get3A_84] {strides = array<i32>} : memref<16x80xi32, #tpu.memory_space<vmem>>, vector<1x16xi32>,
        %get3A_86 = vector.shape_cast %get3A_85 : vector<1x16xi32> to vector<16xi32>
        %add3A_87 = vector.broadcast %mul3A_2 : i32 to vector<16xi32>
        %add3A_88 = arith.addi %get3A_86, %add3A_87 : vector<16xi32>
        %swap3A_89 = arith.index_cast %add3A_62 : i32 to index
        %swap3A_90 = arith.constant 32 : index
        %swap3A_91 = tpu.vector_load %arg9[%swap3A_89, %swap3A_90] {strides = array<i32>} : memref<16x80xi32, #tpu.memory_space<vmem>>, vector<1x16xi32>,
        %swap3A_92 = vector.shape_cast %swap3A_91 : vector<1x16xi32> to vector<16xi32>
        %swap3A_93 = vector.shape_cast %add3A_88 : vector<16xi32> to vector<1x16xi32>
        tpu.vector_store %arg9[%swap3A_89, %swap3A_90], %swap3A_93 {strides = array<i32>} : memref<16x80xi32, #tpu.memory_space<vmem>>, vector<1x16xi32>,
        %get3A_94 = arith.index_cast %add3A_62 : i32 to index
        %get3A_95 = arith.constant 48 : index
        %get3A_96 = tpu.vector_load %arg9[%get3A_94, %get3A_95] {strides = array<i32>} : memref<16x80xi32, #tpu.memory_space<vmem>>, vector<1x16xi32>,
        %get3A_97 = vector.shape_cast %get3A_96 : vector<1x16xi32> to vector<16xi32>
        %add3A_98 = vector.broadcast %mul3A_2 : i32 to vector<16xi32>
        %add3A_99 = arith.addi %get3A_97, %add3A_98 : vector<16xi32>
        %swap3A_100 = arith.index_cast %add3A_62 : i32 to index
        %swap3A_101 = arith.constant 48 : index
        %swap3A_102 = tpu.vector_load %arg9[%swap3A_100, %swap3A_101] {strides = array<i32>} : memref<16x80xi32, #tpu.memory_space<vmem>>, vector<1x16xi32>,
        %swap3A_103 = vector.shape_cast %swap3A_102 : vector<1x16xi32> to vector<16xi32>
        %swap3A_104 = vector.shape_cast %add3A_99 : vector<16xi32> to vector<1x16xi32>
        tpu.vector_store %arg9[%swap3A_100, %swap3A_101], %swap3A_104 {strides = array<i32>} : memref<16x80xi32, #tpu.memory_space<vmem>>, vector<1x16xi32>,
        %get3A_105 = arith.index_cast %add3A_62 : i32 to index
        %get3A_106 = arith.constant 64 : index
        %get3A_107 = tpu.vector_load %arg9[%get3A_105, %get3A_106] {strides = array<i32>} : memref<16x80xi32, #tpu.memory_space<vmem>>, vector<1x16xi32>,
        %get3A_108 = vector.shape_cast %get3A_107 : vector<1x16xi32> to vector<16xi32>
        %add3A_109 = vector.broadcast %mul3A_2 : i32 to vector<16xi32>
        %add3A_110 = arith.addi %get3A_108, %add3A_109 : vector<16xi32>
        %swap3A_111 = arith.index_cast %add3A_62 : i32 to index
        %swap3A_112 = arith.constant 64 : index
        %swap3A_113 = tpu.vector_load %arg9[%swap3A_111, %swap3A_112] {strides = array<i32>} : memref<16x80xi32, #tpu.memory_space<vmem>>, vector<1x16xi32>,
        %swap3A_114 = vector.shape_cast %swap3A_113 : vector<1x16xi32> to vector<16xi32>
        %swap3A_115 = vector.shape_cast %add3A_110 : vector<16xi32> to vector<1x16xi32>
        tpu.vector_store %arg9[%swap3A_111, %swap3A_112], %swap3A_115 {strides = array<i32>} : memref<16x80xi32, #tpu.memory_space<vmem>>, vector<1x16xi32>,
      }
      %scan3A_28 = arith.constant 16 : i32
      %dma_start3A = arith.constant 0 : i32
      %dma_start3A_29 = arith.constant 0 : i32
      %dma_start3A_30 = tpu.memref_slice %arg9[%dma_start3A, %dma_start3A_29] : memref<16x80xi32, #tpu.memory_space<vmem>> -> memref<1x80xi32, #tpu.memory_space<vmem>>
      %dma_start3A_31 = tpu.memref_squeeze %dma_start3A_30 : memref<1x80xi32, #tpu.memory_space<vmem>> -> memref<80xi32, #tpu.memory_space<vmem>>
      %dma_start3A_32 = arith.constant 0 : i32
      %dma_start3A_33 = arith.constant 0 : i32
      %dma_start3A_34 = tpu.memref_slice %arg2[%dma_start3A_32, %dma_start3A_33] : memref<20480x128xf32, #tpu.memory_space<hbm>> -> memref<20480x128xf32, #tpu.memory_space<hbm>>
      tpu.enqueue_indirect_dma source(%dma_start3A_34 : memref<20480x128xf32, #tpu.memory_space<hbm>>) target(%arg11 : memref<80x128xf32, #tpu.memory_space<vmem>>) offsets(%dma_start3A_31 : memref<80xi32, #tpu.memory_space<vmem>>) semaphore(%arg15 : memref<!tpu.dma_semaphore, #tpu.memory_space<semaphore_mem>>)
      %dma_start3A_35 = arith.constant 1 : i32
      %dma_start3A_36 = arith.constant 0 : i32
      %dma_start3A_37 = tpu.memref_slice %arg9[%dma_start3A_35, %dma_start3A_36] : memref<16x80xi32, #tpu.memory_space<vmem>> -> memref<1x80xi32, #tpu.memory_space<vmem>>
      %dma_start3A_38 = tpu.memref_squeeze %dma_start3A_37 : memref<1x80xi32, #tpu.memory_space<vmem>> -> memref<80xi32, #tpu.memory_space<vmem>>
      %dma_start3A_39 = arith.constant 0 : i32
      %dma_start3A_40 = arith.constant 0 : i32
      %dma_start3A_41 = tpu.memref_slice %arg2[%dma_start3A_39, %dma_start3A_40] : memref<20480x128xf32, #tpu.memory_space<hbm>> -> memref<20480x128xf32, #tpu.memory_space<hbm>>
      tpu.enqueue_indirect_dma source(%dma_start3A_41 : memref<20480x128xf32, #tpu.memory_space<hbm>>) target(%arg12 : memref<80x128xf32, #tpu.memory_space<vmem>>) offsets(%dma_start3A_38 : memref<80xi32, #tpu.memory_space<vmem>>) semaphore(%arg15 : memref<!tpu.dma_semaphore, #tpu.memory_space<semaphore_mem>>)
      %scan3A_42 = arith.constant 0 : i32
      %scan3A_43 = arith.constant 4 : i32
      %scan3A_44 = arith.addi %scan3A_42, %scan3A_43 : i32
      %scan3A_45 = arith.constant 1 : i32
      scf.for %scan3A_58 = %scan3A_42 to %scan3A_44 step %scan3A_45  : i32 {
        %mul3A_59 = arith.constant 1 : i32
        %mul3A_60 = arith.muli %scan3A_58, %mul3A_59 : i32
        %add3A_61 = arith.constant 0 : i32
        %add3A_62 = arith.addi %add3A_61, %mul3A_60 : i32
        %mul3A_63 = arith.constant 4 : i32
        %mul3A_64 = arith.muli %add3A_62, %mul3A_63 : i32
        %add3A_65 = arith.constant 0 : i32
        %add3A_66 = arith.addi %mul3A_64, %add3A_65 : i32
        %dma_wait3A_67 = arith.constant 0 : i32
        %dma_wait3A_68 = tpu.memref_slice %arg9[%add3A_66, %dma_wait3A_67] : memref<16x80xi32, #tpu.memory_space<vmem>> -> memref<1x80xi32, #tpu.memory_space<vmem>>
        %dma_wait3A_69 = tpu.memref_squeeze %dma_wait3A_68 : memref<1x80xi32, #tpu.memory_space<vmem>> -> memref<80xi32, #tpu.memory_space<vmem>>
        %dma_wait3A_70 = arith.constant 0 : i32
        %dma_wait3A_71 = arith.constant 0 : i32
        %dma_wait3A_72 = tpu.memref_slice %arg2[%dma_wait3A_70, %dma_wait3A_71] : memref<20480x128xf32, #tpu.memory_space<hbm>> -> memref<20480x128xf32, #tpu.memory_space<hbm>>
        tpu.wait_indirect_dma semaphore(%arg15 : memref<!tpu.dma_semaphore, #tpu.memory_space<semaphore_mem>>) src(%dma_wait3A_72 : memref<20480x128xf32, #tpu.memory_space<hbm>>) dst(%arg11 : memref<80x128xf32, #tpu.memory_space<vmem>>)
        %dma_start3A_73 = arith.constant 0 : i32
        %dma_start3A_74 = tpu.memref_slice %arg10[%add3A_66, %dma_start3A_73] : memref<16x80xi32, #tpu.memory_space<vmem>> -> memref<1x80xi32, #tpu.memory_space<vmem>>
        %dma_start3A_75 = tpu.memref_squeeze %dma_start3A_74 : memref<1x80xi32, #tpu.memory_space<vmem>> -> memref<80xi32, #tpu.memory_space<vmem>>
        %dma_start3A_76 = arith.constant 0 : i32
        %dma_start3A_77 = arith.constant 0 : i32
        %dma_start3A_78 = tpu.memref_slice %arg8[%dma_start3A_76, %dma_start3A_77] : memref<10240x128xf32, #tpu.memory_space<vmem_shared>> -> memref<10240x128xf32, #tpu.memory_space<vmem_shared>>
        tpu.enqueue_indirect_dma source(%arg11 : memref<80x128xf32, #tpu.memory_space<vmem>>) target(%dma_start3A_78 : memref<10240x128xf32, #tpu.memory_space<vmem_shared>>) offsets(%dma_start3A_75 : memref<80xi32, #tpu.memory_space<vmem>>) semaphore(%arg16 : memref<!tpu.dma_semaphore, #tpu.memory_space<semaphore_mem>>) {add = true}
        %ge3A = arith.constant 2 : i32
        %ge3A_79 = arith.cmpi sge, %add3A_66, %ge3A : i32
        %convert_element_type3A_80 = arith.extui %ge3A_79 : i1 to i32
        %cond3A_81 = arith.constant 0 : i32
        %cond3A_82 = arith.cmpi ne, %convert_element_type3A_80, %cond3A_81 : i32
        scf.if %cond3A_82 {
          %dma_wait3A_173 = arith.constant 0 : i32
          %dma_wait3A_174 = arith.constant 0 : i32
          %dma_wait3A_175 = tpu.memref_slice %arg8[%dma_wait3A_173, %dma_wait3A_174] : memref<10240x128xf32, #tpu.memory_space<vmem_shared>> -> memref<80x128xf32, #tpu.memory_space<vmem_shared>>
          %dma_wait3A_176 = arith.constant 0 : i32
          %dma_wait3A_177 = arith.constant 0 : i32
          %dma_wait3A_178 = tpu.memref_slice %arg8[%dma_wait3A_176, %dma_wait3A_177] : memref<10240x128xf32, #tpu.memory_space<vmem_shared>> -> memref<80x128xf32, #tpu.memory_space<vmem_shared>>
          tpu.wait_dma2 semaphore(%arg16 : memref<!tpu.dma_semaphore, #tpu.memory_space<semaphore_mem>>) src(%arg13 : memref<80x128xf32, #tpu.memory_space<vmem>>) dst(%dma_wait3A_178 : memref<80x128xf32, #tpu.memory_space<vmem_shared>>)
        } else {
        }
        %add3A_83 = arith.constant 2 : i32
        %add3A_84 = arith.addi %add3A_66, %add3A_83 : i32
        %lt3A = arith.constant 16 : i32
        %lt3A_85 = arith.cmpi slt, %add3A_84, %lt3A : i32
        %convert_element_type3A_86 = arith.extui %lt3A_85 : i1 to i32
        %cond3A_87 = arith.constant 0 : i32
        %cond3A_88 = arith.cmpi ne, %convert_element_type3A_86, %cond3A_87 : i32
        scf.if %cond3A_88 {
          %add3A_173 = arith.constant 2 : i32
          %add3A_174 = arith.addi %add3A_66, %add3A_173 : i32
          %dma_start3A_175 = arith.constant 0 : i32
          %dma_start3A_176 = tpu.memref_slice %arg9[%add3A_174, %dma_start3A_175] : memref<16x80xi32, #tpu.memory_space<vmem>> -> memref<1x80xi32, #tpu.memory_space<vmem>>
          %dma_start3A_177 = tpu.memref_squeeze %dma_start3A_176 : memref<1x80xi32, #tpu.memory_space<vmem>> -> memref<80xi32, #tpu.memory_space<vmem>>
          %dma_start3A_178 = arith.constant 0 : i32
          %dma_start3A_179 = arith.constant 0 : i32
          %dma_start3A_180 = tpu.memref_slice %arg2[%dma_start3A_178, %dma_start3A_179] : memref<20480x128xf32, #tpu.memory_space<hbm>> -> memref<20480x128xf32, #tpu.memory_space<hbm>>
          tpu.enqueue_indirect_dma source(%dma_start3A_180 : memref<20480x128xf32, #tpu.memory_space<hbm>>) target(%arg13 : memref<80x128xf32, #tpu.memory_space<vmem>>) offsets(%dma_start3A_177 : memref<80xi32, #tpu.memory_space<vmem>>) semaphore(%arg15 : memref<!tpu.dma_semaphore, #tpu.memory_space<semaphore_mem>>)
        } else {
        }
        %mul3A_89 = arith.constant 4 : i32
        %mul3A_90 = arith.muli %add3A_62, %mul3A_89 : i32
        %add3A_91 = arith.constant 1 : i32
        %add3A_92 = arith.addi %mul3A_90, %add3A_91 : i32
        %dma_wait3A_93 = arith.constant 0 : i32
        %dma_wait3A_94 = tpu.memref_slice %arg9[%add3A_92, %dma_wait3A_93] : memref<16x80xi32, #tpu.memory_space<vmem>> -> memref<1x80xi32, #tpu.memory_space<vmem>>
        %dma_wait3A_95 = tpu.memref_squeeze %dma_wait3A_94 : memref<1x80xi32, #tpu.memory_space<vmem>> -> memref<80xi32, #tpu.memory_space<vmem>>
        %dma_wait3A_96 = arith.constant 0 : i32
        %dma_wait3A_97 = arith.constant 0 : i32
        %dma_wait3A_98 = tpu.memref_slice %arg2[%dma_wait3A_96, %dma_wait3A_97] : memref<20480x128xf32, #tpu.memory_space<hbm>> -> memref<20480x128xf32, #tpu.memory_space<hbm>>
        tpu.wait_indirect_dma semaphore(%arg15 : memref<!tpu.dma_semaphore, #tpu.memory_space<semaphore_mem>>) src(%dma_wait3A_98 : memref<20480x128xf32, #tpu.memory_space<hbm>>) dst(%arg12 : memref<80x128xf32, #tpu.memory_space<vmem>>)
        %dma_start3A_99 = arith.constant 0 : i32
        %dma_start3A_100 = tpu.memref_slice %arg10[%add3A_92, %dma_start3A_99] : memref<16x80xi32, #tpu.memory_space<vmem>> -> memref<1x80xi32, #tpu.memory_space<vmem>>
        %dma_start3A_101 = tpu.memref_squeeze %dma_start3A_100 : memref<1x80xi32, #tpu.memory_space<vmem>> -> memref<80xi32, #tpu.memory_space<vmem>>
        %dma_start3A_102 = arith.constant 0 : i32
        %dma_start3A_103 = arith.constant 0 : i32
        %dma_start3A_104 = tpu.memref_slice %arg8[%dma_start3A_102, %dma_start3A_103] : memref<10240x128xf32, #tpu.memory_space<vmem_shared>> -> memref<10240x128xf32, #tpu.memory_space<vmem_shared>>
        tpu.enqueue_indirect_dma source(%arg12 : memref<80x128xf32, #tpu.memory_space<vmem>>) target(%dma_start3A_104 : memref<10240x128xf32, #tpu.memory_space<vmem_shared>>) offsets(%dma_start3A_101 : memref<80xi32, #tpu.memory_space<vmem>>) semaphore(%arg16 : memref<!tpu.dma_semaphore, #tpu.memory_space<semaphore_mem>>) {add = true}
        %ge3A_105 = arith.constant 2 : i32
        %ge3A_106 = arith.cmpi sge, %add3A_92, %ge3A_105 : i32
        %convert_element_type3A_107 = arith.extui %ge3A_106 : i1 to i32
        %cond3A_108 = arith.constant 0 : i32
        %cond3A_109 = arith.cmpi ne, %convert_element_type3A_107, %cond3A_108 : i32
        scf.if %cond3A_109 {
          %dma_wait3A_173 = arith.constant 0 : i32
          %dma_wait3A_174 = arith.constant 0 : i32
          %dma_wait3A_175 = tpu.memref_slice %arg8[%dma_wait3A_173, %dma_wait3A_174] : memref<10240x128xf32, #tpu.memory_space<vmem_shared>> -> memref<80x128xf32, #tpu.memory_space<vmem_shared>>
          %dma_wait3A_176 = arith.constant 0 : i32
          %dma_wait3A_177 = arith.constant 0 : i32
          %dma_wait3A_178 = tpu.memref_slice %arg8[%dma_wait3A_176, %dma_wait3A_177] : memref<10240x128xf32, #tpu.memory_space<vmem_shared>> -> memref<80x128xf32, #tpu.memory_space<vmem_shared>>
          tpu.wait_dma2 semaphore(%arg16 : memref<!tpu.dma_semaphore, #tpu.memory_space<semaphore_mem>>) src(%arg14 : memref<80x128xf32, #tpu.memory_space<vmem>>) dst(%dma_wait3A_178 : memref<80x128xf32, #tpu.memory_space<vmem_shared>>)
        } else {
        }
        %add3A_110 = arith.constant 2 : i32
        %add3A_111 = arith.addi %add3A_92, %add3A_110 : i32
        %lt3A_112 = arith.constant 16 : i32
        %lt3A_113 = arith.cmpi slt, %add3A_111, %lt3A_112 : i32
        %convert_element_type3A_114 = arith.extui %lt3A_113 : i1 to i32
        %cond3A_115 = arith.constant 0 : i32
        %cond3A_116 = arith.cmpi ne, %convert_element_type3A_114, %cond3A_115 : i32
        scf.if %cond3A_116 {
          %add3A_173 = arith.constant 2 : i32
          %add3A_174 = arith.addi %add3A_92, %add3A_173 : i32
          %dma_start3A_175 = arith.constant 0 : i32
          %dma_start3A_176 = tpu.memref_slice %arg9[%add3A_174, %dma_start3A_175] : memref<16x80xi32, #tpu.memory_space<vmem>> -> memref<1x80xi32, #tpu.memory_space<vmem>>
          %dma_start3A_177 = tpu.memref_squeeze %dma_start3A_176 : memref<1x80xi32, #tpu.memory_space<vmem>> -> memref<80xi32, #tpu.memory_space<vmem>>
          %dma_start3A_178 = arith.constant 0 : i32
          %dma_start3A_179 = arith.constant 0 : i32
          %dma_start3A_180 = tpu.memref_slice %arg2[%dma_start3A_178, %dma_start3A_179] : memref<20480x128xf32, #tpu.memory_space<hbm>> -> memref<20480x128xf32, #tpu.memory_space<hbm>>
          tpu.enqueue_indirect_dma source(%dma_start3A_180 : memref<20480x128xf32, #tpu.memory_space<hbm>>) target(%arg14 : memref<80x128xf32, #tpu.memory_space<vmem>>) offsets(%dma_start3A_177 : memref<80xi32, #tpu.memory_space<vmem>>) semaphore(%arg15 : memref<!tpu.dma_semaphore, #tpu.memory_space<semaphore_mem>>)
        } else {
        }
        %mul3A_117 = arith.constant 4 : i32
        %mul3A_118 = arith.muli %add3A_62, %mul3A_117 : i32
        %add3A_119 = arith.constant 2 : i32
        %add3A_120 = arith.addi %mul3A_118, %add3A_119 : i32
        %dma_wait3A_121 = arith.constant 0 : i32
        %dma_wait3A_122 = tpu.memref_slice %arg9[%add3A_120, %dma_wait3A_121] : memref<16x80xi32, #tpu.memory_space<vmem>> -> memref<1x80xi32, #tpu.memory_space<vmem>>
        %dma_wait3A_123 = tpu.memref_squeeze %dma_wait3A_122 : memref<1x80xi32, #tpu.memory_space<vmem>> -> memref<80xi32, #tpu.memory_space<vmem>>
        %dma_wait3A_124 = arith.constant 0 : i32
        %dma_wait3A_125 = arith.constant 0 : i32
        %dma_wait3A_126 = tpu.memref_slice %arg2[%dma_wait3A_124, %dma_wait3A_125] : memref<20480x128xf32, #tpu.memory_space<hbm>> -> memref<20480x128xf32, #tpu.memory_space<hbm>>
        tpu.wait_indirect_dma semaphore(%arg15 : memref<!tpu.dma_semaphore, #tpu.memory_space<semaphore_mem>>) src(%dma_wait3A_126 : memref<20480x128xf32, #tpu.memory_space<hbm>>) dst(%arg13 : memref<80x128xf32, #tpu.memory_space<vmem>>)
        %dma_start3A_127 = arith.constant 0 : i32
        %dma_start3A_128 = tpu.memref_slice %arg10[%add3A_120, %dma_start3A_127] : memref<16x80xi32, #tpu.memory_space<vmem>> -> memref<1x80xi32, #tpu.memory_space<vmem>>
        %dma_start3A_129 = tpu.memref_squeeze %dma_start3A_128 : memref<1x80xi32, #tpu.memory_space<vmem>> -> memref<80xi32, #tpu.memory_space<vmem>>
        %dma_start3A_130 = arith.constant 0 : i32
        %dma_start3A_131 = arith.constant 0 : i32
        %dma_start3A_132 = tpu.memref_slice %arg8[%dma_start3A_130, %dma_start3A_131] : memref<10240x128xf32, #tpu.memory_space<vmem_shared>> -> memref<10240x128xf32, #tpu.memory_space<vmem_shared>>
        tpu.enqueue_indirect_dma source(%arg13 : memref<80x128xf32, #tpu.memory_space<vmem>>) target(%dma_start3A_132 : memref<10240x128xf32, #tpu.memory_space<vmem_shared>>) offsets(%dma_start3A_129 : memref<80xi32, #tpu.memory_space<vmem>>) semaphore(%arg16 : memref<!tpu.dma_semaphore, #tpu.memory_space<semaphore_mem>>) {add = true}
        %ge3A_133 = arith.constant 2 : i32
        %ge3A_134 = arith.cmpi sge, %add3A_120, %ge3A_133 : i32
        %convert_element_type3A_135 = arith.extui %ge3A_134 : i1 to i32
        %cond3A_136 = arith.constant 0 : i32
        %cond3A_137 = arith.cmpi ne, %convert_element_type3A_135, %cond3A_136 : i32
        scf.if %cond3A_137 {
          %dma_wait3A_173 = arith.constant 0 : i32
          %dma_wait3A_174 = arith.constant 0 : i32
          %dma_wait3A_175 = tpu.memref_slice %arg8[%dma_wait3A_173, %dma_wait3A_174] : memref<10240x128xf32, #tpu.memory_space<vmem_shared>> -> memref<80x128xf32, #tpu.memory_space<vmem_shared>>
          %dma_wait3A_176 = arith.constant 0 : i32
          %dma_wait3A_177 = arith.constant 0 : i32
          %dma_wait3A_178 = tpu.memref_slice %arg8[%dma_wait3A_176, %dma_wait3A_177] : memref<10240x128xf32, #tpu.memory_space<vmem_shared>> -> memref<80x128xf32, #tpu.memory_space<vmem_shared>>
          tpu.wait_dma2 semaphore(%arg16 : memref<!tpu.dma_semaphore, #tpu.memory_space<semaphore_mem>>) src(%arg11 : memref<80x128xf32, #tpu.memory_space<vmem>>) dst(%dma_wait3A_178 : memref<80x128xf32, #tpu.memory_space<vmem_shared>>)
        } else {
        }
        %add3A_138 = arith.constant 2 : i32
        %add3A_139 = arith.addi %add3A_120, %add3A_138 : i32
        %lt3A_140 = arith.constant 16 : i32
        %lt3A_141 = arith.cmpi slt, %add3A_139, %lt3A_140 : i32
        %convert_element_type3A_142 = arith.extui %lt3A_141 : i1 to i32
        %cond3A_143 = arith.constant 0 : i32
        %cond3A_144 = arith.cmpi ne, %convert_element_type3A_142, %cond3A_143 : i32
        scf.if %cond3A_144 {
          %add3A_173 = arith.constant 2 : i32
          %add3A_174 = arith.addi %add3A_120, %add3A_173 : i32
          %dma_start3A_175 = arith.constant 0 : i32
          %dma_start3A_176 = tpu.memref_slice %arg9[%add3A_174, %dma_start3A_175] : memref<16x80xi32, #tpu.memory_space<vmem>> -> memref<1x80xi32, #tpu.memory_space<vmem>>
          %dma_start3A_177 = tpu.memref_squeeze %dma_start3A_176 : memref<1x80xi32, #tpu.memory_space<vmem>> -> memref<80xi32, #tpu.memory_space<vmem>>
          %dma_start3A_178 = arith.constant 0 : i32
          %dma_start3A_179 = arith.constant 0 : i32
          %dma_start3A_180 = tpu.memref_slice %arg2[%dma_start3A_178, %dma_start3A_179] : memref<20480x128xf32, #tpu.memory_space<hbm>> -> memref<20480x128xf32, #tpu.memory_space<hbm>>
          tpu.enqueue_indirect_dma source(%dma_start3A_180 : memref<20480x128xf32, #tpu.memory_space<hbm>>) target(%arg11 : memref<80x128xf32, #tpu.memory_space<vmem>>) offsets(%dma_start3A_177 : memref<80xi32, #tpu.memory_space<vmem>>) semaphore(%arg15 : memref<!tpu.dma_semaphore, #tpu.memory_space<semaphore_mem>>)
        } else {
        }
        %mul3A_145 = arith.constant 4 : i32
        %mul3A_146 = arith.muli %add3A_62, %mul3A_145 : i32
        %add3A_147 = arith.constant 3 : i32
        %add3A_148 = arith.addi %mul3A_146, %add3A_147 : i32
        %dma_wait3A_149 = arith.constant 0 : i32
        %dma_wait3A_150 = tpu.memref_slice %arg9[%add3A_148, %dma_wait3A_149] : memref<16x80xi32, #tpu.memory_space<vmem>> -> memref<1x80xi32, #tpu.memory_space<vmem>>
        %dma_wait3A_151 = tpu.memref_squeeze %dma_wait3A_150 : memref<1x80xi32, #tpu.memory_space<vmem>> -> memref<80xi32, #tpu.memory_space<vmem>>
        %dma_wait3A_152 = arith.constant 0 : i32
        %dma_wait3A_153 = arith.constant 0 : i32
        %dma_wait3A_154 = tpu.memref_slice %arg2[%dma_wait3A_152, %dma_wait3A_153] : memref<20480x128xf32, #tpu.memory_space<hbm>> -> memref<20480x128xf32, #tpu.memory_space<hbm>>
        tpu.wait_indirect_dma semaphore(%arg15 : memref<!tpu.dma_semaphore, #tpu.memory_space<semaphore_mem>>) src(%dma_wait3A_154 : memref<20480x128xf32, #tpu.memory_space<hbm>>) dst(%arg14 : memref<80x128xf32, #tpu.memory_space<vmem>>)
        %dma_start3A_155 = arith.constant 0 : i32
        %dma_start3A_156 = tpu.memref_slice %arg10[%add3A_148, %dma_start3A_155] : memref<16x80xi32, #tpu.memory_space<vmem>> -> memref<1x80xi32, #tpu.memory_space<vmem>>
        %dma_start3A_157 = tpu.memref_squeeze %dma_start3A_156 : memref<1x80xi32, #tpu.memory_space<vmem>> -> memref<80xi32, #tpu.memory_space<vmem>>
        %dma_start3A_158 = arith.constant 0 : i32
        %dma_start3A_159 = arith.constant 0 : i32
        %dma_start3A_160 = tpu.memref_slice %arg8[%dma_start3A_158, %dma_start3A_159] : memref<10240x128xf32, #tpu.memory_space<vmem_shared>> -> memref<10240x128xf32, #tpu.memory_space<vmem_shared>>
        tpu.enqueue_indirect_dma source(%arg14 : memref<80x128xf32, #tpu.memory_space<vmem>>) target(%dma_start3A_160 : memref<10240x128xf32, #tpu.memory_space<vmem_shared>>) offsets(%dma_start3A_157 : memref<80xi32, #tpu.memory_space<vmem>>) semaphore(%arg16 : memref<!tpu.dma_semaphore, #tpu.memory_space<semaphore_mem>>) {add = true}
        %ge3A_161 = arith.constant 2 : i32
        %ge3A_162 = arith.cmpi sge, %add3A_148, %ge3A_161 : i32
        %convert_element_type3A_163 = arith.extui %ge3A_162 : i1 to i32
        %cond3A_164 = arith.constant 0 : i32
        %cond3A_165 = arith.cmpi ne, %convert_element_type3A_163, %cond3A_164 : i32
        scf.if %cond3A_165 {
          %dma_wait3A_173 = arith.constant 0 : i32
          %dma_wait3A_174 = arith.constant 0 : i32
          %dma_wait3A_175 = tpu.memref_slice %arg8[%dma_wait3A_173, %dma_wait3A_174] : memref<10240x128xf32, #tpu.memory_space<vmem_shared>> -> memref<80x128xf32, #tpu.memory_space<vmem_shared>>
          %dma_wait3A_176 = arith.constant 0 : i32
          %dma_wait3A_177 = arith.constant 0 : i32
          %dma_wait3A_178 = tpu.memref_slice %arg8[%dma_wait3A_176, %dma_wait3A_177] : memref<10240x128xf32, #tpu.memory_space<vmem_shared>> -> memref<80x128xf32, #tpu.memory_space<vmem_shared>>
          tpu.wait_dma2 semaphore(%arg16 : memref<!tpu.dma_semaphore, #tpu.memory_space<semaphore_mem>>) src(%arg12 : memref<80x128xf32, #tpu.memory_space<vmem>>) dst(%dma_wait3A_178 : memref<80x128xf32, #tpu.memory_space<vmem_shared>>)
        } else {
        }
        %add3A_166 = arith.constant 2 : i32
        %add3A_167 = arith.addi %add3A_148, %add3A_166 : i32
        %lt3A_168 = arith.constant 16 : i32
        %lt3A_169 = arith.cmpi slt, %add3A_167, %lt3A_168 : i32
        %convert_element_type3A_170 = arith.extui %lt3A_169 : i1 to i32
        %cond3A_171 = arith.constant 0 : i32
        %cond3A_172 = arith.cmpi ne, %convert_element_type3A_170, %cond3A_171 : i32
        scf.if %cond3A_172 {
          %add3A_173 = arith.constant 2 : i32
          %add3A_174 = arith.addi %add3A_148, %add3A_173 : i32
          %dma_start3A_175 = arith.constant 0 : i32
          %dma_start3A_176 = tpu.memref_slice %arg9[%add3A_174, %dma_start3A_175] : memref<16x80xi32, #tpu.memory_space<vmem>> -> memref<1x80xi32, #tpu.memory_space<vmem>>
          %dma_start3A_177 = tpu.memref_squeeze %dma_start3A_176 : memref<1x80xi32, #tpu.memory_space<vmem>> -> memref<80xi32, #tpu.memory_space<vmem>>
          %dma_start3A_178 = arith.constant 0 : i32
          %dma_start3A_179 = arith.constant 0 : i32
          %dma_start3A_180 = tpu.memref_slice %arg2[%dma_start3A_178, %dma_start3A_179] : memref<20480x128xf32, #tpu.memory_space<hbm>> -> memref<20480x128xf32, #tpu.memory_space<hbm>>
          tpu.enqueue_indirect_dma source(%dma_start3A_180 : memref<20480x128xf32, #tpu.memory_space<hbm>>) target(%arg12 : memref<80x128xf32, #tpu.memory_space<vmem>>) offsets(%dma_start3A_177 : memref<80xi32, #tpu.memory_space<vmem>>) semaphore(%arg15 : memref<!tpu.dma_semaphore, #tpu.memory_space<semaphore_mem>>)
        } else {
        }
      }
      %scan3A_46 = arith.constant 4 : i32
      %dma_wait3A = arith.constant 0 : i32
      %dma_wait3A_47 = arith.constant 0 : i32
      %dma_wait3A_48 = tpu.memref_slice %arg8[%dma_wait3A, %dma_wait3A_47] : memref<10240x128xf32, #tpu.memory_space<vmem_shared>> -> memref<80x128xf32, #tpu.memory_space<vmem_shared>>
      %dma_wait3A_49 = arith.constant 0 : i32
      %dma_wait3A_50 = arith.constant 0 : i32
      %dma_wait3A_51 = tpu.memref_slice %arg8[%dma_wait3A_49, %dma_wait3A_50] : memref<10240x128xf32, #tpu.memory_space<vmem_shared>> -> memref<80x128xf32, #tpu.memory_space<vmem_shared>>
      tpu.wait_dma2 semaphore(%arg16 : memref<!tpu.dma_semaphore, #tpu.memory_space<semaphore_mem>>) src(%arg13 : memref<80x128xf32, #tpu.memory_space<vmem>>) dst(%dma_wait3A_51 : memref<80x128xf32, #tpu.memory_space<vmem_shared>>)
      %dma_wait3A_52 = arith.constant 0 : i32
      %dma_wait3A_53 = arith.constant 0 : i32
      %dma_wait3A_54 = tpu.memref_slice %arg8[%dma_wait3A_52, %dma_wait3A_53] : memref<10240x128xf32, #tpu.memory_space<vmem_shared>> -> memref<80x128xf32, #tpu.memory_space<vmem_shared>>
      %dma_wait3A_55 = arith.constant 0 : i32
      %dma_wait3A_56 = arith.constant 0 : i32
      %dma_wait3A_57 = tpu.memref_slice %arg8[%dma_wait3A_55, %dma_wait3A_56] : memref<10240x128xf32, #tpu.memory_space<vmem_shared>> -> memref<80x128xf32, #tpu.memory_space<vmem_shared>>
      tpu.wait_dma2 semaphore(%arg16 : memref<!tpu.dma_semaphore, #tpu.memory_space<semaphore_mem>>) src(%arg14 : memref<80x128xf32, #tpu.memory_space<vmem>>) dst(%dma_wait3A_57 : memref<80x128xf32, #tpu.memory_space<vmem_shared>>)
    }
    %scan3A_6 = arith.constant 8 : i32
    %barrier3A_7 = arith.constant 0 : index
    tpu.barrier barrier_id(%barrier3A_7)
    %eq3A = arith.constant 0 : i32
    %eq3A_8 = arith.cmpi eq, %arg0, %eq3A : i32
    %convert_element_type3A = arith.extui %eq3A_8 : i1 to i32
    %cond3A = arith.constant 0 : i32
    %cond3A_9 = arith.cmpi ne, %convert_element_type3A, %cond3A : i32
    scf.if %cond3A_9 {
      %mul3A_15 = arith.constant 640 : i32
      %mul3A_16 = arith.muli %arg1, %mul3A_15 : i32
      %mul3A_17 = arith.constant 640 : i32
      %mul3A_18 = arith.muli %arg1, %mul3A_17 : i32
      "tpu.region"() ({
        %run_scoped3A = tpu.sem_alloc : memref<!tpu.dma_semaphore, #tpu.memory_space<semaphore_mem>>
        %dma_start3A = arith.constant 0 : i32
        %dma_start3A_19 = tpu.memref_slice %arg6[%mul3A_18, %dma_start3A] : memref<10240x128xf32, #tpu.memory_space<hbm>> -> memref<640x128xf32, #tpu.memory_space<hbm>>
        %dma_start3A_20 = arith.constant 0 : i32
        %dma_start3A_21 = tpu.memref_slice %arg8[%mul3A_16, %dma_start3A_20] : memref<10240x128xf32, #tpu.memory_space<vmem_shared>> -> memref<640x128xf32, #tpu.memory_space<vmem_shared>>
        tpu.enqueue_dma source(%dma_start3A_21 : memref<640x128xf32, #tpu.memory_space<vmem_shared>>) target(%dma_start3A_19 : memref<640x128xf32, #tpu.memory_space<hbm>>) target_semaphore(%run_scoped3A : memref<!tpu.dma_semaphore, #tpu.memory_space<semaphore_mem>>)
        %dma_wait3A = arith.constant 0 : i32
        %dma_wait3A_22 = tpu.memref_slice %arg6[%mul3A_18, %dma_wait3A] : memref<10240x128xf32, #tpu.memory_space<hbm>> -> memref<640x128xf32, #tpu.memory_space<hbm>>
        %dma_wait3A_23 = arith.constant 0 : i32
        %dma_wait3A_24 = tpu.memref_slice %arg8[%mul3A_16, %dma_wait3A_23] : memref<10240x128xf32, #tpu.memory_space<vmem_shared>> -> memref<640x128xf32, #tpu.memory_space<vmem_shared>>
        tpu.wait_dma2 semaphore(%run_scoped3A : memref<!tpu.dma_semaphore, #tpu.memory_space<semaphore_mem>>) src(%dma_wait3A_24 : memref<640x128xf32, #tpu.memory_space<vmem_shared>>) dst(%dma_wait3A_22 : memref<640x128xf32, #tpu.memory_space<hbm>>)
        tpu.yield
      }) : () -> ()
    } else {
    }
    %eq3A_10 = arith.constant 1 : i32
    %eq3A_11 = arith.cmpi eq, %arg0, %eq3A_10 : i32
    %convert_element_type3A_12 = arith.extui %eq3A_11 : i1 to i32
    %cond3A_13 = arith.constant 0 : i32
    %cond3A_14 = arith.cmpi ne, %convert_element_type3A_12, %cond3A_13 : i32
    scf.if %cond3A_14 {
      %mul3A_15 = arith.constant 640 : i32
      %mul3A_16 = arith.muli %arg1, %mul3A_15 : i32
      %mul3A_17 = arith.constant 640 : i32
      %mul3A_18 = arith.muli %arg1, %mul3A_17 : i32
      "tpu.region"() ({
        %run_scoped3A = tpu.sem_alloc : memref<!tpu.dma_semaphore, #tpu.memory_space<semaphore_mem>>
        %dma_start3A = arith.constant 0 : i32
        %dma_start3A_19 = tpu.memref_slice %arg7[%mul3A_18, %dma_start3A] : memref<10240x128xf32, #tpu.memory_space<hbm>> -> memref<640x128xf32, #tpu.memory_space<hbm>>
        %dma_start3A_20 = arith.constant 0 : i32
        %dma_start3A_21 = tpu.memref_slice %arg8[%mul3A_16, %dma_start3A_20] : memref<10240x128xf32, #tpu.memory_space<vmem_shared>> -> memref<640x128xf32, #tpu.memory_space<vmem_shared>>
        tpu.enqueue_dma source(%dma_start3A_21 : memref<640x128xf32, #tpu.memory_space<vmem_shared>>) target(%dma_start3A_19 : memref<640x128xf32, #tpu.memory_space<hbm>>) target_semaphore(%run_scoped3A : memref<!tpu.dma_semaphore, #tpu.memory_space<semaphore_mem>>)
        %dma_wait3A = arith.constant 0 : i32
        %dma_wait3A_22 = tpu.memref_slice %arg7[%mul3A_18, %dma_wait3A] : memref<10240x128xf32, #tpu.memory_space<hbm>> -> memref<640x128xf32, #tpu.memory_space<hbm>>
        %dma_wait3A_23 = arith.constant 0 : i32
        %dma_wait3A_24 = tpu.memref_slice %arg8[%mul3A_16, %dma_wait3A_23] : memref<10240x128xf32, #tpu.memory_space<vmem_shared>> -> memref<640x128xf32, #tpu.memory_space<vmem_shared>>
        tpu.wait_dma2 semaphore(%run_scoped3A : memref<!tpu.dma_semaphore, #tpu.memory_space<semaphore_mem>>) src(%dma_wait3A_24 : memref<640x128xf32, #tpu.memory_space<vmem_shared>>) dst(%dma_wait3A_22 : memref<640x128xf32, #tpu.memory_space<hbm>>)
        tpu.yield
      }) : () -> ()
    } else {
    }
    return
  }
}

module attributes {stable_mosaic.version = 14 : i64} {
  func.func @_tc1_body(%arg0: i32, %arg1: i32, %arg2: memref<1024x256xf32, #tpu.memory_space<vmem>>, %arg3: memref<256x128xbf16, #tpu.memory_space<vmem>>, %arg4: memref<1024x1xf32, #tpu.memory_space<vmem>>, %arg5: memref<1024x128xf32, #tpu.memory_space<vmem>>) attributes {dimension_semantics = [#tpu.dimension_semantics<arbitrary>, #tpu.dimension_semantics<arbitrary>], iteration_bounds = array<i64: 10, 2>, scalar_prefetch = 0 : i64, scratch_operands = 0 : i64, tpu.core_type = #tpu.core_type<tc>, window_params = [{transform_indices = @transform_0, window_bounds = array<i64: 1024, 256>}, {transform_indices = @transform_1, window_bounds = array<i64: 256, 128>}, {transform_indices = @transform_2, window_bounds = array<i64: 1024, 1>}, {transform_indices = @transform_3, window_bounds = array<i64: 1024, 128>}]} {
    %get3A = arith.constant 0 : index
    %get3A_0 = arith.constant 0 : index
    %get3A_1 = vector.load %arg2[%get3A, %get3A_0] : memref<1024x256xf32, #tpu.memory_space<vmem>>, vector<1024x256xf32>
    %convert_element_type3A = arith.truncf %get3A_1 : vector<1024x256xf32> to vector<1024x256xbf16>
    %get3A_2 = arith.constant 0 : index
    %get3A_3 = arith.constant 0 : index
    %get3A_4 = vector.load %arg3[%get3A_2, %get3A_3] : memref<256x128xbf16, #tpu.memory_space<vmem>>, vector<256x128xbf16>
    %dot_general3A = arith.constant dense<0.000000e+00> : vector<1024x128xf32>
    %dot_general3A_5 = tpu.matmul %convert_element_type3A, %get3A_4, %dot_general3A {dimension_numbers = #tpu.dot_dimension_numbers<[1], [0], [0], [1], [0, 0, 1, 1], [], []>, transpose_lhs_hint = false} : vector<1024x256xbf16>, vector<256x128xbf16>, vector<1024x128xf32> -> vector<1024x128xf32>
    %get3A_6 = arith.constant 0 : index
    %get3A_7 = arith.constant 0 : index
    %get3A_8 = vector.load %arg4[%get3A_6, %get3A_7] : memref<1024x1xf32, #tpu.memory_space<vmem>>, vector<1024x1xf32>
    %mul3A = vector.broadcast %get3A_8 : vector<1024x1xf32> to vector<1024x128xf32>
    %mul3A_9 = arith.mulf %dot_general3A_5, %mul3A : vector<1024x128xf32>
    %swap3A = arith.constant 0 : index
    %swap3A_10 = arith.constant 0 : index
    %swap3A_11 = vector.load %arg5[%swap3A, %swap3A_10] : memref<1024x128xf32, #tpu.memory_space<vmem>>, vector<1024x128xf32>
    tpu.vector_store %arg5[%swap3A, %swap3A_10], %mul3A_9 {strides = array<i32>} : memref<1024x128xf32, #tpu.memory_space<vmem>>, vector<1024x128xf32>,
    return
  }
  func.func @transform_0(%arg0: i32, %arg1: i32) -> (i32, i32) {
    %c0_i32 = arith.constant 0 : i32
    %c0_i32_0 = arith.constant 0 : i32
    return %arg0, %c0_i32 : i32, i32
  }
  func.func @transform_1(%arg0: i32, %arg1: i32) -> (i32, i32) {
    %c0_i32 = arith.constant 0 : i32
    %c0_i32_0 = arith.constant 0 : i32
    return %c0_i32, %arg1 : i32, i32
  }
  func.func @transform_2(%arg0: i32, %arg1: i32) -> (i32, i32) {
    %c0_i32 = arith.constant 0 : i32
    %c0_i32_0 = arith.constant 0 : i32
    return %arg0, %c0_i32 : i32, i32
  }
  func.func @transform_3(%arg0: i32, %arg1: i32) -> (i32, i32) {
    %mul3A = arith.constant 10 : i32
    %mul3A_0 = arith.muli %arg1, %mul3A : i32
    %add3A = arith.addi %mul3A_0, %arg0 : i32
    %c0_i32 = arith.constant 0 : i32
    %c0_i32_1 = arith.constant 0 : i32
    return %add3A, %c0_i32 : i32, i32
  }
}

module attributes {stable_mosaic.version = 14 : i64} {
  func.func @_tc2_body(%arg0: i32, %arg1: i32, %arg2: memref<1024x128xf32, #tpu.memory_space<vmem>>, %arg3: memref<1024x128xf32, #tpu.memory_space<vmem>>, %arg4: memref<1024x1xf32, #tpu.memory_space<vmem>>, %arg5: memref<1x256xf32, #tpu.memory_space<vmem>>, %arg6: memref<256x128xbf16, #tpu.memory_space<vmem>>, %arg7: memref<1024x128xf32, #tpu.memory_space<vmem>>) attributes {dimension_semantics = [#tpu.dimension_semantics<arbitrary>, #tpu.dimension_semantics<arbitrary>], iteration_bounds = array<i64: 10, 2>, scalar_prefetch = 0 : i64, scratch_operands = 0 : i64, tpu.core_type = #tpu.core_type<tc>, window_params = [{transform_indices = @transform_0, window_bounds = array<i64: 1024, 128>}, {transform_indices = @transform_1, window_bounds = array<i64: 1024, 128>}, {transform_indices = @transform_2, window_bounds = array<i64: 1024, 1>}, {pipeline_mode = #tpu.pipeline_mode<synchronous>, transform_indices = @transform_3, window_bounds = array<i64: 1, 256>}, {transform_indices = @transform_4, window_bounds = array<i64: 256, 128>}, {transform_indices = @transform_5, window_bounds = array<i64: 1024, 128>}]} {
    %get3A = arith.constant 0 : index
    %get3A_0 = arith.constant 0 : index
    %get3A_1 = vector.load %arg2[%get3A, %get3A_0] : memref<1024x128xf32, #tpu.memory_space<vmem>>, vector<1024x128xf32>
    %get3A_2 = arith.constant 0 : index
    %get3A_3 = arith.constant 0 : index
    %get3A_4 = vector.load %arg3[%get3A_2, %get3A_3] : memref<1024x128xf32, #tpu.memory_space<vmem>>, vector<1024x128xf32>
    %concatenate3A = tpu.concatenate %get3A_1, %get3A_4 in 1 : vector<1024x128xf32>, vector<1024x128xf32> -> vector<1024x256xf32>
    %get3A_5 = arith.constant 0 : index
    %get3A_6 = arith.constant 0 : index
    %get3A_7 = vector.load %arg4[%get3A_5, %get3A_6] : memref<1024x1xf32, #tpu.memory_space<vmem>>, vector<1024x1xf32>
    %mul3A = vector.broadcast %get3A_7 : vector<1024x1xf32> to vector<1024x256xf32>
    %mul3A_8 = arith.mulf %concatenate3A, %mul3A : vector<1024x256xf32>
    %get3A_9 = arith.constant 0 : index
    %get3A_10 = arith.constant 0 : index
    %get3A_11 = vector.load %arg5[%get3A_9, %get3A_10] : memref<1x256xf32, #tpu.memory_space<vmem>>, vector<1x256xf32>
    %add3A = vector.broadcast %get3A_11 : vector<1x256xf32> to vector<1024x256xf32>
    %add3A_12 = arith.addf %mul3A_8, %add3A : vector<1024x256xf32>
    %max3A = arith.constant 0.000000e+00 : f32
    %max3A_13 = vector.broadcast %max3A : f32 to vector<1024x256xf32>
    %max3A_14 = arith.maximumf %add3A_12, %max3A_13 : vector<1024x256xf32>
    %convert_element_type3A = arith.truncf %max3A_14 : vector<1024x256xf32> to vector<1024x256xbf16>
    %get3A_15 = arith.constant 0 : index
    %get3A_16 = arith.constant 0 : index
    %get3A_17 = vector.load %arg6[%get3A_15, %get3A_16] : memref<256x128xbf16, #tpu.memory_space<vmem>>, vector<256x128xbf16>
    %dot_general3A = arith.constant dense<0.000000e+00> : vector<1024x128xf32>
    %dot_general3A_18 = tpu.matmul %convert_element_type3A, %get3A_17, %dot_general3A {dimension_numbers = #tpu.dot_dimension_numbers<[1], [0], [0], [1], [0, 0, 1, 1], [], []>, transpose_lhs_hint = false} : vector<1024x256xbf16>, vector<256x128xbf16>, vector<1024x128xf32> -> vector<1024x128xf32>
    %get3A_19 = arith.constant 0 : index
    %get3A_20 = arith.constant 0 : index
    %get3A_21 = vector.load %arg4[%get3A_19, %get3A_20] : memref<1024x1xf32, #tpu.memory_space<vmem>>, vector<1024x1xf32>
    %mul3A_22 = vector.broadcast %get3A_21 : vector<1024x1xf32> to vector<1024x128xf32>
    %mul3A_23 = arith.mulf %dot_general3A_18, %mul3A_22 : vector<1024x128xf32>
    %swap3A = arith.constant 0 : index
    %swap3A_24 = arith.constant 0 : index
    %swap3A_25 = vector.load %arg7[%swap3A, %swap3A_24] : memref<1024x128xf32, #tpu.memory_space<vmem>>, vector<1024x128xf32>
    tpu.vector_store %arg7[%swap3A, %swap3A_24], %mul3A_23 {strides = array<i32>} : memref<1024x128xf32, #tpu.memory_space<vmem>>, vector<1024x128xf32>,
    return
  }
  func.func @transform_0(%arg0: i32, %arg1: i32) -> (i32, i32) {
    %c0_i32 = arith.constant 0 : i32
    %c0_i32_0 = arith.constant 0 : i32
    return %arg0, %c0_i32 : i32, i32
  }
  func.func @transform_1(%arg0: i32, %arg1: i32) -> (i32, i32) {
    %c0_i32 = arith.constant 0 : i32
    %c0_i32_0 = arith.constant 0 : i32
    return %arg0, %c0_i32 : i32, i32
  }
  func.func @transform_2(%arg0: i32, %arg1: i32) -> (i32, i32) {
    %c0_i32 = arith.constant 0 : i32
    %c0_i32_0 = arith.constant 0 : i32
    return %arg0, %c0_i32 : i32, i32
  }
  func.func @transform_3(%arg0: i32, %arg1: i32) -> (i32, i32) {
    %c0_i32 = arith.constant 0 : i32
    %c0_i32_0 = arith.constant 0 : i32
    %c0_i32_1 = arith.constant 0 : i32
    return %c0_i32, %c0_i32_0 : i32, i32
  }
  func.func @transform_4(%arg0: i32, %arg1: i32) -> (i32, i32) {
    %c0_i32 = arith.constant 0 : i32
    %c0_i32_0 = arith.constant 0 : i32
    return %c0_i32, %arg1 : i32, i32
  }
  func.func @transform_5(%arg0: i32, %arg1: i32) -> (i32, i32) {
    %mul3A = arith.constant 10 : i32
    %mul3A_0 = arith.muli %arg1, %mul3A : i32
    %add3A = arith.addi %mul3A_0, %arg0 : i32
    %c0_i32 = arith.constant 0 : i32
    %c0_i32_1 = arith.constant 0 : i32
    return %add3A, %c0_i32 : i32, i32
  }
}

module attributes {stable_mosaic.version = 14 : i64} {
  func.func @_tc3_body(%arg0: i32, %arg1: memref<1000x128xf32, #tpu.memory_space<vmem>>, %arg2: memref<1000x128xf32, #tpu.memory_space<vmem>>, %arg3: memref<1000x1xf32, #tpu.memory_space<vmem>>, %arg4: memref<1x256xf32, #tpu.memory_space<vmem>>, %arg5: memref<1000x256xf32, #tpu.memory_space<vmem>>) attributes {dimension_semantics = [#tpu.dimension_semantics<arbitrary>], iteration_bounds = array<i64: 10>, scalar_prefetch = 0 : i64, scratch_operands = 0 : i64, tpu.core_type = #tpu.core_type<tc>, window_params = [{transform_indices = @transform_0, window_bounds = array<i64: 1000, 128>}, {transform_indices = @transform_1, window_bounds = array<i64: 1000, 128>}, {transform_indices = @transform_2, window_bounds = array<i64: 1000, 1>}, {pipeline_mode = #tpu.pipeline_mode<synchronous>, transform_indices = @transform_3, window_bounds = array<i64: 1, 256>}, {transform_indices = @transform_4, window_bounds = array<i64: 1000, 256>}]} {
    %get3A = arith.constant 0 : index
    %get3A_0 = arith.constant 0 : index
    %get3A_1 = vector.load %arg1[%get3A, %get3A_0] : memref<1000x128xf32, #tpu.memory_space<vmem>>, vector<1000x128xf32>
    %get3A_2 = arith.constant 0 : index
    %get3A_3 = arith.constant 0 : index
    %get3A_4 = vector.load %arg2[%get3A_2, %get3A_3] : memref<1000x128xf32, #tpu.memory_space<vmem>>, vector<1000x128xf32>
    %concatenate3A = tpu.concatenate %get3A_1, %get3A_4 in 1 : vector<1000x128xf32>, vector<1000x128xf32> -> vector<1000x256xf32>
    %get3A_5 = arith.constant 0 : index
    %get3A_6 = arith.constant 0 : index
    %get3A_7 = vector.load %arg3[%get3A_5, %get3A_6] : memref<1000x1xf32, #tpu.memory_space<vmem>>, vector<1000x1xf32>
    %mul3A = vector.broadcast %get3A_7 : vector<1000x1xf32> to vector<1000x256xf32>
    %mul3A_8 = arith.mulf %concatenate3A, %mul3A : vector<1000x256xf32>
    %get3A_9 = arith.constant 0 : index
    %get3A_10 = arith.constant 0 : index
    %get3A_11 = vector.load %arg4[%get3A_9, %get3A_10] : memref<1x256xf32, #tpu.memory_space<vmem>>, vector<1x256xf32>
    %add3A = vector.broadcast %get3A_11 : vector<1x256xf32> to vector<1000x256xf32>
    %add3A_12 = arith.addf %mul3A_8, %add3A : vector<1000x256xf32>
    %swap3A = arith.constant 0 : index
    %swap3A_13 = arith.constant 0 : index
    %swap3A_14 = vector.load %arg5[%swap3A, %swap3A_13] : memref<1000x256xf32, #tpu.memory_space<vmem>>, vector<1000x256xf32>
    tpu.vector_store %arg5[%swap3A, %swap3A_13], %add3A_12 {strides = array<i32>} : memref<1000x256xf32, #tpu.memory_space<vmem>>, vector<1000x256xf32>,
    return
  }
  func.func @transform_0(%arg0: i32) -> (i32, i32) {
    %c0_i32 = arith.constant 0 : i32
    %c0_i32_0 = arith.constant 0 : i32
    return %arg0, %c0_i32 : i32, i32
  }
  func.func @transform_1(%arg0: i32) -> (i32, i32) {
    %c0_i32 = arith.constant 0 : i32
    %c0_i32_0 = arith.constant 0 : i32
    return %arg0, %c0_i32 : i32, i32
  }
  func.func @transform_2(%arg0: i32) -> (i32, i32) {
    %c0_i32 = arith.constant 0 : i32
    %c0_i32_0 = arith.constant 0 : i32
    return %arg0, %c0_i32 : i32, i32
  }
  func.func @transform_3(%arg0: i32) -> (i32, i32) {
    %c0_i32 = arith.constant 0 : i32
    %c0_i32_0 = arith.constant 0 : i32
    %c0_i32_1 = arith.constant 0 : i32
    return %c0_i32, %c0_i32_0 : i32, i32
  }
  func.func @transform_4(%arg0: i32) -> (i32, i32) {
    %c0_i32 = arith.constant 0 : i32
    %c0_i32_0 = arith.constant 0 : i32
    return %arg0, %c0_i32 : i32, i32
  }
}

</mosaic_0001>

<sc_bundles>
// kernel: kernel.11.cloned.1.call-start
scs
__scs_entry_jumppad:
0x0: {  	(pc) =	sbr.rel $0x88, $3  }
0x1: {  	(tag) =	ssettag $0x0;
	lr =	simm.s32 $0x1  }
0x2: {  	[smem:$0x3F9B] =	sst lr;
	_ =	strace $0xD0000000  }
0x3: {  	_ = 	snop  }
0x4: {  	_ = 	snop  }
0x5: {  	_ = 	snop  }
0x6: {  	_ = 	snop  }
0x7: {  	_ = 	snop  }
__scs_overlays_trampoline_lowered:
0x8: {  	[smem:$0x3FAA] =	sst s0  }
0x9: {  	[smem:$0x3FAB] =	sst s1  }
0xa: {  	[smem:$0x3FAC] =	sst s2  }
0xb: {  	[smem:$0x3FAD] =	sst s3  }
0xc: {  	[smem:$0x3FAE] =	sst s4  }
0xd: {  	[smem:$0x3FAF] =	sst s5  }
0xe: {  	[smem:$0x3FB0] =	sst s6  }
0xf: {  	[smem:$0x3FB1] =	sst s7  }
0x10: {  	[smem:$0x3FB2] =	sst s8  }
0x11: {  	[smem:$0x3FB3] =	sst s9;
	s0 =	simm.s32 @!p0 $0x0  }
0x12: {  	s1 =	sld [smem:$0x3F99];
	s0 =	simm.s32 @p0 $0x1  }
0x13: {  	[smem:$0x3FB4] =	sst s0;
	s0 =	simm.s32 @!p1 $0x0  }
0x14: {  	s2 =	sld [smem:$0x3F98];
	s0 =	simm.s32 @p1 $0x1  }
0x15: {  	[smem:$0x3FB5] =	sst s0;
	s0 =	simm.s32 @!p2 $0x0  }
0x16: {  	s3 =	sld [smem:$0x3FDB];
	s0 =	simm.s32 @p2 $0x1  }
0x17: {  	s4 =	simm.s32 $0x1BF5;
	[smem:$0x3FB7] =	sst s0  }
0x18: {  	s0 =	sld [smem:$0x3F9A];
	_ =	swait.ge [sflag:s4], $0x0  }
0x19: {  	s7 =	sld [smem:$0x3F9B]  }
0x1a: {  	s8 =	sadd.s32 $0xFFFFE003, lr  }
0x1b: {  	s9 =	sadd.s32 $0xFFFFFEF7, lr;
	s5 =	simm.s32 $0xFFFFFFFF;
	p2 =	slt.u32 s8, $0xFFFFF086  }
0x1c: {  	p1 =	slt.u32 s9, $0xF7A;
	s5 =	simm.s32 @!p2 $0x0  }
0x1d: {  	s5 =	simm.s32 @p1 $0x1;
	p0 =	seq.s32 s7, s2  }
0x1e: {  	s7 =	smul.u32 @!p0 $0xF7A, s2;
	p2 =	seq.s32 @!p0 s5, $0x0  }
0x1f: {  	s9 =	smul.u32 $0xF7A, s1;
	s8 =	simm.s32 @!p0 $0x1BF5;
	p2 =	por !p2, p0  }
0x20: {  	[sflag:s8] =	ssyncset.s32 @!p0 $0xFFFFF086;
	s6 =	sadd.s32 @!p0 s3, s7;
	s7 =	simm.s32 @!p0 $0x108  }
0x21: {  	s3 =	sadd.s32 s3, s9;
	s6 =	sadd.s32 @!p0 $0x88, s6;
	s7 =	simm.s32 @p2 $0x1082  }
0x22: {  	[simem:s7], [sflag:s8] =	dma.local @!p0 [hbm:s6], $0xF7A  }
0x23: {  	s9 =	sor.u32 $0xD0000000, s2;
	s6 =	simm.s32 $0x108;
	_ =	swait.ge @!p0 [sflag:s8], $0x0  }
0x24: {  	s3 =	sadd.s32 $0x88, s3;
	s6 =	simm.s32 @!p1 $0x1082;
	[sflag:s4] =	ssyncset.s32 $0xFFFFF086  }
0x25: {  	[simem:s6], [sflag:s4] =	dma.local [hbm:s3], $0xF7A  }
0x26: {  	[smem:$0x3F9B] =	sst s1;
	(tag) =	ssettag s2;
	_ =	strace s9  }
0x27: {  	s1 =	sld [smem:$0x3FAB]  }
0x28: {  	s2 =	sld [smem:$0x3FAC]  }
0x29: {  	s4 =	sld [smem:$0x3FAE]  }
0x2a: {  	p0 =	seq.s32 s5, $0x0;
	s5 =	sld [smem:$0x3FAF]  }
0x2b: {  	s6 =	sld [smem:$0x3FB0]  }
0x2c: {  	s7 =	sld [smem:$0x3FB1]  }
0x2d: {  	s3 =	simm.s32 $0x108;
	s8 =	sld [smem:$0x3FB2]  }
0x2e: {  	s3 =	simm.s32 @!p0 $0x1082;
	s9 =	sld [smem:$0x3FB3]  }
0x2f: {  	lr =	sadd.s32 s0, s3;
	s0 =	sld [smem:$0x3FAA]  }
0x30: {  	s3 =	sld [smem:$0x3FAD]  }
0x31: {  	[smem:$0x3FB6] =	sst s10  }
0x32: {  	s10 =	sld [smem:$0x3FB4];
	_ =	sdelay $0x3  }
0x33: {  	p0 =	seq.s32 s10, $0x1;
	s10 =	sld [smem:$0x3FB6];
	_ =	sdelay $0x3  }
0x34: {  	[smem:$0x3FB6] =	sst s10  }
0x35: {  	s10 =	sld [smem:$0x3FB5];
	_ =	sdelay $0x3  }
0x36: {  	p1 =	seq.s32 s10, $0x1;
	s10 =	sld [smem:$0x3FB6];
	_ =	sdelay $0x3  }
0x37: {  	[smem:$0x3FB6] =	sst s10  }
0x38: {  	s10 =	sld [smem:$0x3FB7]  }
0x39: {  	_ = 	snop;
	(pc) =	sbr.ind lr, $3  }
0x3a: {  	_ = 	snop  }
0x3b: {  	_ = 	snop  }
0x3c: {  	p2 =	seq.s32 s10, $0x1;
	s10 =	sld [smem:$0x3FB6]  }
0x3d: {  	_ =	shalt  }
0x3e: {  	_ =	shalt  }
0x3f: {  	_ =	shalt  }
0x40: {  	_ =	shalt  }
0x41: {  	_ =	shalt  }
0x42: {  	_ =	shalt  }
0x43: {  	_ =	shalt  }
0x44: {  	_ =	shalt  }
0x45: {  	_ =	shalt  }
0x46: {  	_ =	shalt  }
0x47: {  	_ =	shalt  }
0x48: {  	_ =	shalt  }
0x49: {  	_ =	shalt  }
0x4a: {  	_ =	shalt  }
0x4b: {  	_ =	shalt  }
0x4c: {  	_ =	shalt  }
0x4d: {  	_ =	shalt  }
0x4e: {  	_ =	shalt  }
0x4f: {  	_ =	shalt  }
0x50: {  	_ =	shalt  }
0x51: {  	_ =	shalt  }
0x52: {  	_ =	shalt  }
0x53: {  	_ =	shalt  }
0x54: {  	_ =	shalt  }
0x55: {  	_ =	shalt  }
0x56: {  	_ =	shalt  }
0x57: {  	_ =	shalt  }
0x58: {  	_ =	shalt  }
0x59: {  	_ =	shalt  }
0x5a: {  	_ =	shalt  }
0x5b: {  	_ =	shalt  }
0x5c: {  	_ =	shalt  }
0x5d: {  	_ =	shalt  }
0x5e: {  	_ =	shalt  }
0x5f: {  	_ =	shalt  }
0x60: {  	_ =	shalt  }
0x61: {  	_ =	shalt  }
0x62: {  	_ =	shalt  }
0x63: {  	_ =	shalt  }
0x64: {  	_ =	shalt  }
0x65: {  	_ =	shalt  }
0x66: {  	_ =	shalt  }
0x67: {  	_ =	shalt  }
0x68: {  	_ =	shalt  }
0x69: {  	_ =	shalt  }
0x6a: {  	_ =	shalt  }
0x6b: {  	_ =	shalt  }
0x6c: {  	_ =	shalt  }
0x6d: {  	_ =	shalt  }
0x6e: {  	_ =	shalt  }
0x6f: {  	_ =	shalt  }
0x70: {  	_ =	shalt  }
0x71: {  	_ =	shalt  }
0x72: {  	_ =	shalt  }
0x73: {  	_ =	shalt  }
0x74: {  	_ =	shalt  }
0x75: {  	_ =	shalt  }
0x76: {  	_ =	shalt  }
0x77: {  	_ =	shalt  }
0x78: {  	_ =	shalt  }
0x79: {  	_ =	shalt  }
0x7a: {  	_ =	shalt  }
0x7b: {  	_ =	shalt  }
0x7c: {  	_ =	shalt  }
0x7d: {  	_ =	shalt  }
0x7e: {  	_ =	shalt  }
0x7f: {  	_ =	shalt  }
0x80: {  	_ =	shalt  }
0x81: {  	_ =	shalt  }
0x82: {  	_ =	shalt  }
0x83: {  	_ =	shalt  }
0x84: {  	_ =	shalt  }
0x85: {  	_ =	shalt  }
0x86: {  	_ =	shalt  }
0x87: {  	_ =	shalt  }
.Lfunc_end0:
.L_simem_size_0:
called_computation.1_lowered:
.L_overlay_start_0:
0x88: {  	s2 =	sld [smem:$0x3FD9]  }
0x89: {  	s3 =	sld [smem:$0x3FFE];
	_ =	sdelay $0x1  }
0x8a: {  	s1 =	srdreg.scid  }
0x8b: {  	s0 =	sand.u32 $0x1, s1  }
0x8c: {  	s17 =	sshll.u32 s0, $0xA;
	s2 =	sadd.s32 s3, s2  }
0x8d: {  	s2 =	sadd.s32 s2, s17  }
0x8e: {  	[smem:$0x3FC2] =	sst s2  }
0x8f: {  	_ = 	snop  }
0x90: {  	s2 =	sld [smem:$0x3FD0];
	(tm) =	ssettm $0x1  }
0x91: {  	s18 =	sld [smem:$0x3FFB];
	_ =	sdelay $0x3  }
0x92: {  	_ =	strace s18  }
0x93: {  	s3 =	sld [smem:$0x3FFC];
	_ =	sdelay $0x3  }
0x94: {  	_ =	strace s3  }
0x95: {  	s3 =	sld [smem:$0x3FFD];
	_ =	sdelay $0x3  }
0x96: {  	_ =	strace s3  }
0x97: {  	_ =	strace $0x8FFFFFFF  }
0x98: {  	s19 =	sld [smem:$0x3FDB];
	_ =	sdelay $0x1  }
0x99: {  	s4 =	simm.s32 $_scs_section_size  }
0x9a: {  	s5 =	simm.s32 $_size__tile_overlayer_lowered;
	s6 =	simm.s32 $_tile_overlayer_lowered  }
0x9b: {  	s22 =	simm.s32 $0x1BFF;
	s21 =	sshll.u32 s6, $0x1;
	s3 =	sadd.s32 s4, s19  }
0x9c: {  	s7 =	simm.s32 $0x0;
	s20 =	sshll.u32 s5, $0x1;
	s5 =	sadd.s32 s21, s3  }
0x9d: {  	[timem:s7], [sflag:s22] =	dma.local [hbm:s5], s20  }
0x9e: {  	_ =	swait.ge [sflag:s22], s20  }
0x9f: {  	s4 =	ssub.s32 $0x0, s20;
	[sflag:s22] =	ssyncset.done $0x0  }
0xa0: {  	[sflag:s22] =	ssyncadd.s32 s4;
	_ =	sdelay $0x1  }
0xa1: {  	s23 =	simm.s32 $0x1B8B  }
0xa2: {  	_ =	swait.ge [sflag:s23], $0x1  }
0xa3: {  	[sflag:s23] =	ssyncset.done $0x0  }
0xa4: {  	s25 =	simm.s32 $0x1B8E;
	s24 =	sld [smem:$0x3FFE];
	[sflag:s23] =	ssyncadd.s32 $0xFFFFFFFF  }
0xa5: {  	s26 =	simm.s32 $execute0_lowered;
	[smem:$0x3FD2] =	sst s25  }
0xa6: {  	s5 =	sshll.u32 s26, $0x1;
	_ =	strace $0x80000049;
	[dreg:$0x1] =	wrdreg $0xFFFFFFFF  }
0xa7: {  	s28 =	simm.s32 $_size_execute0_lowered;
	s3 =	sadd.s32 s3, s5;
	[dreg:$0x0] =	wrdreg $0x0  }
0xa8: {  	s5 =	sshll.u32 s28, $0x1;
	[dreg:$0x2] =	wrdreg s3  }
0xa9: {  	[dreg:$0x3] =	wrdreg s5  }
0xaa: {  	[dreg:$0x4] =	wrdreg $0xC0  }
0xab: {  	_ =	task [dreg:s7], $0x5FFFF  }
0xac: {  	[dreg:$0x1] =	wrdreg $0xFFFFFFFF  }
0xad: {  	[dreg:$0x0] =	wrdreg $0x60  }
0xae: {  	[dreg:$0x2] =	wrdreg s24  }
0xaf: {  	[dreg:$0x3] =	wrdreg s2  }
0xb0: {  	[dreg:$0x4] =	wrdreg $0x0  }
0xb1: {  	[dreg:$0x5] =	wrdreg $0x9  }
0xb2: {  	_ =	task.clear_ibuf [dreg:s7], $0x6FFFF;
	_ =	strace $0x90000049  }
0xb3: {  	s29 =	simm.s32 $0x9;
	_ =	strace $0x8000004B  }
0xb4: {  	_ =	swait.ge [sflag:s29], $0x1  }
0xb5: {  	[sflag:s29] =	ssyncadd.s32 $0xFFFFFFFF  }
0xb6: {  	_ =	strace $0x9000004B  }
0xb7: {  	_ =	sfence  }
0xb8: {  	s30 =	sld [smem:$0x0];
	_ =	sdelay $0x2  }
0xb9: {  	s31 =	sshll.u32 s1, $0xD;
	s1 =	sshrl.u32 s1, $0x2  }
0xba: {  	s3 =	sand.u32 $0x4000, s31;
	s1 =	sadd.s32 s1, s30  }
0xbb: {  	s0 =	sor.u32 s3, s0;
	s1 =	sshll.u32 s1, $0x11  }
0xbc: {  	s0 =	sor.u32 s1, s0  }
0xbd: {  	s0 =	sadd.s32 $0x8F2B, s0  }
0xbe: {  	[sflag:s0] =	ssyncadd.remote.s32 $0x1  }
0xbf: {  	_ =	sfence.sel $0xFFFF  }
0xc0: {  	[dreg:$0x0] =	wrdreg $0xFFFFFFFF;
	(pc) =	sbr.abs _section_cstart, $3  }
0xc1: {  	[dreg:$0x1] =	wrdreg $0xFFFFFFFF  }
0xc2: {  	_ =	task.clear_ibuf [dreg:s7], $0x2FFFF;
	_ =	strace $0x9FFFFFFF  }
0xc3: {  	(tm) =	ssettm $0x7FFFFFFF  }
tec
execute0_lowered:
.L_overlay_start_1:
0x0: {  	(tag) =	ssettag $0x1  }
0x1: {  	s0 =	rddreg [dreg:$0x0]  }
0x2: {  	s2 =	rddreg [dreg:$0x1]  }
0x3: {  	s1 =	rddreg [dreg:$0x2]  }
0x4: {  	s12 =	simm.s32 $0x0;
	s3 =	srdreg.scid;
	s11 =	stileid.u32  }
0x5: {  	s13 =	simm.s32 $0x3;
	s14 =	simm.s32 $0x14000;
	s15 =	simm.s32 $0x14800  }
0x6: {  	s16 =	simm.s32 $0x50;
	s17 =	simm.s32 $0x15000;
	s19 =	simm.s32 $0x17800  }
0x7: {  	s20 =	simm.s32 $0x1;
	s22 =	simm.s32 $0x1A000;
	s28 =	simm.s32 $0x2  }
0x8: {  	s23 =	simm.s32 $0x14C80;
	s29 =	simm.s32 $0x14600;
	s30 =	simm.s32 $0x14D80  }
0x9: {  	s31 =	simm.s32 $0x14680;
	[smem:$0x7FF] =	sst s12;
	s4 =	sadd.s32 $0x12400, s0  }
0xa: {  	s3 =	sand.u32 $0x1, s3;
	s5 =	sadd.s32 $0xA400, s0;
	s8 =	smul.u32 $0x50000, s11  }
0xb: {  	s6 =	sadd.s32 $0x2000, s0;
	s9 =	sadd.s32 $0x62400, s0;
	s0 =	sadd.s32 $0x64C00, s0  }
0xc: {  	s25 =	sshll.u32 s11, $0x6;
	s26 =	smul.u32 $0x2800, s11;
	_ =	strace $0x8000004A  }
0xd: {  	s7 =	ssub.s32 $0x2, s3;
	[dreg:$0x5] =	wrdreg s9;
	s10 =	smul.u32 $0x2800, s3  }
0xe: {  	s18 =	sor.u32 $0x1C03, s25;
	p0 =	seq.s32 s3, $0x1;
	s9 =	sshll.u32 s11, $0xB  }
0xf: {  	s25 =	simm.s32 $0x1C800;
	s3 =	simm.s32 $0x14700;
	s11 =	simm.s32 $0x14F00  }
0x10: {  	s24 =	sshrl.u32 s7, $0x1;
	s8 =	sshrl.u32 s8, $0x2;
	s2 =	smov.u32 @p0 s0  }
0x11: {  	[dreg:$0x6] =	wrdreg s18;
	s7 =	ssub.s32 s7, s24;
	s8 =	sadd.s32 s8, s1  }
0x12: {  	s0 =	sadd.s32 s2, s26;
	s24 =	simm.s32 $0x14580;
	s26 =	simm.s32 $0x14D00  }
0x13: {  	v0 =	vmov s10;
	s10 =	simm.s32 $0x14780;
	s7 =	smax.u32 s7, $0x1;
	[dreg:$0x8] =	wrdreg s0  }
0x14: {  	s21 =	sshrl.u32 s8, $0x3;
	s0 =	simm.s32 $0x14E00;
	[dreg:$0x7] =	wrdreg s7  }
0x15: {  	s8 =	simm.s32 $0x14F80;
	s7 =	simm.s32 $0x14E80;
	[dreg:$0x9] =	wrdreg s21  }
.LBB2_1:
0x16: {  	[dreg:$0x4] =	wrdreg s12  }
0x17: {  	s2 =	rddreg [dreg:$0x5]  }
0x18: {  	[spmem:s21], [sflag:s18] =	dma.local [hbm:s2], $0x2800  }
0x19: {  	_ =	swait.ge [sflag:s13], $0x2800  }
0x1a: {  	[sflag:s13] =	ssyncset.done $0x0  }
0x1b: {  	[sflag:s13] =	ssyncadd.s32 $0xFFFFD800  }
0x1c: {  	s12 =	simm.s32 $0x0;
	[bflag:$0x0] =	sbarrier.arrive $0xFFFF  }
.LBB2_2:
0x1d: {  	s2 =	sshll.u32 s12, $0x8  }
0x1e: {  	s2 =	sadd.s32 s9, s2  }
0x1f: {  	s21 =	simm.s32 $0x0;
	s18 =	sadd.s32 s5, s2  }
0x20: {  	[tilespmem:s14], [sflag:$0x3] =	stream.linear.gather [hbm4b:s18+s21], $0x800, $0x38;
	[tilespmem:$0x1F000] =	vst v63  }
0x21: {  	_ =	swait.ge [sflag:s13], $0x800  }
0x22: {  	[sflag:s13] =	ssyncset.done $0x0  }
0x23: {  	s2 =	sadd.s32 s6, s2;
	[sflag:s13] =	ssyncadd.s32 $0xFFFFF800  }
0x24: {  	[tilespmem:s15], [sflag:$0x3] =	stream.linear.gather [hbm4b:s2+s21], $0x800, $0x38;
	[tilespmem:$0x1F000] =	vst v63  }
0x25: {  	_ =	swait.ge [sflag:s13], $0x800  }
0x26: {  	[sflag:s13] =	ssyncset.done $0x0  }
0x27: {  	s2 =	simm.s32 $0x0;
	[sflag:s13] =	ssyncadd.s32 $0xFFFFF800  }
0x28: {  	v4 =	vld [tilespmem:s2+$0x14000]  }
0x29: {  	v3 =	vld [tilespmem:s2+$0x14010]  }
0x2a: {  	v2 =	vld [tilespmem:s2+$0x14020]  }
0x2b: {  	s18 =	simm.s32 $0x200;
	v1 =	vld [tilespmem:s2+$0x14030]  }
.LBB2_3:
0x2c: {  	p0 =	sne.s32 s18, $0x1E00;
	v5 =	vld [tilespmem:s2+$0x14040]  }
0x2d: {  	v4 =	vadd.s32 v0, v4  }
.Ltmp0:
0x2e: {  	s21 =	sshra.s32 s18, $0x2;
	[tilespmem:s2+$0x14000] =	vst v4;
	v3 =	vadd.s32 v0, v3;
	(pc) =	sbr.rel @p0 .LBB2_3-.Ltmp0, $4  }
0x2f: {  	v4 =	vld [tilespmem:s21+$0x14000];
	[tilespmem:s2+$0x14010] =	vst v3;
	v2 =	vadd.s32 v0, v2  }
0x30: {  	v3 =	vld [tilespmem:s21+$0x14010];
	[tilespmem:s2+$0x14020] =	vst v2;
	v1 =	vadd.s32 v0, v1  }
0x31: {  	v2 =	vld [tilespmem:s21+$0x14020];
	[tilespmem:s2+$0x14030] =	vst v1;
	v5 =	vadd.s32 v0, v5  }
0x32: {  	s18 =	sadd.s32 $0x200, s18;
	v1 =	vld [tilespmem:s21+$0x14030];
	[tilespmem:s2+$0x14040] =	vst v5;
	s2 =	smov.u32 s21  }
0x33: {  	v5 =	vld [tilespmem:s2+$0x14040]  }
0x34: {  	v4 =	vadd.s32 v0, v4  }
0x35: {  	[tilespmem:s2+$0x14000] =	vst v4;
	v3 =	vadd.s32 v0, v3  }
0x36: {  	[tilespmem:s2+$0x14010] =	vst v3;
	v2 =	vadd.s32 v0, v2  }
0x37: {  	[tilespmem:s2+$0x14020] =	vst v2;
	v1 =	vadd.s32 v0, v1  }
0x38: {  	[tilespmem:s2+$0x14030] =	vst v1;
	v1 =	vadd.s32 v0, v5  }
0x39: {  	[tilespmem:s2+$0x14040] =	vst v1  }
0x3a: {  	[tilespmem:s17], [sflag:$0x1] =	stream.indirect.gather [hbm4b:s4+s16], $0x80, s14, s16, $0xb8;
	[tilespmem:$0x1F000] =	vst v63  }
0x3b: {  	s18 =	simm.s32 $0x14080  }
0x3c: {  	[tilespmem:s19], [sflag:$0x1] =	stream.indirect.gather [hbm4b:s4+s16], $0x80, s18, s16, $0xb8;
	[tilespmem:$0x1F000] =	vst v63  }
0x3d: {  	_ =	swait.ge [sflag:s20], $0x2800  }
0x3e: {  	[sflag:s20] =	ssyncset.done $0x0  }
0x3f: {  	[sflag:s20] =	ssyncadd.s32 $0xFFFFD800  }
0x40: {  	[spmem:s1] =	stream.indirect.scatter.add.f32 [tilespmem:s17], [sflag:$0x2], $0x80, s15, s16, $0xb8;
	[tilespmem:$0x1F000] =	vst v63  }
0x41: {  	s21 =	simm.s32 $0x14100  }
0x42: {  	[tilespmem:s22], [sflag:$0x1] =	stream.indirect.gather [hbm4b:s4+s16], $0x80, s21, s16, $0xb8;
	[tilespmem:$0x1F000] =	vst v63  }
0x43: {  	_ =	swait.ge [sflag:s20], $0x2800  }
0x44: {  	[sflag:s20] =	ssyncset.done $0x0  }
0x45: {  	s18 =	simm.s32 $0x14880;
	[sflag:s20] =	ssyncadd.s32 $0xFFFFD800  }
0x46: {  	[spmem:s1] =	stream.indirect.scatter.add.f32 [tilespmem:s19], [sflag:$0x2], $0x80, s18, s16, $0xb8;
	[tilespmem:$0x1F000] =	vst v63  }
0x47: {  	s21 =	simm.s32 $0x14180  }
0x48: {  	[tilespmem:s25], [sflag:$0x1] =	stream.indirect.gather [hbm4b:s4+s16], $0x80, s21, s16, $0xb8;
	[tilespmem:$0x1F000] =	vst v63  }
0x49: {  	_ =	swait.ge [sflag:s20], $0x2800  }
0x4a: {  	[sflag:s20] =	ssyncset.done $0x0  }
0x4b: {  	s18 =	simm.s32 $0x14900;
	[sflag:s20] =	ssyncadd.s32 $0xFFFFD800  }
0x4c: {  	[spmem:s1] =	stream.indirect.scatter.add.f32 [tilespmem:s22], [sflag:$0x2], $0x80, s18, s16, $0xb8;
	[tilespmem:$0x1F000] =	vst v63  }
0x4d: {  	_ =	swait.ge [sflag:s28], $0x2800  }
0x4e: {  	[sflag:s28] =	ssyncset.done $0x0  }
0x4f: {  	s21 =	simm.s32 $0x14200;
	[sflag:s28] =	ssyncadd.s32 $0xFFFFD800  }
0x50: {  	[tilespmem:s17], [sflag:$0x1] =	stream.indirect.gather [hbm4b:s4+s16], $0x80, s21, s16, $0xb8;
	[tilespmem:$0x1F000] =	vst v63  }
0x51: {  	_ =	swait.ge [sflag:s20], $0x2800  }
0x52: {  	[sflag:s20] =	ssyncset.done $0x0  }
0x53: {  	s18 =	simm.s32 $0x14980;
	[sflag:s20] =	ssyncadd.s32 $0xFFFFD800  }
0x54: {  	[spmem:s1] =	stream.indirect.scatter.add.f32 [tilespmem:s25], [sflag:$0x2], $0x80, s18, s16, $0xb8;
	[tilespmem:$0x1F000] =	vst v63  }
0x55: {  	_ =	swait.ge [sflag:s28], $0x2800  }
0x56: {  	[sflag:s28] =	ssyncset.done $0x0  }
0x57: {  	s21 =	simm.s32 $0x14280;
	[sflag:s28] =	ssyncadd.s32 $0xFFFFD800  }
0x58: {  	[tilespmem:s19], [sflag:$0x1] =	stream.indirect.gather [hbm4b:s4+s16], $0x80, s21, s16, $0xb8;
	[tilespmem:$0x1F000] =	vst v63  }
0x59: {  	_ =	swait.ge [sflag:s20], $0x2800  }
0x5a: {  	[sflag:s20] =	ssyncset.done $0x0  }
0x5b: {  	s18 =	simm.s32 $0x14A00;
	[sflag:s20] =	ssyncadd.s32 $0xFFFFD800  }
0x5c: {  	[spmem:s1] =	stream.indirect.scatter.add.f32 [tilespmem:s17], [sflag:$0x2], $0x80, s18, s16, $0xb8;
	[tilespmem:$0x1F000] =	vst v63  }
0x5d: {  	_ =	swait.ge [sflag:s28], $0x2800  }
0x5e: {  	[sflag:s28] =	ssyncset.done $0x0  }
0x5f: {  	s21 =	simm.s32 $0x14300;
	[sflag:s28] =	ssyncadd.s32 $0xFFFFD800  }
0x60: {  	[tilespmem:s22], [sflag:$0x1] =	stream.indirect.gather [hbm4b:s4+s16], $0x80, s21, s16, $0xb8;
	[tilespmem:$0x1F000] =	vst v63  }
0x61: {  	_ =	swait.ge [sflag:s20], $0x2800  }
0x62: {  	[sflag:s20] =	ssyncset.done $0x0  }
0x63: {  	s18 =	simm.s32 $0x14A80;
	[sflag:s20] =	ssyncadd.s32 $0xFFFFD800  }
0x64: {  	[spmem:s1] =	stream.indirect.scatter.add.f32 [tilespmem:s19], [sflag:$0x2], $0x80, s18, s16, $0xb8;
	[tilespmem:$0x1F000] =	vst v63  }
0x65: {  	_ =	swait.ge [sflag:s28], $0x2800  }
0x66: {  	[sflag:s28] =	ssyncset.done $0x0  }
0x67: {  	s21 =	simm.s32 $0x14380;
	[sflag:s28] =	ssyncadd.s32 $0xFFFFD800  }
0x68: {  	[tilespmem:s25], [sflag:$0x1] =	stream.indirect.gather [hbm4b:s4+s16], $0x80, s21, s16, $0xb8;
	[tilespmem:$0x1F000] =	vst v63  }
0x69: {  	_ =	swait.ge [sflag:s20], $0x2800  }
0x6a: {  	[sflag:s20] =	ssyncset.done $0x0  }
0x6b: {  	s18 =	simm.s32 $0x14B00;
	[sflag:s20] =	ssyncadd.s32 $0xFFFFD800  }
0x6c: {  	[spmem:s1] =	stream.indirect.scatter.add.f32 [tilespmem:s22], [sflag:$0x2], $0x80, s18, s16, $0xb8;
	[tilespmem:$0x1F000] =	vst v63  }
0x6d: {  	_ =	swait.ge [sflag:s28], $0x2800  }
0x6e: {  	[sflag:s28] =	ssyncset.done $0x0  }
0x6f: {  	s21 =	simm.s32 $0x14400;
	[sflag:s28] =	ssyncadd.s32 $0xFFFFD800  }
0x70: {  	[tilespmem:s17], [sflag:$0x1] =	stream.indirect.gather [hbm4b:s4+s16], $0x80, s21, s16, $0xb8;
	[tilespmem:$0x1F000] =	vst v63  }
0x71: {  	_ =	swait.ge [sflag:s20], $0x2800  }
0x72: {  	[sflag:s20] =	ssyncset.done $0x0  }
0x73: {  	s18 =	simm.s32 $0x14B80;
	[sflag:s20] =	ssyncadd.s32 $0xFFFFD800  }
0x74: {  	[spmem:s1] =	stream.indirect.scatter.add.f32 [tilespmem:s25], [sflag:$0x2], $0x80, s18, s16, $0xb8;
	[tilespmem:$0x1F000] =	vst v63  }
0x75: {  	_ =	swait.ge [sflag:s28], $0x2800  }
0x76: {  	[sflag:s28] =	ssyncset.done $0x0  }
0x77: {  	s21 =	simm.s32 $0x14480;
	[sflag:s28] =	ssyncadd.s32 $0xFFFFD800  }
0x78: {  	[tilespmem:s19], [sflag:$0x1] =	stream.indirect.gather [hbm4b:s4+s16], $0x80, s21, s16, $0xb8;
	[tilespmem:$0x1F000] =	vst v63  }
0x79: {  	_ =	swait.ge [sflag:s20], $0x2800  }
0x7a: {  	[sflag:s20] =	ssyncset.done $0x0  }
0x7b: {  	s18 =	simm.s32 $0x14C00;
	[sflag:s20] =	ssyncadd.s32 $0xFFFFD800  }
0x7c: {  	[spmem:s1] =	stream.indirect.scatter.add.f32 [tilespmem:s17], [sflag:$0x2], $0x80, s18, s16, $0xb8;
	[tilespmem:$0x1F000] =	vst v63  }
0x7d: {  	_ =	swait.ge [sflag:s28], $0x2800  }
0x7e: {  	[sflag:s28] =	ssyncset.done $0x0  }
0x7f: {  	s21 =	simm.s32 $0x14500;
	[sflag:s28] =	ssyncadd.s32 $0xFFFFD800  }
0x80: {  	[tilespmem:s22], [sflag:$0x1] =	stream.indirect.gather [hbm4b:s4+s16], $0x80, s21, s16, $0xb8;
	[tilespmem:$0x1F000] =	vst v63  }
0x81: {  	_ =	swait.ge [sflag:s20], $0x2800  }
0x82: {  	[sflag:s20] =	ssyncset.done $0x0  }
0x83: {  	[sflag:s20] =	ssyncadd.s32 $0xFFFFD800  }
0x84: {  	[spmem:s1] =	stream.indirect.scatter.add.f32 [tilespmem:s19], [sflag:$0x2], $0x80, s23, s16, $0xb8;
	[tilespmem:$0x1F000] =	vst v63  }
0x85: {  	_ =	swait.ge [sflag:s28], $0x2800  }
0x86: {  	[sflag:s28] =	ssyncset.done $0x0  }
0x87: {  	[sflag:s28] =	ssyncadd.s32 $0xFFFFD800  }
0x88: {  	[tilespmem:s25], [sflag:$0x1] =	stream.indirect.gather [hbm4b:s4+s16], $0x80, s24, s16, $0xb8;
	[tilespmem:$0x1F000] =	vst v63  }
0x89: {  	_ =	swait.ge [sflag:s20], $0x2800  }
0x8a: {  	[sflag:s20] =	ssyncset.done $0x0  }
0x8b: {  	[sflag:s20] =	ssyncadd.s32 $0xFFFFD800  }
0x8c: {  	[spmem:s1] =	stream.indirect.scatter.add.f32 [tilespmem:s22], [sflag:$0x2], $0x80, s26, s16, $0xb8;
	[tilespmem:$0x1F000] =	vst v63  }
0x8d: {  	_ =	swait.ge [sflag:s28], $0x2800  }
0x8e: {  	[sflag:s28] =	ssyncset.done $0x0  }
0x8f: {  	[sflag:s28] =	ssyncadd.s32 $0xFFFFD800  }
0x90: {  	[tilespmem:s17], [sflag:$0x1] =	stream.indirect.gather [hbm4b:s4+s16], $0x80, s29, s16, $0xb8;
	[tilespmem:$0x1F000] =	vst v63  }
0x91: {  	_ =	swait.ge [sflag:s20], $0x2800  }
0x92: {  	[sflag:s20] =	ssyncset.done $0x0  }
0x93: {  	[sflag:s20] =	ssyncadd.s32 $0xFFFFD800  }
0x94: {  	[spmem:s1] =	stream.indirect.scatter.add.f32 [tilespmem:s25], [sflag:$0x2], $0x80, s30, s16, $0xb8;
	[tilespmem:$0x1F000] =	vst v63  }
0x95: {  	_ =	swait.ge [sflag:s28], $0x2800  }
0x96: {  	[sflag:s28] =	ssyncset.done $0x0  }
0x97: {  	[sflag:s28] =	ssyncadd.s32 $0xFFFFD800  }
0x98: {  	[tilespmem:s19], [sflag:$0x1] =	stream.indirect.gather [hbm4b:s4+s16], $0x80, s31, s16, $0xb8;
	[tilespmem:$0x1F000] =	vst v63  }
0x99: {  	_ =	swait.ge [sflag:s20], $0x2800  }
0x9a: {  	[sflag:s20] =	ssyncset.done $0x0  }
0x9b: {  	[sflag:s20] =	ssyncadd.s32 $0xFFFFD800  }
0x9c: {  	[spmem:s1] =	stream.indirect.scatter.add.f32 [tilespmem:s17], [sflag:$0x2], $0x80, s0, s16, $0xb8;
	[tilespmem:$0x1F000] =	vst v63  }
0x9d: {  	_ =	swait.ge [sflag:s28], $0x2800  }
0x9e: {  	[sflag:s28] =	ssyncset.done $0x0  }
0x9f: {  	[sflag:s28] =	ssyncadd.s32 $0xFFFFD800  }
0xa0: {  	[tilespmem:s22], [sflag:$0x1] =	stream.indirect.gather [hbm4b:s4+s16], $0x80, s3, s16, $0xb8;
	[tilespmem:$0x1F000] =	vst v63  }
0xa1: {  	_ =	swait.ge [sflag:s20], $0x2800  }
0xa2: {  	[sflag:s20] =	ssyncset.done $0x0  }
0xa3: {  	[sflag:s20] =	ssyncadd.s32 $0xFFFFD800  }
0xa4: {  	[spmem:s1] =	stream.indirect.scatter.add.f32 [tilespmem:s19], [sflag:$0x2], $0x80, s7, s16, $0xb8;
	[tilespmem:$0x1F000] =	vst v63  }
0xa5: {  	_ =	swait.ge [sflag:s28], $0x2800  }
0xa6: {  	[sflag:s28] =	ssyncset.done $0x0  }
0xa7: {  	[sflag:s28] =	ssyncadd.s32 $0xFFFFD800  }
0xa8: {  	[tilespmem:s25], [sflag:$0x1] =	stream.indirect.gather [hbm4b:s4+s16], $0x80, s10, s16, $0xb8;
	[tilespmem:$0x1F000] =	vst v63  }
0xa9: {  	_ =	swait.ge [sflag:s20], $0x2800  }
0xaa: {  	[sflag:s20] =	ssyncset.done $0x0  }
0xab: {  	[sflag:s20] =	ssyncadd.s32 $0xFFFFD800  }
0xac: {  	[spmem:s1] =	stream.indirect.scatter.add.f32 [tilespmem:s22], [sflag:$0x2], $0x80, s11, s16, $0xb8;
	[tilespmem:$0x1F000] =	vst v63  }
0xad: {  	_ =	swait.ge [sflag:s28], $0x2800  }
0xae: {  	[sflag:s28] =	ssyncset.done $0x0  }
0xaf: {  	[sflag:s28] =	ssyncadd.s32 $0xFFFFD800  }
0xb0: {  	_ =	swait.ge [sflag:s20], $0x2800  }
0xb1: {  	[sflag:s20] =	ssyncset.done $0x0  }
0xb2: {  	[sflag:s20] =	ssyncadd.s32 $0xFFFFD800  }
0xb3: {  	[spmem:s1] =	stream.indirect.scatter.add.f32 [tilespmem:s25], [sflag:$0x2], $0x80, s8, s16, $0xb8;
	[tilespmem:$0x1F000] =	vst v63  }
0xb4: {  	_ =	swait.ge [sflag:s28], $0x2800  }
0xb5: {  	[sflag:s28] =	ssyncset.done $0x0  }
0xb6: {  	s12 =	sadd.s32 $0x1, s12;
	[sflag:s28] =	ssyncadd.s32 $0xFFFFD800  }
0xb7: {  	p0 =	sne.s32 s12, $0x8;
	_ =	swait.ge [sflag:s28], $0x2800  }
.Ltmp1:
0xb8: {  	[sflag:s28] =	ssyncset.done $0x0;
	(pc) =	sbr.rel @p0 .LBB2_2-.Ltmp1, $4  }
0xb9: {  	[sflag:s28] =	ssyncadd.s32 $0xFFFFD800  }
0xba: {  	_ =	swait.ge [sflag:s28], $0x2800  }
0xbb: {  	[sflag:s28] =	ssyncset.done $0x0  }
0xbc: {  	[sflag:s28] =	ssyncadd.s32 $0xFFFFD800  }
0xbd: {  	[bflag:$0x0] =	sbarrier.arrive $0xFFFF  }
0xbe: {  	s18 =	rddreg [dreg:$0x6]  }
0xbf: {  	s2 =	rddreg [dreg:$0x8]  }
0xc0: {  	s21 =	rddreg [dreg:$0x9]  }
0xc1: {  	[hbm:s2], [sflag:s18] =	dma.local [spmem:s21], $0x2800  }
0xc2: {  	_ =	swait.ge [sflag:s13], $0x2800  }
0xc3: {  	s12 =	rddreg [dreg:$0x4]  }
0xc4: {  	s2 =	rddreg [dreg:$0x7];
	s12 =	sadd.s32 $0x1, s12  }
0xc5: {  	p0 =	sne.s32 s12, s2  }
.Ltmp2:
0xc6: {  	_ = 	snop;
	(pc) =	sbr.rel @p0 .LBB2_1-.Ltmp2, $3  }
0xc7: {  	_ =	sdelay $0x1  }
0xc8: {  	[sflag:s13] =	ssyncset.done $0x0  }
0xc9: {  	[sflag:s13] =	ssyncadd.s32 $0xFFFFD800  }
0xca: {  	_ =	sfence.sel $0x180000  }
0xcb: {  	[bflag:$0x0] =	sbarrier.arrive $0xFFFF  }
0xcc: {  	_ =	strace $0x9000004A  }
0xcd: {  	s0 =	stileid.u32;
	[bflag:$0x2] =	sbarrier.arrive $0xFFFF  }
0xce: {  	p0 =	sne.s32 s0, $0x0;
	s0 =	rddreg [dreg:$0x3]  }
0xcf: {  	s0 =	sadd.s32 @!p0 $0x100000, s0  }
0xd0: {  	[sflag:s0] =	ssyncadd.tile.s32 @!p0 $0x1;
	_ =	shalt  }
.Lfunc_end2:
_tile_overlayer_lowered:
.L_overlay_start_2:
0xd1: {  	(tag) =	ssettag $0x2  }
0xd2: {  	s0 =	rddreg [dreg:$0x0];
	s2 =	stileid.u32  }
0xd3: {  	s1 =	rddreg [dreg:$0x1];
	p0 =	sne.s32 s2, $0x0  }
0xd4: {  	s3 =	rddreg [dreg:$0x2];
	[bflag:$0x3] =	sbarrier.arrive $0xFFFF;
	s2 =	simm.s32 @!p0 $0x1C03  }
0xd5: {  	[timem:s3], [sflag:s2] =	dma.local @!p0 [hbm:s0], s1  }
0xd6: {  	s0 =	simm.s32 @!p0 $0x3  }
0xd7: {  	_ =	swait.ge @!p0 [sflag:s0], s1  }
0xd8: {  	s1 =	ssub.s32 @!p0 $0x0, s1;
	[sflag:s0] =	ssyncset.done @!p0 $0x0  }
0xd9: {  	[sflag:s0] =	ssyncadd.s32 @!p0 s1  }
0xda: {  	[bflag:$0x3] =	sbarrier.arrive $0xFFFF  }
0xdb: {  	_ =	shalt  }

// kernel: kernel.14.cloned.1.call-start
scs
__scs_entry_jumppad:
0x0: {  	(pc) =	sbr.rel $0x88, $3  }
0x1: {  	(tag) =	ssettag $0x0;
	lr =	simm.s32 $0x1  }
0x2: {  	[smem:$0x3F9B] =	sst lr;
	_ =	strace $0xD0000000  }
0x3: {  	_ = 	snop  }
0x4: {  	_ = 	snop  }
0x5: {  	_ = 	snop  }
0x6: {  	_ = 	snop  }
0x7: {  	_ = 	snop  }
__scs_overlays_trampoline_lowered:
0x8: {  	[smem:$0x3FAA] =	sst s0  }
0x9: {  	[smem:$0x3FAB] =	sst s1  }
0xa: {  	[smem:$0x3FAC] =	sst s2  }
0xb: {  	[smem:$0x3FAD] =	sst s3  }
0xc: {  	[smem:$0x3FAE] =	sst s4  }
0xd: {  	[smem:$0x3FAF] =	sst s5  }
0xe: {  	[smem:$0x3FB0] =	sst s6  }
0xf: {  	[smem:$0x3FB1] =	sst s7  }
0x10: {  	[smem:$0x3FB2] =	sst s8  }
0x11: {  	[smem:$0x3FB3] =	sst s9;
	s0 =	simm.s32 @!p0 $0x0  }
0x12: {  	s1 =	sld [smem:$0x3F99];
	s0 =	simm.s32 @p0 $0x1  }
0x13: {  	[smem:$0x3FB4] =	sst s0;
	s0 =	simm.s32 @!p1 $0x0  }
0x14: {  	s2 =	sld [smem:$0x3F98];
	s0 =	simm.s32 @p1 $0x1  }
0x15: {  	[smem:$0x3FB5] =	sst s0;
	s0 =	simm.s32 @!p2 $0x0  }
0x16: {  	s3 =	sld [smem:$0x3FDB];
	s0 =	simm.s32 @p2 $0x1  }
0x17: {  	s4 =	simm.s32 $0x1BF5;
	[smem:$0x3FB7] =	sst s0  }
0x18: {  	s0 =	sld [smem:$0x3F9A];
	_ =	swait.ge [sflag:s4], $0x0  }
0x19: {  	s7 =	sld [smem:$0x3F9B]  }
0x1a: {  	s8 =	sadd.s32 $0xFFFFE003, lr  }
0x1b: {  	s9 =	sadd.s32 $0xFFFFFEF7, lr;
	s5 =	simm.s32 $0xFFFFFFFF;
	p2 =	slt.u32 s8, $0xFFFFF086  }
0x1c: {  	p1 =	slt.u32 s9, $0xF7A;
	s5 =	simm.s32 @!p2 $0x0  }
0x1d: {  	s5 =	simm.s32 @p1 $0x1;
	p0 =	seq.s32 s7, s2  }
0x1e: {  	s7 =	smul.u32 @!p0 $0xF7A, s2;
	p2 =	seq.s32 @!p0 s5, $0x0  }
0x1f: {  	s9 =	smul.u32 $0xF7A, s1;
	s8 =	simm.s32 @!p0 $0x1BF5;
	p2 =	por !p2, p0  }
0x20: {  	[sflag:s8] =	ssyncset.s32 @!p0 $0xFFFFF086;
	s6 =	sadd.s32 @!p0 s3, s7;
	s7 =	simm.s32 @!p0 $0x108  }
0x21: {  	s3 =	sadd.s32 s3, s9;
	s6 =	sadd.s32 @!p0 $0x88, s6;
	s7 =	simm.s32 @p2 $0x1082  }
0x22: {  	[simem:s7], [sflag:s8] =	dma.local @!p0 [hbm:s6], $0xF7A  }
0x23: {  	s9 =	sor.u32 $0xD0000000, s2;
	s6 =	simm.s32 $0x108;
	_ =	swait.ge @!p0 [sflag:s8], $0x0  }
0x24: {  	s3 =	sadd.s32 $0x88, s3;
	s6 =	simm.s32 @!p1 $0x1082;
	[sflag:s4] =	ssyncset.s32 $0xFFFFF086  }
0x25: {  	[simem:s6], [sflag:s4] =	dma.local [hbm:s3], $0xF7A  }
0x26: {  	[smem:$0x3F9B] =	sst s1;
	(tag) =	ssettag s2;
	_ =	strace s9  }
0x27: {  	s1 =	sld [smem:$0x3FAB]  }
0x28: {  	s2 =	sld [smem:$0x3FAC]  }
0x29: {  	s4 =	sld [smem:$0x3FAE]  }
0x2a: {  	p0 =	seq.s32 s5, $0x0;
	s5 =	sld [smem:$0x3FAF]  }
0x2b: {  	s6 =	sld [smem:$0x3FB0]  }
0x2c: {  	s7 =	sld [smem:$0x3FB1]  }
0x2d: {  	s3 =	simm.s32 $0x108;
	s8 =	sld [smem:$0x3FB2]  }
0x2e: {  	s3 =	simm.s32 @!p0 $0x1082;
	s9 =	sld [smem:$0x3FB3]  }
0x2f: {  	lr =	sadd.s32 s0, s3;
	s0 =	sld [smem:$0x3FAA]  }
0x30: {  	s3 =	sld [smem:$0x3FAD]  }
0x31: {  	[smem:$0x3FB6] =	sst s10  }
0x32: {  	s10 =	sld [smem:$0x3FB4];
	_ =	sdelay $0x3  }
0x33: {  	p0 =	seq.s32 s10, $0x1;
	s10 =	sld [smem:$0x3FB6];
	_ =	sdelay $0x3  }
0x34: {  	[smem:$0x3FB6] =	sst s10  }
0x35: {  	s10 =	sld [smem:$0x3FB5];
	_ =	sdelay $0x3  }
0x36: {  	p1 =	seq.s32 s10, $0x1;
	s10 =	sld [smem:$0x3FB6];
	_ =	sdelay $0x3  }
0x37: {  	[smem:$0x3FB6] =	sst s10  }
0x38: {  	s10 =	sld [smem:$0x3FB7]  }
0x39: {  	_ = 	snop;
	(pc) =	sbr.ind lr, $3  }
0x3a: {  	_ = 	snop  }
0x3b: {  	_ = 	snop  }
0x3c: {  	p2 =	seq.s32 s10, $0x1;
	s10 =	sld [smem:$0x3FB6]  }
0x3d: {  	_ =	shalt  }
0x3e: {  	_ =	shalt  }
0x3f: {  	_ =	shalt  }
0x40: {  	_ =	shalt  }
0x41: {  	_ =	shalt  }
0x42: {  	_ =	shalt  }
0x43: {  	_ =	shalt  }
0x44: {  	_ =	shalt  }
0x45: {  	_ =	shalt  }
0x46: {  	_ =	shalt  }
0x47: {  	_ =	shalt  }
0x48: {  	_ =	shalt  }
0x49: {  	_ =	shalt  }
0x4a: {  	_ =	shalt  }
0x4b: {  	_ =	shalt  }
0x4c: {  	_ =	shalt  }
0x4d: {  	_ =	shalt  }
0x4e: {  	_ =	shalt  }
0x4f: {  	_ =	shalt  }
0x50: {  	_ =	shalt  }
0x51: {  	_ =	shalt  }
0x52: {  	_ =	shalt  }
0x53: {  	_ =	shalt  }
0x54: {  	_ =	shalt  }
0x55: {  	_ =	shalt  }
0x56: {  	_ =	shalt  }
0x57: {  	_ =	shalt  }
0x58: {  	_ =	shalt  }
0x59: {  	_ =	shalt  }
0x5a: {  	_ =	shalt  }
0x5b: {  	_ =	shalt  }
0x5c: {  	_ =	shalt  }
0x5d: {  	_ =	shalt  }
0x5e: {  	_ =	shalt  }
0x5f: {  	_ =	shalt  }
0x60: {  	_ =	shalt  }
0x61: {  	_ =	shalt  }
0x62: {  	_ =	shalt  }
0x63: {  	_ =	shalt  }
0x64: {  	_ =	shalt  }
0x65: {  	_ =	shalt  }
0x66: {  	_ =	shalt  }
0x67: {  	_ =	shalt  }
0x68: {  	_ =	shalt  }
0x69: {  	_ =	shalt  }
0x6a: {  	_ =	shalt  }
0x6b: {  	_ =	shalt  }
0x6c: {  	_ =	shalt  }
0x6d: {  	_ =	shalt  }
0x6e: {  	_ =	shalt  }
0x6f: {  	_ =	shalt  }
0x70: {  	_ =	shalt  }
0x71: {  	_ =	shalt  }
0x72: {  	_ =	shalt  }
0x73: {  	_ =	shalt  }
0x74: {  	_ =	shalt  }
0x75: {  	_ =	shalt  }
0x76: {  	_ =	shalt  }
0x77: {  	_ =	shalt  }
0x78: {  	_ =	shalt  }
0x79: {  	_ =	shalt  }
0x7a: {  	_ =	shalt  }
0x7b: {  	_ =	shalt  }
0x7c: {  	_ =	shalt  }
0x7d: {  	_ =	shalt  }
0x7e: {  	_ =	shalt  }
0x7f: {  	_ =	shalt  }
0x80: {  	_ =	shalt  }
0x81: {  	_ =	shalt  }
0x82: {  	_ =	shalt  }
0x83: {  	_ =	shalt  }
0x84: {  	_ =	shalt  }
0x85: {  	_ =	shalt  }
0x86: {  	_ =	shalt  }
0x87: {  	_ =	shalt  }
.Lfunc_end0:
.L_simem_size_0:
called_computation.2_lowered:
.L_overlay_start_0:
0x88: {  	s2 =	sld [smem:$0x3FD9]  }
0x89: {  	s3 =	sld [smem:$0x3FFE];
	_ =	sdelay $0x1  }
0x8a: {  	s1 =	srdreg.scid  }
0x8b: {  	s0 =	sand.u32 $0x1, s1  }
0x8c: {  	s17 =	sshll.u32 s0, $0xA;
	s2 =	sadd.s32 s3, s2  }
0x8d: {  	s2 =	sadd.s32 s2, s17  }
0x8e: {  	[smem:$0x3FC2] =	sst s2  }
0x8f: {  	_ = 	snop  }
0x90: {  	s2 =	sld [smem:$0x3FD0];
	(tm) =	ssettm $0x1  }
0x91: {  	s18 =	sld [smem:$0x3FFB];
	_ =	sdelay $0x3  }
0x92: {  	_ =	strace s18  }
0x93: {  	s3 =	sld [smem:$0x3FFC];
	_ =	sdelay $0x3  }
0x94: {  	_ =	strace s3  }
0x95: {  	s3 =	sld [smem:$0x3FFD];
	_ =	sdelay $0x3  }
0x96: {  	_ =	strace s3  }
0x97: {  	_ =	strace $0x8FFFFFFF  }
0x98: {  	s19 =	sld [smem:$0x3FDB];
	_ =	sdelay $0x1  }
0x99: {  	s4 =	simm.s32 $_scs_section_size  }
0x9a: {  	s5 =	simm.s32 $_size__tile_overlayer_lowered;
	s6 =	simm.s32 $_tile_overlayer_lowered  }
0x9b: {  	s22 =	simm.s32 $0x1BFF;
	s21 =	sshll.u32 s6, $0x1;
	s3 =	sadd.s32 s4, s19  }
0x9c: {  	s7 =	simm.s32 $0x0;
	s20 =	sshll.u32 s5, $0x1;
	s5 =	sadd.s32 s21, s3  }
0x9d: {  	[timem:s7], [sflag:s22] =	dma.local [hbm:s5], s20  }
0x9e: {  	_ =	swait.ge [sflag:s22], s20  }
0x9f: {  	s4 =	ssub.s32 $0x0, s20;
	[sflag:s22] =	ssyncset.done $0x0  }
0xa0: {  	[sflag:s22] =	ssyncadd.s32 s4;
	_ =	sdelay $0x1  }
0xa1: {  	s23 =	simm.s32 $0x1B8B  }
0xa2: {  	_ =	swait.ge [sflag:s23], $0x1  }
0xa3: {  	[sflag:s23] =	ssyncset.done $0x0  }
0xa4: {  	s25 =	simm.s32 $0x1B8E;
	s24 =	sld [smem:$0x3FFE];
	[sflag:s23] =	ssyncadd.s32 $0xFFFFFFFF  }
0xa5: {  	s26 =	simm.s32 $execute0_lowered;
	[smem:$0x3FD2] =	sst s25  }
0xa6: {  	s5 =	sshll.u32 s26, $0x1;
	_ =	strace $0x8000004C;
	[dreg:$0x1] =	wrdreg $0xFFFFFFFF  }
0xa7: {  	s28 =	simm.s32 $_size_execute0_lowered;
	s3 =	sadd.s32 s3, s5;
	[dreg:$0x0] =	wrdreg $0x0  }
0xa8: {  	s5 =	sshll.u32 s28, $0x1;
	[dreg:$0x2] =	wrdreg s3  }
0xa9: {  	[dreg:$0x3] =	wrdreg s5  }
0xaa: {  	[dreg:$0x4] =	wrdreg $0xC0  }
0xab: {  	_ =	task [dreg:s7], $0x5FFFF  }
0xac: {  	[dreg:$0x1] =	wrdreg $0xFFFFFFFF  }
0xad: {  	[dreg:$0x0] =	wrdreg $0x60  }
0xae: {  	[dreg:$0x2] =	wrdreg s24  }
0xaf: {  	[dreg:$0x3] =	wrdreg s2  }
0xb0: {  	[dreg:$0x4] =	wrdreg $0x0  }
0xb1: {  	[dreg:$0x5] =	wrdreg $0x9  }
0xb2: {  	_ =	task.clear_ibuf [dreg:s7], $0x6FFFF;
	_ =	strace $0x9000004C  }
0xb3: {  	s29 =	simm.s32 $0x9;
	_ =	strace $0x8000004E  }
0xb4: {  	_ =	swait.ge [sflag:s29], $0x1  }
0xb5: {  	[sflag:s29] =	ssyncadd.s32 $0xFFFFFFFF  }
0xb6: {  	_ =	strace $0x9000004E  }
0xb7: {  	_ =	sfence  }
0xb8: {  	s30 =	sld [smem:$0x0];
	_ =	sdelay $0x2  }
0xb9: {  	s31 =	sshll.u32 s1, $0xD;
	s1 =	sshrl.u32 s1, $0x2  }
0xba: {  	s3 =	sand.u32 $0x4000, s31;
	s1 =	sadd.s32 s1, s30  }
0xbb: {  	s0 =	sor.u32 s3, s0;
	s1 =	sshll.u32 s1, $0x11  }
0xbc: {  	s0 =	sor.u32 s1, s0  }
0xbd: {  	s0 =	sadd.s32 $0x8F2B, s0  }
0xbe: {  	[sflag:s0] =	ssyncadd.remote.s32 $0x1  }
0xbf: {  	_ =	sfence.sel $0xFFFF  }
0xc0: {  	[dreg:$0x0] =	wrdreg $0xFFFFFFFF;
	(pc) =	sbr.abs _section_cstart, $3  }
0xc1: {  	[dreg:$0x1] =	wrdreg $0xFFFFFFFF  }
0xc2: {  	_ =	task.clear_ibuf [dreg:s7], $0x2FFFF;
	_ =	strace $0x9FFFFFFF  }
0xc3: {  	(tm) =	ssettm $0x7FFFFFFF  }
tec
execute0_lowered:
.L_overlay_start_1:
0x0: {  	(tag) =	ssettag $0x1  }
0x1: {  	s0 =	rddreg [dreg:$0x0]  }
0x2: {  	s2 =	rddreg [dreg:$0x1]  }
0x3: {  	s1 =	rddreg [dreg:$0x2]  }
0x4: {  	s12 =	simm.s32 $0x0;
	s3 =	srdreg.scid;
	s11 =	stileid.u32  }
0x5: {  	s13 =	simm.s32 $0x3;
	s14 =	simm.s32 $0x14000;
	s15 =	simm.s32 $0x14800  }
0x6: {  	s16 =	simm.s32 $0x50;
	s17 =	simm.s32 $0x15000;
	s19 =	simm.s32 $0x17800  }
0x7: {  	s20 =	simm.s32 $0x1;
	s22 =	simm.s32 $0x1A000;
	s28 =	simm.s32 $0x2  }
0x8: {  	s23 =	simm.s32 $0x14C80;
	s29 =	simm.s32 $0x14600;
	s30 =	simm.s32 $0x14D80  }
0x9: {  	s31 =	simm.s32 $0x14680;
	[smem:$0x7FF] =	sst s12;
	s4 =	sadd.s32 $0x12400, s0  }
0xa: {  	s3 =	sand.u32 $0x1, s3;
	s5 =	sadd.s32 $0xA400, s0;
	s8 =	smul.u32 $0x50000, s11  }
0xb: {  	s6 =	sadd.s32 $0x2000, s0;
	s9 =	sadd.s32 $0x62400, s0;
	s0 =	sadd.s32 $0x64C00, s0  }
0xc: {  	s25 =	sshll.u32 s11, $0x6;
	s26 =	smul.u32 $0x2800, s11;
	_ =	strace $0x8000004D  }
0xd: {  	s7 =	ssub.s32 $0x2, s3;
	[dreg:$0x5] =	wrdreg s9;
	s10 =	smul.u32 $0x2800, s3  }
0xe: {  	s18 =	sor.u32 $0x1C03, s25;
	p0 =	seq.s32 s3, $0x1;
	s9 =	sshll.u32 s11, $0xB  }
0xf: {  	s25 =	simm.s32 $0x1C800;
	s3 =	simm.s32 $0x14700;
	s11 =	simm.s32 $0x14F00  }
0x10: {  	s24 =	sshrl.u32 s7, $0x1;
	s8 =	sshrl.u32 s8, $0x2;
	s2 =	smov.u32 @p0 s0  }
0x11: {  	[dreg:$0x6] =	wrdreg s18;
	s7 =	ssub.s32 s7, s24;
	s8 =	sadd.s32 s8, s1  }
0x12: {  	s0 =	sadd.s32 s2, s26;
	s24 =	simm.s32 $0x14580;
	s26 =	simm.s32 $0x14D00  }
0x13: {  	v0 =	vmov s10;
	s10 =	simm.s32 $0x14780;
	s7 =	smax.u32 s7, $0x1;
	[dreg:$0x8] =	wrdreg s0  }
0x14: {  	s21 =	sshrl.u32 s8, $0x3;
	s0 =	simm.s32 $0x14E00;
	[dreg:$0x7] =	wrdreg s7  }
0x15: {  	s8 =	simm.s32 $0x14F80;
	s7 =	simm.s32 $0x14E80;
	[dreg:$0x9] =	wrdreg s21  }
.LBB2_1:
0x16: {  	[dreg:$0x4] =	wrdreg s12  }
0x17: {  	s2 =	rddreg [dreg:$0x5]  }
0x18: {  	[spmem:s21], [sflag:s18] =	dma.local [hbm:s2], $0x2800  }
0x19: {  	_ =	swait.ge [sflag:s13], $0x2800  }
0x1a: {  	[sflag:s13] =	ssyncset.done $0x0  }
0x1b: {  	[sflag:s13] =	ssyncadd.s32 $0xFFFFD800  }
0x1c: {  	s12 =	simm.s32 $0x0;
	[bflag:$0x0] =	sbarrier.arrive $0xFFFF  }
.LBB2_2:
0x1d: {  	s2 =	sshll.u32 s12, $0x8  }
0x1e: {  	s2 =	sadd.s32 s9, s2  }
0x1f: {  	s21 =	simm.s32 $0x0;
	s18 =	sadd.s32 s5, s2  }
0x20: {  	[tilespmem:s14], [sflag:$0x3] =	stream.linear.gather [hbm4b:s18+s21], $0x800, $0x38;
	[tilespmem:$0x1F000] =	vst v63  }
0x21: {  	_ =	swait.ge [sflag:s13], $0x800  }
0x22: {  	[sflag:s13] =	ssyncset.done $0x0  }
0x23: {  	s2 =	sadd.s32 s6, s2;
	[sflag:s13] =	ssyncadd.s32 $0xFFFFF800  }
0x24: {  	[tilespmem:s15], [sflag:$0x3] =	stream.linear.gather [hbm4b:s2+s21], $0x800, $0x38;
	[tilespmem:$0x1F000] =	vst v63  }
0x25: {  	_ =	swait.ge [sflag:s13], $0x800  }
0x26: {  	[sflag:s13] =	ssyncset.done $0x0  }
0x27: {  	s2 =	simm.s32 $0x0;
	[sflag:s13] =	ssyncadd.s32 $0xFFFFF800  }
0x28: {  	v4 =	vld [tilespmem:s2+$0x14000]  }
0x29: {  	v3 =	vld [tilespmem:s2+$0x14010]  }
0x2a: {  	v2 =	vld [tilespmem:s2+$0x14020]  }
0x2b: {  	s18 =	simm.s32 $0x200;
	v1 =	vld [tilespmem:s2+$0x14030]  }
.LBB2_3:
0x2c: {  	p0 =	sne.s32 s18, $0x1E00;
	v5 =	vld [tilespmem:s2+$0x14040]  }
0x2d: {  	v4 =	vadd.s32 v0, v4  }
.Ltmp0:
0x2e: {  	s21 =	sshra.s32 s18, $0x2;
	[tilespmem:s2+$0x14000] =	vst v4;
	v3 =	vadd.s32 v0, v3;
	(pc) =	sbr.rel @p0 .LBB2_3-.Ltmp0, $4  }
0x2f: {  	v4 =	vld [tilespmem:s21+$0x14000];
	[tilespmem:s2+$0x14010] =	vst v3;
	v2 =	vadd.s32 v0, v2  }
0x30: {  	v3 =	vld [tilespmem:s21+$0x14010];
	[tilespmem:s2+$0x14020] =	vst v2;
	v1 =	vadd.s32 v0, v1  }
0x31: {  	v2 =	vld [tilespmem:s21+$0x14020];
	[tilespmem:s2+$0x14030] =	vst v1;
	v5 =	vadd.s32 v0, v5  }
0x32: {  	s18 =	sadd.s32 $0x200, s18;
	v1 =	vld [tilespmem:s21+$0x14030];
	[tilespmem:s2+$0x14040] =	vst v5;
	s2 =	smov.u32 s21  }
0x33: {  	v5 =	vld [tilespmem:s2+$0x14040]  }
0x34: {  	v4 =	vadd.s32 v0, v4  }
0x35: {  	[tilespmem:s2+$0x14000] =	vst v4;
	v3 =	vadd.s32 v0, v3  }
0x36: {  	[tilespmem:s2+$0x14010] =	vst v3;
	v2 =	vadd.s32 v0, v2  }
0x37: {  	[tilespmem:s2+$0x14020] =	vst v2;
	v1 =	vadd.s32 v0, v1  }
0x38: {  	[tilespmem:s2+$0x14030] =	vst v1;
	v1 =	vadd.s32 v0, v5  }
0x39: {  	[tilespmem:s2+$0x14040] =	vst v1  }
0x3a: {  	[tilespmem:s17], [sflag:$0x1] =	stream.indirect.gather [hbm4b:s4+s16], $0x80, s14, s16, $0xb8;
	[tilespmem:$0x1F000] =	vst v63  }
0x3b: {  	s18 =	simm.s32 $0x14080  }
0x3c: {  	[tilespmem:s19], [sflag:$0x1] =	stream.indirect.gather [hbm4b:s4+s16], $0x80, s18, s16, $0xb8;
	[tilespmem:$0x1F000] =	vst v63  }
0x3d: {  	_ =	swait.ge [sflag:s20], $0x2800  }
0x3e: {  	[sflag:s20] =	ssyncset.done $0x0  }
0x3f: {  	[sflag:s20] =	ssyncadd.s32 $0xFFFFD800  }
0x40: {  	[spmem:s1] =	stream.indirect.scatter.add.f32 [tilespmem:s17], [sflag:$0x2], $0x80, s15, s16, $0xb8;
	[tilespmem:$0x1F000] =	vst v63  }
0x41: {  	s21 =	simm.s32 $0x14100  }
0x42: {  	[tilespmem:s22], [sflag:$0x1] =	stream.indirect.gather [hbm4b:s4+s16], $0x80, s21, s16, $0xb8;
	[tilespmem:$0x1F000] =	vst v63  }
0x43: {  	_ =	swait.ge [sflag:s20], $0x2800  }
0x44: {  	[sflag:s20] =	ssyncset.done $0x0  }
0x45: {  	s18 =	simm.s32 $0x14880;
	[sflag:s20] =	ssyncadd.s32 $0xFFFFD800  }
0x46: {  	[spmem:s1] =	stream.indirect.scatter.add.f32 [tilespmem:s19], [sflag:$0x2], $0x80, s18, s16, $0xb8;
	[tilespmem:$0x1F000] =	vst v63  }
0x47: {  	s21 =	simm.s32 $0x14180  }
0x48: {  	[tilespmem:s25], [sflag:$0x1] =	stream.indirect.gather [hbm4b:s4+s16], $0x80, s21, s16, $0xb8;
	[tilespmem:$0x1F000] =	vst v63  }
0x49: {  	_ =	swait.ge [sflag:s20], $0x2800  }
0x4a: {  	[sflag:s20] =	ssyncset.done $0x0  }
0x4b: {  	s18 =	simm.s32 $0x14900;
	[sflag:s20] =	ssyncadd.s32 $0xFFFFD800  }
0x4c: {  	[spmem:s1] =	stream.indirect.scatter.add.f32 [tilespmem:s22], [sflag:$0x2], $0x80, s18, s16, $0xb8;
	[tilespmem:$0x1F000] =	vst v63  }
0x4d: {  	_ =	swait.ge [sflag:s28], $0x2800  }
0x4e: {  	[sflag:s28] =	ssyncset.done $0x0  }
0x4f: {  	s21 =	simm.s32 $0x14200;
	[sflag:s28] =	ssyncadd.s32 $0xFFFFD800  }
0x50: {  	[tilespmem:s17], [sflag:$0x1] =	stream.indirect.gather [hbm4b:s4+s16], $0x80, s21, s16, $0xb8;
	[tilespmem:$0x1F000] =	vst v63  }
0x51: {  	_ =	swait.ge [sflag:s20], $0x2800  }
0x52: {  	[sflag:s20] =	ssyncset.done $0x0  }
0x53: {  	s18 =	simm.s32 $0x14980;
	[sflag:s20] =	ssyncadd.s32 $0xFFFFD800  }
0x54: {  	[spmem:s1] =	stream.indirect.scatter.add.f32 [tilespmem:s25], [sflag:$0x2], $0x80, s18, s16, $0xb8;
	[tilespmem:$0x1F000] =	vst v63  }
0x55: {  	_ =	swait.ge [sflag:s28], $0x2800  }
0x56: {  	[sflag:s28] =	ssyncset.done $0x0  }
0x57: {  	s21 =	simm.s32 $0x14280;
	[sflag:s28] =	ssyncadd.s32 $0xFFFFD800  }
0x58: {  	[tilespmem:s19], [sflag:$0x1] =	stream.indirect.gather [hbm4b:s4+s16], $0x80, s21, s16, $0xb8;
	[tilespmem:$0x1F000] =	vst v63  }
0x59: {  	_ =	swait.ge [sflag:s20], $0x2800  }
0x5a: {  	[sflag:s20] =	ssyncset.done $0x0  }
0x5b: {  	s18 =	simm.s32 $0x14A00;
	[sflag:s20] =	ssyncadd.s32 $0xFFFFD800  }
0x5c: {  	[spmem:s1] =	stream.indirect.scatter.add.f32 [tilespmem:s17], [sflag:$0x2], $0x80, s18, s16, $0xb8;
	[tilespmem:$0x1F000] =	vst v63  }
0x5d: {  	_ =	swait.ge [sflag:s28], $0x2800  }
0x5e: {  	[sflag:s28] =	ssyncset.done $0x0  }
0x5f: {  	s21 =	simm.s32 $0x14300;
	[sflag:s28] =	ssyncadd.s32 $0xFFFFD800  }
0x60: {  	[tilespmem:s22], [sflag:$0x1] =	stream.indirect.gather [hbm4b:s4+s16], $0x80, s21, s16, $0xb8;
	[tilespmem:$0x1F000] =	vst v63  }
0x61: {  	_ =	swait.ge [sflag:s20], $0x2800  }
0x62: {  	[sflag:s20] =	ssyncset.done $0x0  }
0x63: {  	s18 =	simm.s32 $0x14A80;
	[sflag:s20] =	ssyncadd.s32 $0xFFFFD800  }
0x64: {  	[spmem:s1] =	stream.indirect.scatter.add.f32 [tilespmem:s19], [sflag:$0x2], $0x80, s18, s16, $0xb8;
	[tilespmem:$0x1F000] =	vst v63  }
0x65: {  	_ =	swait.ge [sflag:s28], $0x2800  }
0x66: {  	[sflag:s28] =	ssyncset.done $0x0  }
0x67: {  	s21 =	simm.s32 $0x14380;
	[sflag:s28] =	ssyncadd.s32 $0xFFFFD800  }
0x68: {  	[tilespmem:s25], [sflag:$0x1] =	stream.indirect.gather [hbm4b:s4+s16], $0x80, s21, s16, $0xb8;
	[tilespmem:$0x1F000] =	vst v63  }
0x69: {  	_ =	swait.ge [sflag:s20], $0x2800  }
0x6a: {  	[sflag:s20] =	ssyncset.done $0x0  }
0x6b: {  	s18 =	simm.s32 $0x14B00;
	[sflag:s20] =	ssyncadd.s32 $0xFFFFD800  }
0x6c: {  	[spmem:s1] =	stream.indirect.scatter.add.f32 [tilespmem:s22], [sflag:$0x2], $0x80, s18, s16, $0xb8;
	[tilespmem:$0x1F000] =	vst v63  }
0x6d: {  	_ =	swait.ge [sflag:s28], $0x2800  }
0x6e: {  	[sflag:s28] =	ssyncset.done $0x0  }
0x6f: {  	s21 =	simm.s32 $0x14400;
	[sflag:s28] =	ssyncadd.s32 $0xFFFFD800  }
0x70: {  	[tilespmem:s17], [sflag:$0x1] =	stream.indirect.gather [hbm4b:s4+s16], $0x80, s21, s16, $0xb8;
	[tilespmem:$0x1F000] =	vst v63  }
0x71: {  	_ =	swait.ge [sflag:s20], $0x2800  }
0x72: {  	[sflag:s20] =	ssyncset.done $0x0  }
0x73: {  	s18 =	simm.s32 $0x14B80;
	[sflag:s20] =	ssyncadd.s32 $0xFFFFD800  }
0x74: {  	[spmem:s1] =	stream.indirect.scatter.add.f32 [tilespmem:s25], [sflag:$0x2], $0x80, s18, s16, $0xb8;
	[tilespmem:$0x1F000] =	vst v63  }
0x75: {  	_ =	swait.ge [sflag:s28], $0x2800  }
0x76: {  	[sflag:s28] =	ssyncset.done $0x0  }
0x77: {  	s21 =	simm.s32 $0x14480;
	[sflag:s28] =	ssyncadd.s32 $0xFFFFD800  }
0x78: {  	[tilespmem:s19], [sflag:$0x1] =	stream.indirect.gather [hbm4b:s4+s16], $0x80, s21, s16, $0xb8;
	[tilespmem:$0x1F000] =	vst v63  }
0x79: {  	_ =	swait.ge [sflag:s20], $0x2800  }
0x7a: {  	[sflag:s20] =	ssyncset.done $0x0  }
0x7b: {  	s18 =	simm.s32 $0x14C00;
	[sflag:s20] =	ssyncadd.s32 $0xFFFFD800  }
0x7c: {  	[spmem:s1] =	stream.indirect.scatter.add.f32 [tilespmem:s17], [sflag:$0x2], $0x80, s18, s16, $0xb8;
	[tilespmem:$0x1F000] =	vst v63  }
0x7d: {  	_ =	swait.ge [sflag:s28], $0x2800  }
0x7e: {  	[sflag:s28] =	ssyncset.done $0x0  }
0x7f: {  	s21 =	simm.s32 $0x14500;
	[sflag:s28] =	ssyncadd.s32 $0xFFFFD800  }
0x80: {  	[tilespmem:s22], [sflag:$0x1] =	stream.indirect.gather [hbm4b:s4+s16], $0x80, s21, s16, $0xb8;
	[tilespmem:$0x1F000] =	vst v63  }
0x81: {  	_ =	swait.ge [sflag:s20], $0x2800  }
0x82: {  	[sflag:s20] =	ssyncset.done $0x0  }
0x83: {  	[sflag:s20] =	ssyncadd.s32 $0xFFFFD800  }
0x84: {  	[spmem:s1] =	stream.indirect.scatter.add.f32 [tilespmem:s19], [sflag:$0x2], $0x80, s23, s16, $0xb8;
	[tilespmem:$0x1F000] =	vst v63  }
0x85: {  	_ =	swait.ge [sflag:s28], $0x2800  }
0x86: {  	[sflag:s28] =	ssyncset.done $0x0  }
0x87: {  	[sflag:s28] =	ssyncadd.s32 $0xFFFFD800  }
0x88: {  	[tilespmem:s25], [sflag:$0x1] =	stream.indirect.gather [hbm4b:s4+s16], $0x80, s24, s16, $0xb8;
	[tilespmem:$0x1F000] =	vst v63  }
0x89: {  	_ =	swait.ge [sflag:s20], $0x2800  }
0x8a: {  	[sflag:s20] =	ssyncset.done $0x0  }
0x8b: {  	[sflag:s20] =	ssyncadd.s32 $0xFFFFD800  }
0x8c: {  	[spmem:s1] =	stream.indirect.scatter.add.f32 [tilespmem:s22], [sflag:$0x2], $0x80, s26, s16, $0xb8;
	[tilespmem:$0x1F000] =	vst v63  }
0x8d: {  	_ =	swait.ge [sflag:s28], $0x2800  }
0x8e: {  	[sflag:s28] =	ssyncset.done $0x0  }
0x8f: {  	[sflag:s28] =	ssyncadd.s32 $0xFFFFD800  }
0x90: {  	[tilespmem:s17], [sflag:$0x1] =	stream.indirect.gather [hbm4b:s4+s16], $0x80, s29, s16, $0xb8;
	[tilespmem:$0x1F000] =	vst v63  }
0x91: {  	_ =	swait.ge [sflag:s20], $0x2800  }
0x92: {  	[sflag:s20] =	ssyncset.done $0x0  }
0x93: {  	[sflag:s20] =	ssyncadd.s32 $0xFFFFD800  }
0x94: {  	[spmem:s1] =	stream.indirect.scatter.add.f32 [tilespmem:s25], [sflag:$0x2], $0x80, s30, s16, $0xb8;
	[tilespmem:$0x1F000] =	vst v63  }
0x95: {  	_ =	swait.ge [sflag:s28], $0x2800  }
0x96: {  	[sflag:s28] =	ssyncset.done $0x0  }
0x97: {  	[sflag:s28] =	ssyncadd.s32 $0xFFFFD800  }
0x98: {  	[tilespmem:s19], [sflag:$0x1] =	stream.indirect.gather [hbm4b:s4+s16], $0x80, s31, s16, $0xb8;
	[tilespmem:$0x1F000] =	vst v63  }
0x99: {  	_ =	swait.ge [sflag:s20], $0x2800  }
0x9a: {  	[sflag:s20] =	ssyncset.done $0x0  }
0x9b: {  	[sflag:s20] =	ssyncadd.s32 $0xFFFFD800  }
0x9c: {  	[spmem:s1] =	stream.indirect.scatter.add.f32 [tilespmem:s17], [sflag:$0x2], $0x80, s0, s16, $0xb8;
	[tilespmem:$0x1F000] =	vst v63  }
0x9d: {  	_ =	swait.ge [sflag:s28], $0x2800  }
0x9e: {  	[sflag:s28] =	ssyncset.done $0x0  }
0x9f: {  	[sflag:s28] =	ssyncadd.s32 $0xFFFFD800  }
0xa0: {  	[tilespmem:s22], [sflag:$0x1] =	stream.indirect.gather [hbm4b:s4+s16], $0x80, s3, s16, $0xb8;
	[tilespmem:$0x1F000] =	vst v63  }
0xa1: {  	_ =	swait.ge [sflag:s20], $0x2800  }
0xa2: {  	[sflag:s20] =	ssyncset.done $0x0  }
0xa3: {  	[sflag:s20] =	ssyncadd.s32 $0xFFFFD800  }
0xa4: {  	[spmem:s1] =	stream.indirect.scatter.add.f32 [tilespmem:s19], [sflag:$0x2], $0x80, s7, s16, $0xb8;
	[tilespmem:$0x1F000] =	vst v63  }
0xa5: {  	_ =	swait.ge [sflag:s28], $0x2800  }
0xa6: {  	[sflag:s28] =	ssyncset.done $0x0  }
0xa7: {  	[sflag:s28] =	ssyncadd.s32 $0xFFFFD800  }
0xa8: {  	[tilespmem:s25], [sflag:$0x1] =	stream.indirect.gather [hbm4b:s4+s16], $0x80, s10, s16, $0xb8;
	[tilespmem:$0x1F000] =	vst v63  }
0xa9: {  	_ =	swait.ge [sflag:s20], $0x2800  }
0xaa: {  	[sflag:s20] =	ssyncset.done $0x0  }
0xab: {  	[sflag:s20] =	ssyncadd.s32 $0xFFFFD800  }
0xac: {  	[spmem:s1] =	stream.indirect.scatter.add.f32 [tilespmem:s22], [sflag:$0x2], $0x80, s11, s16, $0xb8;
	[tilespmem:$0x1F000] =	vst v63  }
0xad: {  	_ =	swait.ge [sflag:s28], $0x2800  }
0xae: {  	[sflag:s28] =	ssyncset.done $0x0  }
0xaf: {  	[sflag:s28] =	ssyncadd.s32 $0xFFFFD800  }
0xb0: {  	_ =	swait.ge [sflag:s20], $0x2800  }
0xb1: {  	[sflag:s20] =	ssyncset.done $0x0  }
0xb2: {  	[sflag:s20] =	ssyncadd.s32 $0xFFFFD800  }
0xb3: {  	[spmem:s1] =	stream.indirect.scatter.add.f32 [tilespmem:s25], [sflag:$0x2], $0x80, s8, s16, $0xb8;
	[tilespmem:$0x1F000] =	vst v63  }
0xb4: {  	_ =	swait.ge [sflag:s28], $0x2800  }
0xb5: {  	[sflag:s28] =	ssyncset.done $0x0  }
0xb6: {  	s12 =	sadd.s32 $0x1, s12;
	[sflag:s28] =	ssyncadd.s32 $0xFFFFD800  }
0xb7: {  	p0 =	sne.s32 s12, $0x8;
	_ =	swait.ge [sflag:s28], $0x2800  }
.Ltmp1:
0xb8: {  	[sflag:s28] =	ssyncset.done $0x0;
	(pc) =	sbr.rel @p0 .LBB2_2-.Ltmp1, $4  }
0xb9: {  	[sflag:s28] =	ssyncadd.s32 $0xFFFFD800  }
0xba: {  	_ =	swait.ge [sflag:s28], $0x2800  }
0xbb: {  	[sflag:s28] =	ssyncset.done $0x0  }
0xbc: {  	[sflag:s28] =	ssyncadd.s32 $0xFFFFD800  }
0xbd: {  	[bflag:$0x0] =	sbarrier.arrive $0xFFFF  }
0xbe: {  	s18 =	rddreg [dreg:$0x6]  }
0xbf: {  	s2 =	rddreg [dreg:$0x8]  }
0xc0: {  	s21 =	rddreg [dreg:$0x9]  }
0xc1: {  	[hbm:s2], [sflag:s18] =	dma.local [spmem:s21], $0x2800  }
0xc2: {  	_ =	swait.ge [sflag:s13], $0x2800  }
0xc3: {  	s12 =	rddreg [dreg:$0x4]  }
0xc4: {  	s2 =	rddreg [dreg:$0x7];
	s12 =	sadd.s32 $0x1, s12  }
0xc5: {  	p0 =	sne.s32 s12, s2  }
.Ltmp2:
0xc6: {  	_ = 	snop;
	(pc) =	sbr.rel @p0 .LBB2_1-.Ltmp2, $3  }
0xc7: {  	_ =	sdelay $0x1  }
0xc8: {  	[sflag:s13] =	ssyncset.done $0x0  }
0xc9: {  	[sflag:s13] =	ssyncadd.s32 $0xFFFFD800  }
0xca: {  	_ =	sfence.sel $0x180000  }
0xcb: {  	[bflag:$0x0] =	sbarrier.arrive $0xFFFF  }
0xcc: {  	_ =	strace $0x9000004D  }
0xcd: {  	s0 =	stileid.u32;
	[bflag:$0x2] =	sbarrier.arrive $0xFFFF  }
0xce: {  	p0 =	sne.s32 s0, $0x0;
	s0 =	rddreg [dreg:$0x3]  }
0xcf: {  	s0 =	sadd.s32 @!p0 $0x100000, s0  }
0xd0: {  	[sflag:s0] =	ssyncadd.tile.s32 @!p0 $0x1;
	_ =	shalt  }
.Lfunc_end2:
_tile_overlayer_lowered:
.L_overlay_start_2:
0xd1: {  	(tag) =	ssettag $0x2  }
0xd2: {  	s0 =	rddreg [dreg:$0x0];
	s2 =	stileid.u32  }
0xd3: {  	s1 =	rddreg [dreg:$0x1];
	p0 =	sne.s32 s2, $0x0  }
0xd4: {  	s3 =	rddreg [dreg:$0x2];
	[bflag:$0x3] =	sbarrier.arrive $0xFFFF;
	s2 =	simm.s32 @!p0 $0x1C03  }
0xd5: {  	[timem:s3], [sflag:s2] =	dma.local @!p0 [hbm:s0], s1  }
0xd6: {  	s0 =	simm.s32 @!p0 $0x3  }
0xd7: {  	_ =	swait.ge @!p0 [sflag:s0], s1  }
0xd8: {  	s1 =	ssub.s32 @!p0 $0x0, s1;
	[sflag:s0] =	ssyncset.done @!p0 $0x0  }
0xd9: {  	[sflag:s0] =	ssyncadd.s32 @!p0 s1  }
0xda: {  	[bflag:$0x3] =	sbarrier.arrive $0xFFFF  }
0xdb: {  	_ =	shalt  }

// kernel: kernel.8.cloned.1.call-start
scs
__scs_entry_jumppad:
0x0: {  	(pc) =	sbr.rel $0x88, $3  }
0x1: {  	(tag) =	ssettag $0x0;
	lr =	simm.s32 $0x1  }
0x2: {  	[smem:$0x3F9B] =	sst lr;
	_ =	strace $0xD0000000  }
0x3: {  	_ = 	snop  }
0x4: {  	_ = 	snop  }
0x5: {  	_ = 	snop  }
0x6: {  	_ = 	snop  }
0x7: {  	_ = 	snop  }
__scs_overlays_trampoline_lowered:
0x8: {  	[smem:$0x3FAA] =	sst s0  }
0x9: {  	[smem:$0x3FAB] =	sst s1  }
0xa: {  	[smem:$0x3FAC] =	sst s2  }
0xb: {  	[smem:$0x3FAD] =	sst s3  }
0xc: {  	[smem:$0x3FAE] =	sst s4  }
0xd: {  	[smem:$0x3FAF] =	sst s5  }
0xe: {  	[smem:$0x3FB0] =	sst s6  }
0xf: {  	[smem:$0x3FB1] =	sst s7  }
0x10: {  	[smem:$0x3FB2] =	sst s8  }
0x11: {  	[smem:$0x3FB3] =	sst s9;
	s0 =	simm.s32 @!p0 $0x0  }
0x12: {  	s1 =	sld [smem:$0x3F99];
	s0 =	simm.s32 @p0 $0x1  }
0x13: {  	[smem:$0x3FB4] =	sst s0;
	s0 =	simm.s32 @!p1 $0x0  }
0x14: {  	s2 =	sld [smem:$0x3F98];
	s0 =	simm.s32 @p1 $0x1  }
0x15: {  	[smem:$0x3FB5] =	sst s0;
	s0 =	simm.s32 @!p2 $0x0  }
0x16: {  	s3 =	sld [smem:$0x3FDB];
	s0 =	simm.s32 @p2 $0x1  }
0x17: {  	s4 =	simm.s32 $0x1BF5;
	[smem:$0x3FB7] =	sst s0  }
0x18: {  	s0 =	sld [smem:$0x3F9A];
	_ =	swait.ge [sflag:s4], $0x0  }
0x19: {  	s7 =	sld [smem:$0x3F9B]  }
0x1a: {  	s8 =	sadd.s32 $0xFFFFE003, lr  }
0x1b: {  	s9 =	sadd.s32 $0xFFFFFEF7, lr;
	s5 =	simm.s32 $0xFFFFFFFF;
	p2 =	slt.u32 s8, $0xFFFFF086  }
0x1c: {  	p1 =	slt.u32 s9, $0xF7A;
	s5 =	simm.s32 @!p2 $0x0  }
0x1d: {  	s5 =	simm.s32 @p1 $0x1;
	p0 =	seq.s32 s7, s2  }
0x1e: {  	s7 =	smul.u32 @!p0 $0xF7A, s2;
	p2 =	seq.s32 @!p0 s5, $0x0  }
0x1f: {  	s9 =	smul.u32 $0xF7A, s1;
	s8 =	simm.s32 @!p0 $0x1BF5;
	p2 =	por !p2, p0  }
0x20: {  	[sflag:s8] =	ssyncset.s32 @!p0 $0xFFFFF086;
	s6 =	sadd.s32 @!p0 s3, s7;
	s7 =	simm.s32 @!p0 $0x108  }
0x21: {  	s3 =	sadd.s32 s3, s9;
	s6 =	sadd.s32 @!p0 $0x88, s6;
	s7 =	simm.s32 @p2 $0x1082  }
0x22: {  	[simem:s7], [sflag:s8] =	dma.local @!p0 [hbm:s6], $0xF7A  }
0x23: {  	s9 =	sor.u32 $0xD0000000, s2;
	s6 =	simm.s32 $0x108;
	_ =	swait.ge @!p0 [sflag:s8], $0x0  }
0x24: {  	s3 =	sadd.s32 $0x88, s3;
	s6 =	simm.s32 @!p1 $0x1082;
	[sflag:s4] =	ssyncset.s32 $0xFFFFF086  }
0x25: {  	[simem:s6], [sflag:s4] =	dma.local [hbm:s3], $0xF7A  }
0x26: {  	[smem:$0x3F9B] =	sst s1;
	(tag) =	ssettag s2;
	_ =	strace s9  }
0x27: {  	s1 =	sld [smem:$0x3FAB]  }
0x28: {  	s2 =	sld [smem:$0x3FAC]  }
0x29: {  	s4 =	sld [smem:$0x3FAE]  }
0x2a: {  	p0 =	seq.s32 s5, $0x0;
	s5 =	sld [smem:$0x3FAF]  }
0x2b: {  	s6 =	sld [smem:$0x3FB0]  }
0x2c: {  	s7 =	sld [smem:$0x3FB1]  }
0x2d: {  	s3 =	simm.s32 $0x108;
	s8 =	sld [smem:$0x3FB2]  }
0x2e: {  	s3 =	simm.s32 @!p0 $0x1082;
	s9 =	sld [smem:$0x3FB3]  }
0x2f: {  	lr =	sadd.s32 s0, s3;
	s0 =	sld [smem:$0x3FAA]  }
0x30: {  	s3 =	sld [smem:$0x3FAD]  }
0x31: {  	[smem:$0x3FB6] =	sst s10  }
0x32: {  	s10 =	sld [smem:$0x3FB4];
	_ =	sdelay $0x3  }
0x33: {  	p0 =	seq.s32 s10, $0x1;
	s10 =	sld [smem:$0x3FB6];
	_ =	sdelay $0x3  }
0x34: {  	[smem:$0x3FB6] =	sst s10  }
0x35: {  	s10 =	sld [smem:$0x3FB5];
	_ =	sdelay $0x3  }
0x36: {  	p1 =	seq.s32 s10, $0x1;
	s10 =	sld [smem:$0x3FB6];
	_ =	sdelay $0x3  }
0x37: {  	[smem:$0x3FB6] =	sst s10  }
0x38: {  	s10 =	sld [smem:$0x3FB7]  }
0x39: {  	_ = 	snop;
	(pc) =	sbr.ind lr, $3  }
0x3a: {  	_ = 	snop  }
0x3b: {  	_ = 	snop  }
0x3c: {  	p2 =	seq.s32 s10, $0x1;
	s10 =	sld [smem:$0x3FB6]  }
0x3d: {  	_ =	shalt  }
0x3e: {  	_ =	shalt  }
0x3f: {  	_ =	shalt  }
0x40: {  	_ =	shalt  }
0x41: {  	_ =	shalt  }
0x42: {  	_ =	shalt  }
0x43: {  	_ =	shalt  }
0x44: {  	_ =	shalt  }
0x45: {  	_ =	shalt  }
0x46: {  	_ =	shalt  }
0x47: {  	_ =	shalt  }
0x48: {  	_ =	shalt  }
0x49: {  	_ =	shalt  }
0x4a: {  	_ =	shalt  }
0x4b: {  	_ =	shalt  }
0x4c: {  	_ =	shalt  }
0x4d: {  	_ =	shalt  }
0x4e: {  	_ =	shalt  }
0x4f: {  	_ =	shalt  }
0x50: {  	_ =	shalt  }
0x51: {  	_ =	shalt  }
0x52: {  	_ =	shalt  }
0x53: {  	_ =	shalt  }
0x54: {  	_ =	shalt  }
0x55: {  	_ =	shalt  }
0x56: {  	_ =	shalt  }
0x57: {  	_ =	shalt  }
0x58: {  	_ =	shalt  }
0x59: {  	_ =	shalt  }
0x5a: {  	_ =	shalt  }
0x5b: {  	_ =	shalt  }
0x5c: {  	_ =	shalt  }
0x5d: {  	_ =	shalt  }
0x5e: {  	_ =	shalt  }
0x5f: {  	_ =	shalt  }
0x60: {  	_ =	shalt  }
0x61: {  	_ =	shalt  }
0x62: {  	_ =	shalt  }
0x63: {  	_ =	shalt  }
0x64: {  	_ =	shalt  }
0x65: {  	_ =	shalt  }
0x66: {  	_ =	shalt  }
0x67: {  	_ =	shalt  }
0x68: {  	_ =	shalt  }
0x69: {  	_ =	shalt  }
0x6a: {  	_ =	shalt  }
0x6b: {  	_ =	shalt  }
0x6c: {  	_ =	shalt  }
0x6d: {  	_ =	shalt  }
0x6e: {  	_ =	shalt  }
0x6f: {  	_ =	shalt  }
0x70: {  	_ =	shalt  }
0x71: {  	_ =	shalt  }
0x72: {  	_ =	shalt  }
0x73: {  	_ =	shalt  }
0x74: {  	_ =	shalt  }
0x75: {  	_ =	shalt  }
0x76: {  	_ =	shalt  }
0x77: {  	_ =	shalt  }
0x78: {  	_ =	shalt  }
0x79: {  	_ =	shalt  }
0x7a: {  	_ =	shalt  }
0x7b: {  	_ =	shalt  }
0x7c: {  	_ =	shalt  }
0x7d: {  	_ =	shalt  }
0x7e: {  	_ =	shalt  }
0x7f: {  	_ =	shalt  }
0x80: {  	_ =	shalt  }
0x81: {  	_ =	shalt  }
0x82: {  	_ =	shalt  }
0x83: {  	_ =	shalt  }
0x84: {  	_ =	shalt  }
0x85: {  	_ =	shalt  }
0x86: {  	_ =	shalt  }
0x87: {  	_ =	shalt  }
.Lfunc_end0:
.L_simem_size_0:
called_computation_lowered:
.L_overlay_start_0:
0x88: {  	s2 =	sld [smem:$0x3FD9]  }
0x89: {  	s3 =	sld [smem:$0x3FFE];
	_ =	sdelay $0x1  }
0x8a: {  	s1 =	srdreg.scid  }
0x8b: {  	s0 =	sand.u32 $0x1, s1  }
0x8c: {  	s17 =	sshll.u32 s0, $0xA;
	s2 =	sadd.s32 s3, s2  }
0x8d: {  	s2 =	sadd.s32 s2, s17  }
0x8e: {  	[smem:$0x3FC2] =	sst s2  }
0x8f: {  	_ = 	snop  }
0x90: {  	s2 =	sld [smem:$0x3FD0];
	(tm) =	ssettm $0x1  }
0x91: {  	s18 =	sld [smem:$0x3FFB];
	_ =	sdelay $0x3  }
0x92: {  	_ =	strace s18  }
0x93: {  	s3 =	sld [smem:$0x3FFC];
	_ =	sdelay $0x3  }
0x94: {  	_ =	strace s3  }
0x95: {  	s3 =	sld [smem:$0x3FFD];
	_ =	sdelay $0x3  }
0x96: {  	_ =	strace s3  }
0x97: {  	_ =	strace $0x8FFFFFFF  }
0x98: {  	s19 =	sld [smem:$0x3FDB];
	_ =	sdelay $0x1  }
0x99: {  	s4 =	simm.s32 $_scs_section_size  }
0x9a: {  	s5 =	simm.s32 $_size__tile_overlayer_lowered;
	s6 =	simm.s32 $_tile_overlayer_lowered  }
0x9b: {  	s22 =	simm.s32 $0x1BFF;
	s21 =	sshll.u32 s6, $0x1;
	s3 =	sadd.s32 s4, s19  }
0x9c: {  	s7 =	simm.s32 $0x0;
	s20 =	sshll.u32 s5, $0x1;
	s5 =	sadd.s32 s21, s3  }
0x9d: {  	[timem:s7], [sflag:s22] =	dma.local [hbm:s5], s20  }
0x9e: {  	_ =	swait.ge [sflag:s22], s20  }
0x9f: {  	s4 =	ssub.s32 $0x0, s20;
	[sflag:s22] =	ssyncset.done $0x0  }
0xa0: {  	[sflag:s22] =	ssyncadd.s32 s4;
	_ =	sdelay $0x1  }
0xa1: {  	s23 =	simm.s32 $0x1B8B  }
0xa2: {  	_ =	swait.ge [sflag:s23], $0x1  }
0xa3: {  	[sflag:s23] =	ssyncset.done $0x0  }
0xa4: {  	s25 =	simm.s32 $0x1B8E;
	s24 =	sld [smem:$0x3FFE];
	[sflag:s23] =	ssyncadd.s32 $0xFFFFFFFF  }
0xa5: {  	s26 =	simm.s32 $execute0_lowered;
	[smem:$0x3FD2] =	sst s25  }
0xa6: {  	s5 =	sshll.u32 s26, $0x1;
	_ =	strace $0x80000046;
	[dreg:$0x1] =	wrdreg $0xFFFFFFFF  }
0xa7: {  	s28 =	simm.s32 $_size_execute0_lowered;
	s3 =	sadd.s32 s3, s5;
	[dreg:$0x0] =	wrdreg $0x0  }
0xa8: {  	s5 =	sshll.u32 s28, $0x1;
	[dreg:$0x2] =	wrdreg s3  }
0xa9: {  	[dreg:$0x3] =	wrdreg s5  }
0xaa: {  	[dreg:$0x4] =	wrdreg $0xC0  }
0xab: {  	_ =	task [dreg:s7], $0x5FFFF  }
0xac: {  	[dreg:$0x1] =	wrdreg $0xFFFFFFFF  }
0xad: {  	[dreg:$0x0] =	wrdreg $0x60  }
0xae: {  	[dreg:$0x2] =	wrdreg s24  }
0xaf: {  	[dreg:$0x3] =	wrdreg s2  }
0xb0: {  	[dreg:$0x4] =	wrdreg $0x0  }
0xb1: {  	[dreg:$0x5] =	wrdreg $0x9  }
0xb2: {  	_ =	task.clear_ibuf [dreg:s7], $0x6FFFF;
	_ =	strace $0x90000046  }
0xb3: {  	s29 =	simm.s32 $0x9;
	_ =	strace $0x80000048  }
0xb4: {  	_ =	swait.ge [sflag:s29], $0x1  }
0xb5: {  	[sflag:s29] =	ssyncadd.s32 $0xFFFFFFFF  }
0xb6: {  	_ =	strace $0x90000048  }
0xb7: {  	_ =	sfence  }
0xb8: {  	s30 =	sld [smem:$0x0];
	_ =	sdelay $0x2  }
0xb9: {  	s31 =	sshll.u32 s1, $0xD;
	s1 =	sshrl.u32 s1, $0x2  }
0xba: {  	s3 =	sand.u32 $0x4000, s31;
	s1 =	sadd.s32 s1, s30  }
0xbb: {  	s0 =	sor.u32 s3, s0;
	s1 =	sshll.u32 s1, $0x11  }
0xbc: {  	s0 =	sor.u32 s1, s0  }
0xbd: {  	s0 =	sadd.s32 $0x8F2B, s0  }
0xbe: {  	[sflag:s0] =	ssyncadd.remote.s32 $0x1  }
0xbf: {  	_ =	sfence.sel $0xFFFF  }
0xc0: {  	[dreg:$0x0] =	wrdreg $0xFFFFFFFF;
	(pc) =	sbr.abs _section_cstart, $3  }
0xc1: {  	[dreg:$0x1] =	wrdreg $0xFFFFFFFF  }
0xc2: {  	_ =	task.clear_ibuf [dreg:s7], $0x2FFFF;
	_ =	strace $0x9FFFFFFF  }
0xc3: {  	(tm) =	ssettm $0x7FFFFFFF  }
tec
execute0_lowered:
.L_overlay_start_1:
0x0: {  	(tag) =	ssettag $0x1  }
0x1: {  	s5 =	rddreg [dreg:$0x0]  }
0x2: {  	s9 =	rddreg [dreg:$0x1]  }
0x3: {  	s2 =	rddreg [dreg:$0x2]  }
0x4: {  	s0 =	rddreg [dreg:$0x3];
	s3 =	simm.s32 $0x0;
	s1 =	stileid.u32  }
0x5: {  	s6 =	srdreg.scid;
	s13 =	simm.s32 $0x4280;
	s14 =	simm.s32 $0x280  }
0x6: {  	s15 =	simm.s32 $0x50;
	s16 =	simm.s32 $0x1;
	s17 =	simm.s32 $0x4300  }
0x7: {  	s18 =	simm.s32 $0x4480;
	s19 =	simm.s32 $0x0;
	[smem:$0x7FF] =	sst s3  }
0x8: {  	s4 =	sshll.u32 s1, $0xB;
	s6 =	sand.u32 $0x1, s6;
	s10 =	smul.u32 $0xA00, s1  }
0x9: {  	s30 =	sshll.u32 s1, $0x6;
	_ =	strace $0x80000047;
	s7 =	sadd.s32 s4, s5  }
0xa: {  	s4 =	sadd.s32 $0xA000, s5;
	s8 =	sshll.u32 s6, $0x4;
	s6 =	ssub.s32 $0x2, s6  }
0xb: {  	s5 =	sadd.s32 $0xA200, s5;
	s8 =	sor.u32 s1, s8;
	s11 =	sshrl.u32 s6, $0x1  }
0xc: {  	s10 =	sshrl.u32 s10, $0x2;
	s7 =	sadd.s32 $0x2000, s7;
	s8 =	smul.u32 $0x140, s8  }
0xd: {  	s11 =	ssub.s32 s6, s11;
	s12 =	sadd.s32 s10, s2;
	s6 =	sor.u32 $0x1C02, s30  }
0xe: {  	s10 =	smax.u32 s11, $0x1;
	s11 =	sshrl.u32 s12, $0x3;
	s31 =	sshrl.u32 s8, $0x3  }
0xf: {  	s12 =	simm.s32 $0x2;
	s8 =	sadd.s32 s8, s2;
	s9 =	sadd.s32 s9, s31  }
.LBB2_1:
0x10: {  	[spmem:s11], [sflag:s6] =	dma.local [hbm:s4], $0x50  }
0x11: {  	_ =	swait.ge [sflag:s12], $0x50  }
0x12: {  	[sflag:s12] =	ssyncset.done $0x0  }
0x13: {  	[sflag:s12] =	ssyncadd.s32 $0xFFFFFFB0  }
0x14: {  	[tilespmem:s13], [sflag:$0x2] =	stream.linear.gather [hbm4b:s5+s3], $0x80, $0x38;
	[tilespmem:$0x4600] =	vst v63  }
0x15: {  	_ =	swait.ge [sflag:s12], $0x80  }
0x16: {  	[sflag:s12] =	ssyncset.done $0x0  }
0x17: {  	[sflag:s12] =	ssyncadd.s32 $0xFFFFFF80  }
0x18: {  	[tilespmem:s14], [sflag:$0x2] =	stream.linear.gather [hbm4b:s7+s3], $0x4000, $0x38;
	[tilespmem:$0x4600] =	vst v63  }
0x19: {  	_ =	swait.ge [sflag:s12], $0x4000  }
0x1a: {  	[sflag:s12] =	ssyncset.done $0x0  }
0x1b: {  	[sflag:s12] =	ssyncadd.s32 $0xFFFFC000  }
0x1c: {  	s20 =	simm.s32 $0x280;
	[bflag:$0x0] =	sbarrier.arrive $0xFFFF  }
0x1d: {  	[spmem:s2] =	stream.indirect.scatter.add.f32 [tilespmem:s13], [sflag:$0x1], $0x1, s20, s15, $0xb8;
	[tilespmem:$0x4600] =	vst v63  }
0x1e: {  	s26 =	simm.s32 $0x300  }
0x1f: {  	[spmem:s2] =	stream.indirect.scatter.add.f32 [tilespmem:s13], [sflag:$0x1], $0x1, s26, s15, $0xb8;
	[tilespmem:$0x4600] =	vst v63  }
0x20: {  	s28 =	simm.s32 $0x380  }
0x21: {  	[spmem:s2] =	stream.indirect.scatter.add.f32 [tilespmem:s13], [sflag:$0x1], $0x1, s28, s15, $0xb8;
	[tilespmem:$0x4600] =	vst v63  }
0x22: {  	s29 =	simm.s32 $0x400  }
0x23: {  	[spmem:s2] =	stream.indirect.scatter.add.f32 [tilespmem:s13], [sflag:$0x1], $0x1, s29, s15, $0xb8;
	[tilespmem:$0x4600] =	vst v63  }
0x24: {  	s30 =	simm.s32 $0x480  }
0x25: {  	[spmem:s2] =	stream.indirect.scatter.add.f32 [tilespmem:s13], [sflag:$0x1], $0x1, s30, s15, $0xb8;
	[tilespmem:$0x4600] =	vst v63  }
0x26: {  	s31 =	simm.s32 $0x500  }
0x27: {  	[spmem:s2] =	stream.indirect.scatter.add.f32 [tilespmem:s13], [sflag:$0x1], $0x1, s31, s15, $0xb8;
	[tilespmem:$0x4600] =	vst v63  }
0x28: {  	s21 =	simm.s32 $0x580  }
0x29: {  	[spmem:s2] =	stream.indirect.scatter.add.f32 [tilespmem:s13], [sflag:$0x1], $0x1, s21, s15, $0xb8;
	[tilespmem:$0x4600] =	vst v63  }
0x2a: {  	s22 =	simm.s32 $0x600  }
0x2b: {  	[spmem:s2] =	stream.indirect.scatter.add.f32 [tilespmem:s13], [sflag:$0x1], $0x1, s22, s15, $0xb8;
	[tilespmem:$0x4600] =	vst v63  }
0x2c: {  	s23 =	simm.s32 $0x680  }
0x2d: {  	[spmem:s2] =	stream.indirect.scatter.add.f32 [tilespmem:s13], [sflag:$0x1], $0x1, s23, s15, $0xb8;
	[tilespmem:$0x4600] =	vst v63  }
0x2e: {  	s24 =	simm.s32 $0x700  }
0x2f: {  	[spmem:s2] =	stream.indirect.scatter.add.f32 [tilespmem:s13], [sflag:$0x1], $0x1, s24, s15, $0xb8;
	[tilespmem:$0x4600] =	vst v63  }
0x30: {  	s25 =	simm.s32 $0x780  }
0x31: {  	[spmem:s2] =	stream.indirect.scatter.add.f32 [tilespmem:s13], [sflag:$0x1], $0x1, s25, s15, $0xb8;
	[tilespmem:$0x4600] =	vst v63  }
0x32: {  	s26 =	simm.s32 $0x800  }
0x33: {  	[spmem:s2] =	stream.indirect.scatter.add.f32 [tilespmem:s13], [sflag:$0x1], $0x1, s26, s15, $0xb8;
	[tilespmem:$0x4600] =	vst v63  }
0x34: {  	s28 =	simm.s32 $0x880  }
0x35: {  	[spmem:s2] =	stream.indirect.scatter.add.f32 [tilespmem:s13], [sflag:$0x1], $0x1, s28, s15, $0xb8;
	[tilespmem:$0x4600] =	vst v63  }
0x36: {  	s29 =	simm.s32 $0x900  }
0x37: {  	[spmem:s2] =	stream.indirect.scatter.add.f32 [tilespmem:s13], [sflag:$0x1], $0x1, s29, s15, $0xb8;
	[tilespmem:$0x4600] =	vst v63  }
0x38: {  	s30 =	simm.s32 $0x980  }
0x39: {  	[spmem:s2] =	stream.indirect.scatter.add.f32 [tilespmem:s13], [sflag:$0x1], $0x1, s30, s15, $0xb8;
	[tilespmem:$0x4600] =	vst v63  }
0x3a: {  	s31 =	simm.s32 $0xA00  }
0x3b: {  	[spmem:s2] =	stream.indirect.scatter.add.f32 [tilespmem:s13], [sflag:$0x1], $0x1, s31, s15, $0xb8;
	[tilespmem:$0x4600] =	vst v63  }
0x3c: {  	_ =	swait.ge [sflag:s16], $0x50  }
0x3d: {  	[sflag:s16] =	ssyncset.done $0x0  }
0x3e: {  	[sflag:s16] =	ssyncadd.s32 $0xFFFFFFB0  }
0x3f: {  	_ =	swait.ge [sflag:s16], $0x50  }
0x40: {  	[sflag:s16] =	ssyncset.done $0x0  }
0x41: {  	[sflag:s16] =	ssyncadd.s32 $0xFFFFFFB0  }
0x42: {  	_ =	swait.ge [sflag:s16], $0x50  }
0x43: {  	[sflag:s16] =	ssyncset.done $0x0  }
0x44: {  	[sflag:s16] =	ssyncadd.s32 $0xFFFFFFB0  }
0x45: {  	_ =	swait.ge [sflag:s16], $0x50  }
0x46: {  	[sflag:s16] =	ssyncset.done $0x0  }
0x47: {  	[sflag:s16] =	ssyncadd.s32 $0xFFFFFFB0  }
0x48: {  	_ =	swait.ge [sflag:s16], $0x50  }
0x49: {  	[sflag:s16] =	ssyncset.done $0x0  }
0x4a: {  	[sflag:s16] =	ssyncadd.s32 $0xFFFFFFB0  }
0x4b: {  	_ =	swait.ge [sflag:s16], $0x50  }
0x4c: {  	[sflag:s16] =	ssyncset.done $0x0  }
0x4d: {  	[sflag:s16] =	ssyncadd.s32 $0xFFFFFFB0  }
0x4e: {  	_ =	swait.ge [sflag:s16], $0x50  }
0x4f: {  	[sflag:s16] =	ssyncset.done $0x0  }
0x50: {  	[sflag:s16] =	ssyncadd.s32 $0xFFFFFFB0  }
0x51: {  	_ =	swait.ge [sflag:s16], $0x50  }
0x52: {  	[sflag:s16] =	ssyncset.done $0x0  }
0x53: {  	[sflag:s16] =	ssyncadd.s32 $0xFFFFFFB0  }
0x54: {  	_ =	swait.ge [sflag:s16], $0x50  }
0x55: {  	[sflag:s16] =	ssyncset.done $0x0  }
0x56: {  	[sflag:s16] =	ssyncadd.s32 $0xFFFFFFB0  }
0x57: {  	_ =	swait.ge [sflag:s16], $0x50  }
0x58: {  	[sflag:s16] =	ssyncset.done $0x0  }
0x59: {  	[sflag:s16] =	ssyncadd.s32 $0xFFFFFFB0  }
0x5a: {  	_ =	swait.ge [sflag:s16], $0x50  }
0x5b: {  	[sflag:s16] =	ssyncset.done $0x0  }
0x5c: {  	[sflag:s16] =	ssyncadd.s32 $0xFFFFFFB0  }
0x5d: {  	_ =	swait.ge [sflag:s16], $0x50  }
0x5e: {  	[sflag:s16] =	ssyncset.done $0x0  }
0x5f: {  	[sflag:s16] =	ssyncadd.s32 $0xFFFFFFB0  }
0x60: {  	_ =	swait.ge [sflag:s16], $0x50  }
0x61: {  	[sflag:s16] =	ssyncset.done $0x0  }
0x62: {  	[sflag:s16] =	ssyncadd.s32 $0xFFFFFFB0  }
0x63: {  	_ =	swait.ge [sflag:s16], $0x50  }
0x64: {  	[sflag:s16] =	ssyncset.done $0x0  }
0x65: {  	[sflag:s16] =	ssyncadd.s32 $0xFFFFFFB0  }
0x66: {  	_ =	swait.ge [sflag:s16], $0x50  }
0x67: {  	[sflag:s16] =	ssyncset.done $0x0  }
0x68: {  	[sflag:s16] =	ssyncadd.s32 $0xFFFFFFB0  }
0x69: {  	_ =	swait.ge [sflag:s16], $0x50  }
0x6a: {  	s22 =	simm.s32 $0x800;
	s23 =	simm.s32 $0x4000;
	[sflag:s16] =	ssyncset.done $0x0  }
.LBB2_2:
0x6b: {  	s24 =	sadd.s32 $0x280, s22  }
0x6c: {  	[sflag:s16] =	ssyncadd.s32 $0xFFFFFFB0;
	s21 =	smov.u32 s23;
	s20 =	sadd.s32 $0x2000, s23  }
0x6d: {  	[spmem:s2] =	stream.indirect.scatter.add.f32 [tilespmem:s13], [sflag:$0x1], $0x1, s24, s15, $0xb8;
	[tilespmem:$0x4600] =	vst v63  }
0x6e: {  	p0 =	sne.s32 s23, $0xE000;
	s23 =	sadd.s32 $0x300, s22  }
0x6f: {  	[spmem:s2] =	stream.indirect.scatter.add.f32 [tilespmem:s13], [sflag:$0x1], $0x1, s23, s15, $0xb8;
	[tilespmem:$0x4600] =	vst v63  }
0x70: {  	s23 =	sadd.s32 $0x380, s22  }
0x71: {  	[spmem:s2] =	stream.indirect.scatter.add.f32 [tilespmem:s13], [sflag:$0x1], $0x1, s23, s15, $0xb8;
	[tilespmem:$0x4600] =	vst v63  }
0x72: {  	s23 =	sadd.s32 $0x400, s22  }
0x73: {  	[spmem:s2] =	stream.indirect.scatter.add.f32 [tilespmem:s13], [sflag:$0x1], $0x1, s23, s15, $0xb8;
	[tilespmem:$0x4600] =	vst v63  }
0x74: {  	s23 =	sadd.s32 $0x480, s22  }
0x75: {  	[spmem:s2] =	stream.indirect.scatter.add.f32 [tilespmem:s13], [sflag:$0x1], $0x1, s23, s15, $0xb8;
	[tilespmem:$0x4600] =	vst v63  }
0x76: {  	s23 =	sadd.s32 $0x500, s22  }
0x77: {  	[spmem:s2] =	stream.indirect.scatter.add.f32 [tilespmem:s13], [sflag:$0x1], $0x1, s23, s15, $0xb8;
	[tilespmem:$0x4600] =	vst v63  }
0x78: {  	s23 =	sadd.s32 $0x580, s22  }
0x79: {  	[spmem:s2] =	stream.indirect.scatter.add.f32 [tilespmem:s13], [sflag:$0x1], $0x1, s23, s15, $0xb8;
	[tilespmem:$0x4600] =	vst v63  }
0x7a: {  	s23 =	sadd.s32 $0x600, s22  }
0x7b: {  	[spmem:s2] =	stream.indirect.scatter.add.f32 [tilespmem:s13], [sflag:$0x1], $0x1, s23, s15, $0xb8;
	[tilespmem:$0x4600] =	vst v63  }
0x7c: {  	s23 =	sadd.s32 $0x680, s22  }
0x7d: {  	[spmem:s2] =	stream.indirect.scatter.add.f32 [tilespmem:s13], [sflag:$0x1], $0x1, s23, s15, $0xb8;
	[tilespmem:$0x4600] =	vst v63  }
0x7e: {  	s23 =	sadd.s32 $0x700, s22  }
0x7f: {  	[spmem:s2] =	stream.indirect.scatter.add.f32 [tilespmem:s13], [sflag:$0x1], $0x1, s23, s15, $0xb8;
	[tilespmem:$0x4600] =	vst v63  }
0x80: {  	s23 =	sadd.s32 $0x780, s22  }
0x81: {  	[spmem:s2] =	stream.indirect.scatter.add.f32 [tilespmem:s13], [sflag:$0x1], $0x1, s23, s15, $0xb8;
	[tilespmem:$0x4600] =	vst v63  }
0x82: {  	s23 =	sadd.s32 $0x800, s22  }
0x83: {  	[spmem:s2] =	stream.indirect.scatter.add.f32 [tilespmem:s13], [sflag:$0x1], $0x1, s23, s15, $0xb8;
	[tilespmem:$0x4600] =	vst v63  }
0x84: {  	s23 =	sadd.s32 $0x880, s22  }
0x85: {  	[spmem:s2] =	stream.indirect.scatter.add.f32 [tilespmem:s13], [sflag:$0x1], $0x1, s23, s15, $0xb8;
	[tilespmem:$0x4600] =	vst v63  }
0x86: {  	s23 =	sadd.s32 $0x900, s22  }
0x87: {  	[spmem:s2] =	stream.indirect.scatter.add.f32 [tilespmem:s13], [sflag:$0x1], $0x1, s23, s15, $0xb8;
	[tilespmem:$0x4600] =	vst v63  }
0x88: {  	s23 =	sadd.s32 $0x980, s22  }
0x89: {  	[spmem:s2] =	stream.indirect.scatter.add.f32 [tilespmem:s13], [sflag:$0x1], $0x1, s23, s15, $0xb8;
	[tilespmem:$0x4600] =	vst v63  }
0x8a: {  	s22 =	sadd.s32 $0xA00, s22  }
0x8b: {  	[spmem:s2] =	stream.indirect.scatter.add.f32 [tilespmem:s13], [sflag:$0x1], $0x1, s22, s15, $0xb8;
	[tilespmem:$0x4600] =	vst v63  }
0x8c: {  	_ =	swait.ge [sflag:s16], $0x50  }
0x8d: {  	[sflag:s16] =	ssyncset.done $0x0  }
0x8e: {  	[sflag:s16] =	ssyncadd.s32 $0xFFFFFFB0  }
0x8f: {  	_ =	swait.ge [sflag:s16], $0x50  }
0x90: {  	[sflag:s16] =	ssyncset.done $0x0  }
0x91: {  	[sflag:s16] =	ssyncadd.s32 $0xFFFFFFB0  }
0x92: {  	_ =	swait.ge [sflag:s16], $0x50  }
0x93: {  	[sflag:s16] =	ssyncset.done $0x0  }
0x94: {  	[sflag:s16] =	ssyncadd.s32 $0xFFFFFFB0  }
0x95: {  	_ =	swait.ge [sflag:s16], $0x50  }
0x96: {  	[sflag:s16] =	ssyncset.done $0x0  }
0x97: {  	[sflag:s16] =	ssyncadd.s32 $0xFFFFFFB0  }
0x98: {  	_ =	swait.ge [sflag:s16], $0x50  }
0x99: {  	[sflag:s16] =	ssyncset.done $0x0  }
0x9a: {  	[sflag:s16] =	ssyncadd.s32 $0xFFFFFFB0  }
0x9b: {  	_ =	swait.ge [sflag:s16], $0x50  }
0x9c: {  	[sflag:s16] =	ssyncset.done $0x0  }
0x9d: {  	[sflag:s16] =	ssyncadd.s32 $0xFFFFFFB0  }
0x9e: {  	_ =	swait.ge [sflag:s16], $0x50  }
0x9f: {  	[sflag:s16] =	ssyncset.done $0x0  }
0xa0: {  	[sflag:s16] =	ssyncadd.s32 $0xFFFFFFB0  }
0xa1: {  	_ =	swait.ge [sflag:s16], $0x50  }
0xa2: {  	[sflag:s16] =	ssyncset.done $0x0  }
0xa3: {  	[sflag:s16] =	ssyncadd.s32 $0xFFFFFFB0  }
0xa4: {  	_ =	swait.ge [sflag:s16], $0x50  }
0xa5: {  	[sflag:s16] =	ssyncset.done $0x0  }
0xa6: {  	[sflag:s16] =	ssyncadd.s32 $0xFFFFFFB0  }
0xa7: {  	_ =	swait.ge [sflag:s16], $0x50  }
0xa8: {  	[sflag:s16] =	ssyncset.done $0x0  }
0xa9: {  	[sflag:s16] =	ssyncadd.s32 $0xFFFFFFB0  }
0xaa: {  	_ =	swait.ge [sflag:s16], $0x50  }
0xab: {  	[sflag:s16] =	ssyncset.done $0x0  }
0xac: {  	[sflag:s16] =	ssyncadd.s32 $0xFFFFFFB0  }
0xad: {  	_ =	swait.ge [sflag:s16], $0x50  }
0xae: {  	[sflag:s16] =	ssyncset.done $0x0  }
0xaf: {  	[sflag:s16] =	ssyncadd.s32 $0xFFFFFFB0  }
0xb0: {  	_ =	swait.ge [sflag:s16], $0x50  }
0xb1: {  	[sflag:s16] =	ssyncset.done $0x0  }
0xb2: {  	[sflag:s16] =	ssyncadd.s32 $0xFFFFFFB0  }
0xb3: {  	_ =	swait.ge [sflag:s16], $0x50  }
0xb4: {  	[sflag:s16] =	ssyncset.done $0x0  }
0xb5: {  	[sflag:s16] =	ssyncadd.s32 $0xFFFFFFB0  }
.Ltmp0:
0xb6: {  	_ =	swait.ge [sflag:s16], $0x50;
	(pc) =	sbr.rel @p0 .LBB2_2-.Ltmp0, $4  }
0xb7: {  	[sflag:s16] =	ssyncset.done $0x0  }
0xb8: {  	[sflag:s16] =	ssyncadd.s32 $0xFFFFFFB0  }
0xb9: {  	_ =	swait.ge [sflag:s16], $0x50  }
0xba: {  	s23 =	smov.u32 s20;
	s22 =	sshra.s32 s21, $0x2;
	[sflag:s16] =	ssyncset.done $0x0  }
0xbb: {  	s20 =	sadd.s32 $0x280, s22;
	[sflag:s16] =	ssyncadd.s32 $0xFFFFFFB0  }
0xbc: {  	[spmem:s2] =	stream.indirect.scatter.add.f32 [tilespmem:s13], [sflag:$0x1], $0x1, s20, s15, $0xb8;
	[tilespmem:$0x4600] =	vst v63  }
0xbd: {  	s25 =	sadd.s32 $0x300, s22  }
0xbe: {  	[spmem:s2] =	stream.indirect.scatter.add.f32 [tilespmem:s13], [sflag:$0x1], $0x1, s25, s15, $0xb8;
	[tilespmem:$0x4600] =	vst v63  }
0xbf: {  	s26 =	sadd.s32 $0x380, s22  }
0xc0: {  	[spmem:s2] =	stream.indirect.scatter.add.f32 [tilespmem:s13], [sflag:$0x1], $0x1, s26, s15, $0xb8;
	[tilespmem:$0x4600] =	vst v63  }
0xc1: {  	s28 =	sadd.s32 $0x400, s22  }
0xc2: {  	[spmem:s2] =	stream.indirect.scatter.add.f32 [tilespmem:s13], [sflag:$0x1], $0x1, s28, s15, $0xb8;
	[tilespmem:$0x4600] =	vst v63  }
0xc3: {  	s29 =	sadd.s32 $0x480, s22  }
0xc4: {  	[spmem:s2] =	stream.indirect.scatter.add.f32 [tilespmem:s13], [sflag:$0x1], $0x1, s29, s15, $0xb8;
	[tilespmem:$0x4600] =	vst v63  }
0xc5: {  	s30 =	sadd.s32 $0x500, s22  }
0xc6: {  	[spmem:s2] =	stream.indirect.scatter.add.f32 [tilespmem:s13], [sflag:$0x1], $0x1, s30, s15, $0xb8;
	[tilespmem:$0x4600] =	vst v63  }
0xc7: {  	s31 =	sadd.s32 $0x580, s22  }
0xc8: {  	[spmem:s2] =	stream.indirect.scatter.add.f32 [tilespmem:s13], [sflag:$0x1], $0x1, s31, s15, $0xb8;
	[tilespmem:$0x4600] =	vst v63  }
0xc9: {  	s21 =	sadd.s32 $0x600, s22  }
0xca: {  	[spmem:s2] =	stream.indirect.scatter.add.f32 [tilespmem:s13], [sflag:$0x1], $0x1, s21, s15, $0xb8;
	[tilespmem:$0x4600] =	vst v63  }
0xcb: {  	s23 =	sadd.s32 $0x680, s22  }
0xcc: {  	[spmem:s2] =	stream.indirect.scatter.add.f32 [tilespmem:s13], [sflag:$0x1], $0x1, s23, s15, $0xb8;
	[tilespmem:$0x4600] =	vst v63  }
0xcd: {  	s24 =	sadd.s32 $0x700, s22  }
0xce: {  	[spmem:s2] =	stream.indirect.scatter.add.f32 [tilespmem:s13], [sflag:$0x1], $0x1, s24, s15, $0xb8;
	[tilespmem:$0x4600] =	vst v63  }
0xcf: {  	s25 =	sadd.s32 $0x780, s22  }
0xd0: {  	[spmem:s2] =	stream.indirect.scatter.add.f32 [tilespmem:s13], [sflag:$0x1], $0x1, s25, s15, $0xb8;
	[tilespmem:$0x4600] =	vst v63  }
0xd1: {  	s26 =	sadd.s32 $0x800, s22  }
0xd2: {  	[spmem:s2] =	stream.indirect.scatter.add.f32 [tilespmem:s13], [sflag:$0x1], $0x1, s26, s15, $0xb8;
	[tilespmem:$0x4600] =	vst v63  }
0xd3: {  	s28 =	sadd.s32 $0x880, s22  }
0xd4: {  	[spmem:s2] =	stream.indirect.scatter.add.f32 [tilespmem:s13], [sflag:$0x1], $0x1, s28, s15, $0xb8;
	[tilespmem:$0x4600] =	vst v63  }
0xd5: {  	s29 =	sadd.s32 $0x900, s22  }
0xd6: {  	[spmem:s2] =	stream.indirect.scatter.add.f32 [tilespmem:s13], [sflag:$0x1], $0x1, s29, s15, $0xb8;
	[tilespmem:$0x4600] =	vst v63  }
0xd7: {  	s30 =	sadd.s32 $0x980, s22  }
0xd8: {  	[spmem:s2] =	stream.indirect.scatter.add.f32 [tilespmem:s13], [sflag:$0x1], $0x1, s30, s15, $0xb8;
	[tilespmem:$0x4600] =	vst v63  }
0xd9: {  	s31 =	sadd.s32 $0xA00, s22  }
0xda: {  	[spmem:s2] =	stream.indirect.scatter.add.f32 [tilespmem:s13], [sflag:$0x1], $0x1, s31, s15, $0xb8;
	[tilespmem:$0x4600] =	vst v63  }
0xdb: {  	_ =	swait.ge [sflag:s16], $0x50  }
0xdc: {  	[sflag:s16] =	ssyncset.done $0x0  }
0xdd: {  	[sflag:s16] =	ssyncadd.s32 $0xFFFFFFB0  }
0xde: {  	_ =	swait.ge [sflag:s16], $0x50  }
0xdf: {  	[sflag:s16] =	ssyncset.done $0x0  }
0xe0: {  	[sflag:s16] =	ssyncadd.s32 $0xFFFFFFB0  }
0xe1: {  	_ =	swait.ge [sflag:s16], $0x50  }
0xe2: {  	[sflag:s16] =	ssyncset.done $0x0  }
0xe3: {  	[sflag:s16] =	ssyncadd.s32 $0xFFFFFFB0  }
0xe4: {  	_ =	swait.ge [sflag:s16], $0x50  }
0xe5: {  	[sflag:s16] =	ssyncset.done $0x0  }
0xe6: {  	[sflag:s16] =	ssyncadd.s32 $0xFFFFFFB0  }
0xe7: {  	_ =	swait.ge [sflag:s16], $0x50  }
0xe8: {  	[sflag:s16] =	ssyncset.done $0x0  }
0xe9: {  	[sflag:s16] =	ssyncadd.s32 $0xFFFFFFB0  }
0xea: {  	_ =	swait.ge [sflag:s16], $0x50  }
0xeb: {  	[sflag:s16] =	ssyncset.done $0x0  }
0xec: {  	[sflag:s16] =	ssyncadd.s32 $0xFFFFFFB0  }
0xed: {  	_ =	swait.ge [sflag:s16], $0x50  }
0xee: {  	[sflag:s16] =	ssyncset.done $0x0  }
0xef: {  	[sflag:s16] =	ssyncadd.s32 $0xFFFFFFB0  }
0xf0: {  	_ =	swait.ge [sflag:s16], $0x50  }
0xf1: {  	[sflag:s16] =	ssyncset.done $0x0  }
0xf2: {  	[sflag:s16] =	ssyncadd.s32 $0xFFFFFFB0  }
0xf3: {  	_ =	swait.ge [sflag:s16], $0x50  }
0xf4: {  	[sflag:s16] =	ssyncset.done $0x0  }
0xf5: {  	[sflag:s16] =	ssyncadd.s32 $0xFFFFFFB0  }
0xf6: {  	_ =	swait.ge [sflag:s16], $0x50  }
0xf7: {  	[sflag:s16] =	ssyncset.done $0x0  }
0xf8: {  	[sflag:s16] =	ssyncadd.s32 $0xFFFFFFB0  }
0xf9: {  	_ =	swait.ge [sflag:s16], $0x50  }
0xfa: {  	[sflag:s16] =	ssyncset.done $0x0  }
0xfb: {  	[sflag:s16] =	ssyncadd.s32 $0xFFFFFFB0  }
0xfc: {  	_ =	swait.ge [sflag:s16], $0x50  }
0xfd: {  	[sflag:s16] =	ssyncset.done $0x0  }
0xfe: {  	[sflag:s16] =	ssyncadd.s32 $0xFFFFFFB0  }
0xff: {  	_ =	swait.ge [sflag:s16], $0x50  }
0x100: {  	[sflag:s16] =	ssyncset.done $0x0  }
0x101: {  	[sflag:s16] =	ssyncadd.s32 $0xFFFFFFB0  }
0x102: {  	_ =	swait.ge [sflag:s16], $0x50  }
0x103: {  	[sflag:s16] =	ssyncset.done $0x0  }
0x104: {  	[sflag:s16] =	ssyncadd.s32 $0xFFFFFFB0  }
0x105: {  	_ =	swait.ge [sflag:s16], $0x50  }
0x106: {  	[sflag:s16] =	ssyncset.done $0x0  }
0x107: {  	[sflag:s16] =	ssyncadd.s32 $0xFFFFFFB0  }
0x108: {  	_ =	swait.ge [sflag:s16], $0x50  }
0x109: {  	[sflag:s16] =	ssyncset.done $0x0  }
0x10a: {  	[sflag:s16] =	ssyncadd.s32 $0xFFFFFFB0  }
0x10b: {  	[bflag:$0x0] =	sbarrier.arrive $0xFFFF  }
0x10c: {  	[tilespmem:s17], [sflag:$0x2] =	stream.linear.gather [spmem:s8], $0x140, $0x38;
	[tilespmem:$0x4600] =	vst v63  }
0x10d: {  	_ =	swait.ge [sflag:s12], $0x140  }
0x10e: {  	[sflag:s12] =	ssyncset.done $0x0  }
0x10f: {  	s21 =	simm.s32 $0x0;
	[sflag:s12] =	ssyncadd.s32 $0xFFFFFEC0  }
0x110: {  	v0 =	vld [tilespmem:s21+$0x4300];
	_ =	sdelay $0x4  }
0x111: {  	s20 =	simm.s32 $0x10;
	v0 =	vmax.f32 v0, $1.000000000e+00  }
0x112: {  	v1 =	vld [tilespmem:s20+$0x4300];
	v2 =	vshra.s32 v0, $0x1;
	v6 =	vmul.f32 $5.000000000e-01, v0  }
0x113: {  	v2 =	vsub.s32 $0x5F3759DF, v2  }
0x114: {  	v0 =	vmul.f32 v2, v6;
	_ =	sdelay $0x1  }
0x115: {  	s22 =	simm.s32 $0x20;
	v3 =	vmul.f32 v2, v0  }
0x116: {  	v0 =	vmax.f32 v1, $1.000000000e+00;
	v1 =	vld [tilespmem:s22+$0x4300]  }
0x117: {  	v4 =	vshra.s32 v0, $0x1;
	v0 =	vmul.f32 $5.000000000e-01, v0;
	v3 =	vsub.f32 $1.500000000e+00, v3  }
0x118: {  	v4 =	vsub.s32 $0x5F3759DF, v4  }
0x119: {  	v5 =	vmul.f32 v4, v0;
	v3 =	vmul.f32 v2, v3;
	_ =	sdelay $0x1  }
0x11a: {  	s23 =	simm.s32 $0x30;
	v1 =	vmax.f32 v1, $1.000000000e+00;
	v5 =	vmul.f32 v4, v5;
	v7 =	vmul.f32 v3, v6  }
0x11b: {  	v8 =	vld [tilespmem:s23+$0x4300];
	v9 =	vshra.s32 v1, $0x1;
	v2 =	vmul.f32 $5.000000000e-01, v1  }
0x11c: {  	v1 =	vsub.f32 $1.500000000e+00, v5;
	v5 =	vmul.f32 v7, v3;
	v7 =	vsub.s32 $0x5F3759DF, v9  }
0x11d: {  	v9 =	vmul.f32 v7, v2  }
0x11e: {  	v4 =	vmul.f32 v4, v1;
	v1 =	vsub.f32 $1.500000000e+00, v5  }
0x11f: {  	v5 =	vmul.f32 v7, v9  }
0x120: {  	s24 =	simm.s32 $0x40;
	v8 =	vmax.f32 v8, $1.000000000e+00;
	v9 =	vmul.f32 v4, v0;
	v1 =	vmul.f32 v1, v3  }
0x121: {  	v10 =	vshra.s32 v8, $0x1;
	v3 =	vmul.f32 $5.000000000e-01, v8;
	v8 =	vld [tilespmem:s24+$0x4300];
	v11 =	vsub.f32 $1.500000000e+00, v5  }
0x122: {  	v9 =	vmul.f32 v9, v4;
	v5 =	vsub.s32 $0x5F3759DF, v10;
	v12 =	vmul.f32 v1, v6  }
0x123: {  	v10 =	vmul.f32 v5, v3  }
0x124: {  	s25 =	simm.s32 $0x140;
	v6 =	vmul.f32 v7, v11;
	v9 =	vsub.f32 $1.500000000e+00, v9;
	v7 =	vmul.f32 v12, v1  }
.LBB2_4:
0x125: {  	s26 =	smov.u32 s23  }
0x126: {  	v11 =	vmax.f32 v8, $1.000000000e+00;
	v10 =	vmul.f32 v5, v10;
	v12 =	vmul.f32 v6, v2;
	s23 =	smov.u32 s24;
	s24 =	sshra.s32 s25, $0x2;
	p0 =	sne.s32 s25, $0x4C0  }
.Ltmp1:
0x127: {  	v8 =	vld [tilespmem:s24+$0x4300];
	v13 =	vshra.s32 v11, $0x1;
	v9 =	vmul.f32 v9, v4;
	v7 =	vsub.f32 $1.500000000e+00, v7;
	v4 =	vmovc v6;
	(pc) =	sbr.rel @p0 .LBB2_4-.Ltmp1, $4  }
0x128: {  	s25 =	sadd.s32 $0x40, s25;
	v11 =	vmul.f32 $5.000000000e-01, v11;
	v6 =	vsub.f32 $1.500000000e+00, v10;
	v12 =	vmul.f32 v12, v4  }
0x129: {  	v13 =	vsub.s32 $0x5F3759DF, v13;
	v14 =	vmul.f32 v9, v0;
	v15 =	vmul.f32 v7, v1;
	v1 =	vmovc v9;
	v0 =	vmovc v2  }
0x12a: {  	v10 =	vmul.f32 v13, v11;
	v2 =	vmovc v3;
	v3 =	vmovc v11;
	v6 =	vmul.f32 v5, v6;
	v5 =	vmov v13  }
0x12b: {  	v9 =	vsub.f32 $1.500000000e+00, v12;
	v7 =	vmul.f32 v14, v1;
	[tilespmem:s21+$0x4480] =	vst v15;
	s21 =	smov.u32 s20;
	s20 =	smov.u32 s22;
	s22 =	smov.u32 s26  }
0x12c: {  	v8 =	vmax.f32 v8, $1.000000000e+00  }
0x12d: {  	v11 =	vshra.s32 v8, $0x1;
	v8 =	vmul.f32 $5.000000000e-01, v8  }
0x12e: {  	v11 =	vsub.s32 $0x5F3759DF, v11  }
0x12f: {  	v12 =	vmul.f32 v11, v8  }
0x130: {  	v10 =	vmul.f32 v5, v10  }
0x131: {  	v12 =	vmul.f32 v11, v12  }
0x132: {  	v10 =	vsub.f32 $1.500000000e+00, v10  }
0x133: {  	v12 =	vsub.f32 $1.500000000e+00, v12  }
0x134: {  	v50 =	vmul.f32 v5, v10  }
0x135: {  	v51 =	vmul.f32 v6, v2;
	v11 =	vmul.f32 v11, v12  }
0x136: {  	v52 =	vmul.f32 v50, v3  }
0x137: {  	v10 =	vmul.f32 v51, v6;
	v13 =	vmul.f32 v11, v8  }
0x138: {  	v12 =	vmul.f32 v52, v50  }
0x139: {  	v10 =	vsub.f32 $1.500000000e+00, v10;
	v13 =	vmul.f32 v13, v11  }
0x13a: {  	v4 =	vmul.f32 v9, v4;
	v53 =	vsub.f32 $1.500000000e+00, v12  }
0x13b: {  	v54 =	vmul.f32 v10, v6;
	v55 =	vsub.f32 $1.500000000e+00, v13  }
0x13c: {  	v0 =	vmul.f32 v4, v0;
	v5 =	vmul.f32 v53, v50  }
0x13d: {  	v56 =	vmul.f32 v54, v2;
	v57 =	vmul.f32 v55, v11  }
0x13e: {  	v0 =	vmul.f32 v0, v4;
	v58 =	vmul.f32 v5, v3  }
0x13f: {  	v7 =	vsub.f32 $1.500000000e+00, v7;
	v2 =	vmul.f32 v56, v54;
	v8 =	vmul.f32 v57, v8  }
0x140: {  	v0 =	vsub.f32 $1.500000000e+00, v0;
	v3 =	vmul.f32 v58, v5  }
0x141: {  	v1 =	vmul.f32 v7, v1;
	v2 =	vsub.f32 $1.500000000e+00, v2;
	v59 =	vmul.f32 v8, v57  }
0x142: {  	v0 =	vmul.f32 v0, v4;
	v3 =	vsub.f32 $1.500000000e+00, v3  }
0x143: {  	[tilespmem:s21+$0x4480] =	vst v1;
	v60 =	vmul.f32 v2, v54;
	v61 =	vsub.f32 $1.500000000e+00, v59  }
0x144: {  	[tilespmem:s20+$0x4480] =	vst v0;
	v62 =	vmul.f32 v3, v5  }
0x145: {  	s19 =	sadd.s32 $0x1, s19;
	[tilespmem:s22+$0x4480] =	vst v60;
	v63 =	vmul.f32 v61, v57  }
0x146: {  	p0 =	sne.s32 s19, s10;
	[tilespmem:s23+$0x4480] =	vst v62  }
.Ltmp2:
0x147: {  	[tilespmem:s24+$0x4480] =	vst v63;
	(pc) =	sbr.rel @p0 .LBB2_1-.Ltmp2, $4  }
0x148: {  	[hbm4b:s9+s3] =	stream.linear.scatter [tilespmem:s18], [sflag:$0x2], $0x140, $0x38;
	[tilespmem:$0x4600] =	vst v63  }
0x149: {  	_ =	swait.ge [sflag:s12], $0x140  }
0x14a: {  	[sflag:s12] =	ssyncset.done $0x0  }
0x14b: {  	[sflag:s12] =	ssyncadd.s32 $0xFFFFFEC0  }
0x14c: {  	_ =	sfence.sel $0x180000  }
0x14d: {  	[bflag:$0x0] =	sbarrier.arrive $0xFFFF  }
0x14e: {  	p0 =	sne.s32 s1, $0x0;
	_ =	strace $0x90000047  }
0x14f: {  	s0 =	sadd.s32 @!p0 $0x100000, s0;
	[bflag:$0x2] =	sbarrier.arrive $0xFFFF  }
0x150: {  	[sflag:s0] =	ssyncadd.tile.s32 @!p0 $0x1;
	_ =	shalt  }
.Lfunc_end2:
_tile_overlayer_lowered:
.L_overlay_start_2:
0x151: {  	(tag) =	ssettag $0x2  }
0x152: {  	s0 =	rddreg [dreg:$0x0];
	s2 =	stileid.u32  }
0x153: {  	s1 =	rddreg [dreg:$0x1];
	p0 =	sne.s32 s2, $0x0  }
0x154: {  	s3 =	rddreg [dreg:$0x2];
	[bflag:$0x3] =	sbarrier.arrive $0xFFFF;
	s2 =	simm.s32 @!p0 $0x1C02  }
0x155: {  	[timem:s3], [sflag:s2] =	dma.local @!p0 [hbm:s0], s1  }
0x156: {  	s0 =	simm.s32 @!p0 $0x2  }
0x157: {  	_ =	swait.ge @!p0 [sflag:s0], s1  }
0x158: {  	s1 =	ssub.s32 @!p0 $0x0, s1;
	[sflag:s0] =	ssyncset.done @!p0 $0x0  }
0x159: {  	[sflag:s0] =	ssyncadd.s32 @!p0 s1  }
0x15a: {  	[bflag:$0x3] =	sbarrier.arrive $0xFFFF  }
0x15b: {  	_ =	shalt  }

</sc_bundles>
